<compile_context>
chip_gen: v7x
topology: tpu7x:2x2x1
jax: 0.10.2.dev20260603
libtpu: 0.0.44.dev20260713+nightly
codegen_flags: <defaults>
</compile_context>

<pallas_src>
import functools
import math

import jax
import jax.numpy as jnp
from jax import lax
from jax.experimental import pallas as pl
from jax.experimental.pallas import tpu as pltpu
from jax.experimental.pallas import tpu_sc as plsc

S = 2048
HID = 1024
NH, NKV, HD = 16, 4, 64
E, TOPK, FFN = 8, 2, 512
SI = 1024
EPS = 1e-6
A = S * TOPK

BT1 = 256
BQ = 512
BK = 512
BT3 = 256
BTF = 128
NB = 40
NPAD = NB * BTF
BTS = 256

NEG = -1e30


def _rope_pair(x, cos, sin, nheads):
    outs = []
    for h in range(nheads):
        xh = x[:, h * HD:(h + 1) * HD]
        rot = jnp.concatenate([-xh[:, HD // 2:], xh[:, :HD // 2]], axis=1)
        outs.append(xh * cos + rot * sin)
    return outs


def _qkv_body(h_ref, ln_ref, wq_ref, wk_ref, wv_ref, cos_ref, sin_ref,
              q_out, k_out, v_out):
    x = h_ref[...]
    var = jnp.mean(x * x, axis=-1, keepdims=True)
    xn = x * (1.0 / jnp.sqrt(var + EPS)) * ln_ref[...]
    q = jnp.dot(xn, wq_ref[...], preferred_element_type=jnp.float32)
    k = jnp.dot(xn, wk_ref[...], preferred_element_type=jnp.float32)
    v = jnp.dot(xn, wv_ref[...], preferred_element_type=jnp.float32)
    cos = cos_ref[...]
    sin = sin_ref[...]
    for h, qh in enumerate(_rope_pair(q, cos, sin, NH)):
        q_out[h] = qh
    for h, kh in enumerate(_rope_pair(k, cos, sin, NKV)):
        k_out[h] = kh
    for h in range(NKV):
        v_out[h] = v[:, h * HD:(h + 1) * HD]


def _attn_block_body(qb, L):
    def body(q_ref, k_ref, v_ref, o_ref):
        q = q_ref[0]
        s = lax.dot_general(q, k_ref[0], (((1,), (1,)), ((), ())),
                            preferred_element_type=jnp.float32)
        s = s * (1.0 / math.sqrt(HD))
        qpos = lax.broadcasted_iota(jnp.int32, (BQ, L), 0) + qb * BQ
        col = lax.broadcasted_iota(jnp.int32, (BQ, L), 1)
        s = jnp.where(qpos >= col, s, jnp.finfo(jnp.float32).min)
        m = jnp.max(s, axis=1, keepdims=True)
        ex = jnp.exp(s - m)
        p = ex / jnp.sum(ex, axis=1, keepdims=True)
        o_ref[0] = jnp.dot(p, v_ref[0], preferred_element_type=jnp.float32)
    return body


def _post_body(a_ref, res_ref, wo_ref, lnp_ref, gw_ref, gb_ref,
               res2_out, flat_out, i1_out, i2_out, w1_out, w2_out):
    a = jnp.concatenate([a_ref[h] for h in range(NH)], axis=1)
    o = jnp.dot(a, wo_ref[...], preferred_element_type=jnp.float32)
    r2 = o + res_ref[...]
    res2_out[...] = r2
    var = jnp.mean(r2 * r2, axis=-1, keepdims=True)
    xn = r2 * (1.0 / jnp.sqrt(var + EPS)) * lnp_ref[...]
    flat_out[...] = xn
    logits = jnp.dot(xn, gw_ref[...], preferred_element_type=jnp.float32)
    mx = jnp.max(logits, axis=1, keepdims=True)
    ex = jnp.exp(logits - mx)
    rs = ex / jnp.sum(ex, axis=1, keepdims=True)
    choice = rs + gb_ref[...]
    iot = lax.broadcasted_iota(jnp.int32, (BT3, E), 1)
    m1 = jnp.max(choice, axis=1, keepdims=True)
    i1 = jnp.min(jnp.where(choice == m1, iot, E), axis=1, keepdims=True)
    w1 = jnp.sum(jnp.where(iot == i1, rs, 0.0), axis=1, keepdims=True)
    ch2 = jnp.where(iot == i1, NEG, choice)
    m2 = jnp.max(ch2, axis=1, keepdims=True)
    i2 = jnp.min(jnp.where(ch2 == m2, iot, E), axis=1, keepdims=True)
    w2 = jnp.sum(jnp.where(iot == i2, rs, 0.0), axis=1, keepdims=True)
    den = w1 + w2 + 1e-20
    i1_out[...] = i1
    i2_out[...] = i2
    w1_out[...] = w1 / den
    w2_out[...] = w2 / den


def _ffn_body(be_ref, xs_ref, wg_ref, wd_ref, ys_ref):
    x = xs_ref[...]
    gu = jnp.dot(x, wg_ref[0], preferred_element_type=jnp.float32)
    g = gu[:, :FFN]
    u = gu[:, FFN:]
    act = g * jax.nn.sigmoid(g) * u
    ys_ref[...] = jnp.dot(act, wd_ref[0], preferred_element_type=jnp.float32)


def _shared_body(x_ref, wsgu_ref, wsd_ref, out_ref):
    x = x_ref[...]
    sgu = jnp.dot(x, wsgu_ref[...], preferred_element_type=jnp.float32)
    sg = sgu[:, :SI]
    su = sgu[:, SI:]
    act = sg * jax.nn.sigmoid(sg) * su
    out_ref[...] = jnp.dot(act, wsd_ref[...],
                           preferred_element_type=jnp.float32)


def _add3_body(a_ref, b_ref, c_ref, w1_ref, w2_ref, out_ref):
    out_ref[...] = (a_ref[...] + w1_ref[...] * b_ref[0]
                    + w2_ref[...] * c_ref[0])


def _sc_gather_rows(table, idx, n_rows, chunk):
    nw = 32
    b_per_w = n_rows // nw
    nch = b_per_w // chunk
    mesh = plsc.VectorSubcoreMesh(core_axis_name="c", subcore_axis_name="s")

    @functools.partial(
        pl.kernel, mesh=mesh,
        out_type=jax.ShapeDtypeStruct((n_rows, HID), jnp.float32),
        scratch_types=[
            pltpu.VMEM((b_per_w,), jnp.int32),
            pltpu.VMEM((chunk, HID), jnp.float32),
            pltpu.VMEM((chunk, HID), jnp.float32),
            pltpu.SemaphoreType.DMA,
            pltpu.SemaphoreType.DMA,
        ],
    )
    def gk(table_hbm, idx_hbm, out_hbm, idx_v, buf0, buf1, sem0, sem1):
        wid = lax.axis_index("s") * 2 + lax.axis_index("c")
        base = wid * b_per_w
        pltpu.sync_copy(idx_hbm.at[pl.ds(base, b_per_w)], idx_v)
        bufs = (buf0, buf1)
        sems = (sem0, sem1)
        dmas = [None, None]
        dmas[0] = pltpu.async_copy(
            table_hbm.at[idx_v.at[pl.ds(0, chunk)]], bufs[0], sems[0])
        for c in range(nch):
            if c + 1 < nch:
                dmas[(c + 1) % 2] = pltpu.async_copy(
                    table_hbm.at[idx_v.at[pl.ds((c + 1) * chunk, chunk)]],
                    bufs[(c + 1) % 2], sems[(c + 1) % 2])
            dmas[c % 2].wait()
            pltpu.sync_copy(bufs[c % 2],
                            out_hbm.at[pl.ds(base + c * chunk, chunk)])

    return gk(table, idx)


def _routing_metadata(i1, i2):
    ids = jnp.concatenate([i1, i2], axis=1).reshape(-1)
    onehot = ids[:, None] == jnp.arange(E, dtype=jnp.int32)[None, :]
    csum = jnp.cumsum(onehot.astype(jnp.int32), axis=0)
    rank = jnp.sum(jnp.where(onehot, csum - 1, 0), axis=1)
    sizes = csum[-1]
    nblk = (sizes + BTF - 1) // BTF
    bcum = jnp.cumsum(nblk)
    pad_start = (bcum - nblk) * BTF
    inv = jnp.sum(jnp.where(onehot, pad_start[None, :], 0), axis=1) + rank
    bidx = jnp.arange(NB, dtype=jnp.int32)
    bexp = jnp.sum((bidx[:, None] >= bcum[None, :]).astype(jnp.int32), axis=1)
    bexp = jnp.where(bexp < E, bexp, 0)
    toks = jnp.arange(A, dtype=jnp.int32) // TOPK
    tok_idx = (jnp.arange(NPAD, dtype=jnp.int32) % S).at[inv].set(toks)
    pos01 = inv.reshape(S, TOPK)
    gidx2 = jnp.concatenate([pos01[:, 0], pos01[:, 1]]).astype(jnp.int32)
    return bexp, tok_idx, gidx2


def kernel(hidden_states, cos, sin, Wq, Wk, Wv, Wo, gate_W, gate_bias,
           W_gate_up, W_down, Ws_gate_up, Ws_down, ln_in_w, ln_post_w):
    x2d = hidden_states.reshape(S, HID)
    ln_in = ln_in_w.reshape(1, HID)
    ln_post = ln_post_w.reshape(1, HID)
    gwT = gate_W.T
    gb = gate_bias.reshape(1, E)

    q, k, v = pl.pallas_call(
        _qkv_body,
        grid=(S // BT1,),
        in_specs=[
            pl.BlockSpec((BT1, HID), lambda i: (i, 0)),
            pl.BlockSpec((1, HID), lambda i: (0, 0)),
            pl.BlockSpec((HID, NH * HD), lambda i: (0, 0)),
            pl.BlockSpec((HID, NKV * HD), lambda i: (0, 0)),
            pl.BlockSpec((HID, NKV * HD), lambda i: (0, 0)),
            pl.BlockSpec((BT1, HD), lambda i: (i, 0)),
            pl.BlockSpec((BT1, HD), lambda i: (i, 0)),
        ],
        out_specs=[
            pl.BlockSpec((NH, BT1, HD), lambda i: (0, i, 0)),
            pl.BlockSpec((NKV, BT1, HD), lambda i: (0, i, 0)),
            pl.BlockSpec((NKV, BT1, HD), lambda i: (0, i, 0)),
        ],
        out_shape=[
            jax.ShapeDtypeStruct((NH, S, HD), jnp.float32),
            jax.ShapeDtypeStruct((NKV, S, HD), jnp.float32),
            jax.ShapeDtypeStruct((NKV, S, HD), jnp.float32),
        ],
    )(x2d, ln_in, Wq, Wk, Wv, cos, sin)

    rep = NH // NKV
    attn_blocks = []
    for qb in range(S // BQ):
        L = (qb + 1) * BQ
        attn_blocks.append(pl.pallas_call(
            _attn_block_body(qb, L),
            grid=(NH,),
            in_specs=[
                pl.BlockSpec((1, BQ, HD), lambda h, _qb=qb: (h, _qb, 0)),
                pl.BlockSpec((1, L, HD), lambda h: (h // rep, 0, 0)),
                pl.BlockSpec((1, L, HD), lambda h: (h // rep, 0, 0)),
            ],
            out_specs=pl.BlockSpec((1, BQ, HD), lambda h: (h, 0, 0)),
            out_shape=jax.ShapeDtypeStruct((NH, BQ, HD), jnp.float32),
        )(q, k, v))
    attn = jnp.concatenate(attn_blocks, axis=1)

    res2, flat, i1, i2, w1, w2 = pl.pallas_call(
        _post_body,
        grid=(S // BT3,),
        in_specs=[
            pl.BlockSpec((NH, BT3, HD), lambda i: (0, i, 0)),
            pl.BlockSpec((BT3, HID), lambda i: (i, 0)),
            pl.BlockSpec((NH * HD, HID), lambda i: (0, 0)),
            pl.BlockSpec((1, HID), lambda i: (0, 0)),
            pl.BlockSpec((HID, E), lambda i: (0, 0)),
            pl.BlockSpec((1, E), lambda i: (0, 0)),
        ],
        out_specs=[
            pl.BlockSpec((BT3, HID), lambda i: (i, 0)),
            pl.BlockSpec((BT3, HID), lambda i: (i, 0)),
            pl.BlockSpec((BT3, 1), lambda i: (i, 0)),
            pl.BlockSpec((BT3, 1), lambda i: (i, 0)),
            pl.BlockSpec((BT3, 1), lambda i: (i, 0)),
            pl.BlockSpec((BT3, 1), lambda i: (i, 0)),
        ],
        out_shape=[
            jax.ShapeDtypeStruct((S, HID), jnp.float32),
            jax.ShapeDtypeStruct((S, HID), jnp.float32),
            jax.ShapeDtypeStruct((S, 1), jnp.int32),
            jax.ShapeDtypeStruct((S, 1), jnp.int32),
            jax.ShapeDtypeStruct((S, 1), jnp.float32),
            jax.ShapeDtypeStruct((S, 1), jnp.float32),
        ],
    )(attn, x2d, Wo, ln_post, gwT, gb)

    bexp, tok_idx, gidx2 = _routing_metadata(i1, i2)

    xs = _sc_gather_rows(flat, tok_idx, NPAD, 32)
    ys = pl.pallas_call(
        _ffn_body,
        grid_spec=pltpu.PrefetchScalarGridSpec(
            num_scalar_prefetch=1,
            grid=(NB,),
            in_specs=[
                pl.BlockSpec((BTF, HID), lambda b, be: (b, 0)),
                pl.BlockSpec((1, HID, 2 * FFN), lambda b, be: (be[b], 0, 0)),
                pl.BlockSpec((1, FFN, HID), lambda b, be: (be[b], 0, 0)),
            ],
            out_specs=pl.BlockSpec((BTF, HID), lambda b, be: (b, 0)),
        ),
        out_shape=jax.ShapeDtypeStruct((NPAD, HID), jnp.float32),
    )(bexp, xs, W_gate_up, W_down)

    shared = pl.pallas_call(
        _shared_body,
        grid=(S // BTS,),
        in_specs=[
            pl.BlockSpec((BTS, HID), lambda i: (i, 0)),
            pl.BlockSpec((HID, 2 * SI), lambda i: (0, 0)),
            pl.BlockSpec((SI, HID), lambda i: (0, 0)),
        ],
        out_specs=pl.BlockSpec((BTS, HID), lambda i: (i, 0)),
        out_shape=jax.ShapeDtypeStruct((S, HID), jnp.float32),
    )(flat, Ws_gate_up, Ws_down)

    yg = _sc_gather_rows(ys, gidx2, A, 32).reshape(TOPK, S, HID)
    out = pl.pallas_call(
        _add3_body,
        grid=(S // 512,),
        in_specs=[
            pl.BlockSpec((512, HID), lambda i: (i, 0)),
            pl.BlockSpec((1, 512, HID), lambda i: (0, i, 0)),
            pl.BlockSpec((1, 512, HID), lambda i: (1, i, 0)),
            pl.BlockSpec((512, 1), lambda i: (i, 0)),
            pl.BlockSpec((512, 1), lambda i: (i, 0)),
        ],
        out_specs=pl.BlockSpec((512, HID), lambda i: (i, 0)),
        out_shape=jax.ShapeDtypeStruct((S, HID), jnp.float32),
    )(shared, yg, yg, w1, w2)

    return out.reshape(1, S, HID), res2.reshape(1, S, HID)

# --- scband reference (transcript-rebuilt; emitter-appended) ---
"""Pipeline reference for scband-glm4-moe-decoder-layer-85255100825930 (READ-ONLY COPY).

The authoritative reference and input builder live on the scoring server;
editing this copy changes nothing except your own understanding.
"""

import jax, jax.numpy as jnp
import numpy as np

B, S, HID = 1, 2048, 1024
NH, NKV, HD = 16, 4, 64
E, TOPK, FFN = 8, 2, 512
SHARED_INTER = 1024
EPS = 1e-6
ROUTED_SCALE = 1.0

def _rms_norm(x, w, eps=EPS):
    var = jnp.mean(jnp.square(x), axis=-1, keepdims=True)
    return x * jax.lax.rsqrt(var + eps) * w

def _silu(x):
    return x * jax.nn.sigmoid(x)

def _rotate_half(x):
    h = x.shape[-1] // 2
    return jnp.concatenate([-x[..., h:], x[..., :h]], axis=-1)

def setup_inputs(seed: int = 0) -> dict:
    key = jax.random.key(seed)
    ks = [jax.random.fold_in(key, i) for i in range(16)]
    hidden_states = jax.random.normal(ks[0], (B, S, HID), dtype=jnp.float32)
    pos = jnp.arange(S, dtype=jnp.float32)
    inv_freq = 1.0 / (10000.0 ** (jnp.arange(0, HD, 2, dtype=jnp.float32) / HD))
    freqs = jnp.outer(pos, inv_freq)
    emb = jnp.concatenate([freqs, freqs], axis=-1)
    cos = jnp.cos(emb)
    sin = jnp.sin(emb)
    sc = 0.02
    Wq = jax.random.normal(ks[1], (HID, NH * HD), dtype=jnp.float32) * sc
    Wk = jax.random.normal(ks[2], (HID, NKV * HD), dtype=jnp.float32) * sc
    Wv = jax.random.normal(ks[3], (HID, NKV * HD), dtype=jnp.float32) * sc
    Wo = jax.random.normal(ks[4], (NH * HD, HID), dtype=jnp.float32) * sc
    gate_W = jax.random.normal(ks[5], (E, HID), dtype=jnp.float32) * sc
    gate_bias = jax.random.normal(ks[6], (E,), dtype=jnp.float32) * 0.01
    W_gate_up = jax.random.normal(ks[7], (E, HID, 2 * FFN), dtype=jnp.float32) * sc
    W_down = jax.random.normal(ks[8], (E, FFN, HID), dtype=jnp.float32) * sc
    Ws_gate_up = jax.random.normal(ks[9], (HID, 2 * SHARED_INTER), dtype=jnp.float32) * sc
    Ws_down = jax.random.normal(ks[10], (SHARED_INTER, HID), dtype=jnp.float32) * sc
    ln_in_w = jnp.ones((HID,), dtype=jnp.float32)
    ln_post_w = jnp.ones((HID,), dtype=jnp.float32)
    return {"hidden_states": hidden_states, "cos": cos, "sin": sin,
            "Wq": Wq, "Wk": Wk, "Wv": Wv, "Wo": Wo,
            "gate_W": gate_W, "gate_bias": gate_bias,
            "W_gate_up": W_gate_up, "W_down": W_down,
            "Ws_gate_up": Ws_gate_up, "Ws_down": Ws_down,
            "ln_in_w": ln_in_w, "ln_post_w": ln_post_w}

def reference(hidden_states, cos, sin, Wq, Wk, Wv, Wo, gate_W, gate_bias,
              W_gate_up, W_down, Ws_gate_up, Ws_down, ln_in_w, ln_post_w):
    b, s, d = hidden_states.shape
    # input_layernorm (residual is None on first layer call)
    residual = hidden_states
    hs = _rms_norm(hidden_states, ln_in_w)
    # self-attention (prefill; fresh KV, causal)
    q = (hs @ Wq).reshape(b, s, NH, HD)
    k = (hs @ Wk).reshape(b, s, NKV, HD)
    v = (hs @ Wv).reshape(b, s, NKV, HD)
    c = cos[None, :, None, :]
    sn = sin[None, :, None, :]
    q = q * c + _rotate_half(q) * sn
    k = k * c + _rotate_half(k) * sn
    rep = NH // NKV
    k = jnp.repeat(k, rep, axis=2)
    v = jnp.repeat(v, rep, axis=2)
    scores = jnp.einsum('bqhd,bkhd->bhqk', q, k) / jnp.sqrt(jnp.float32(HD))
    causal = jnp.tril(jnp.ones((s, s), dtype=bool))
    scores = jnp.where(causal[None, None, :, :], scores, jnp.finfo(scores.dtype).min)
    probs = jax.nn.softmax(scores, axis=-1)
    attn = jnp.einsum('bhqk,bkhd->bqhd', probs, v).reshape(b, s, NH * HD)
    hs = attn @ Wo
    # post_attention_layernorm (fused add + norm)
    residual2 = hs + residual
    hs = _rms_norm(residual2, ln_post_w)
    # Glm4MoE
    flat = hs.reshape(-1, d)
    logits = flat.astype(jnp.float32) @ gate_W.T
    route_scores = jax.nn.softmax(logits, axis=-1)
    choice = route_scores + gate_bias[None, :]
    _, topk_ids = jax.lax.top_k(choice, TOPK)
    topk_w = jnp.take_along_axis(route_scores, topk_ids, axis=1)
    topk_w = topk_w / (jnp.sum(topk_w, axis=-1, keepdims=True) + 1e-20)
    T = flat.shape[0]
    combine = jnp.zeros((T, E), dtype=flat.dtype).at[jnp.arange(T)[:, None], topk_ids].add(topk_w)
    gu = jnp.einsum('td,edf->etf', flat, W_gate_up)
    g, u = jnp.split(gu, 2, axis=-1)
    act = _silu(g) * u
    y = jnp.einsum('etf,efd->etd', act, W_down)
    out = jnp.einsum('te,etd->td', combine, y) * ROUTED_SCALE
    sgu = flat @ Ws_gate_up
    sg, su = jnp.split(sgu, 2, axis=-1)
    out = out + (_silu(sg) * su) @ Ws_down
    hs = out.reshape(b, s, d)
    return (hs, residual2)

if __name__ == "__main__":
    import jax
    _d = setup_inputs()
    print(jax.jit(kernel)(*tuple(_d.values())))

</pallas_src>

<mosaic_0001>
#map = affine_map<(d0, d1) -> (0, 0)>
#map1 = affine_map<(d0, d1) -> (0)>
module attributes {stable_mosaic.version = 14 : i64} {
  func.func @gk(%arg0: i32, %arg1: i32, %arg2: memref<2048x1024xf32, #tpu.memory_space<hbm>>, %arg3: memref<5120xi32, #tpu.memory_space<hbm>>, %arg4: memref<5120x1024xf32, #tpu.memory_space<hbm>>, %arg5: memref<160xi32, #tpu.memory_space<vmem>>, %arg6: memref<32x1024xf32, #tpu.memory_space<vmem>>, %arg7: memref<32x1024xf32, #tpu.memory_space<vmem>>, %arg8: memref<!tpu.dma_semaphore, #tpu.memory_space<semaphore_mem>>, %arg9: memref<!tpu.dma_semaphore, #tpu.memory_space<semaphore_mem>>) attributes {dimension_semantics = [#tpu.dimension_semantics<core_parallel>, #tpu.dimension_semantics<subcore_parallel>], iteration_bounds = array<i64: 2, 16>, scalar_prefetch = 0 : i64, scratch_operands = 5 : i64, tpu.core_type = #tpu.core_type<sc_vector_subcore>, window_params = [{transform_indices = #map}, {transform_indices = #map1}, {transform_indices = #map}]} {
    %mul3A = arith.constant 2 : i32
    %mul3A_0 = arith.muli %arg1, %mul3A : i32
    %add3A = arith.addi %mul3A_0, %arg0 : i32
    %mul3A_1 = arith.constant 160 : i32
    %mul3A_2 = arith.muli %add3A, %mul3A_1 : i32
    "tpu.region"() ({
      %run_scoped3A = tpu.sem_alloc : memref<!tpu.dma_semaphore, #tpu.memory_space<semaphore_mem>>
      %dma_start3A_61 = tpu.memref_slice %arg3[%mul3A_2] : memref<5120xi32, #tpu.memory_space<hbm>> -> memref<160xi32, #tpu.memory_space<hbm>>
      %dma_start3A_62 = tpu.memref_slice %arg3[%mul3A_2] : memref<5120xi32, #tpu.memory_space<hbm>> -> memref<160xi32, #tpu.memory_space<hbm>>
      tpu.enqueue_dma source(%dma_start3A_62 : memref<160xi32, #tpu.memory_space<hbm>>) target(%arg5 : memref<160xi32, #tpu.memory_space<vmem>>) target_semaphore(%run_scoped3A : memref<!tpu.dma_semaphore, #tpu.memory_space<semaphore_mem>>)
      %dma_wait3A_63 = tpu.memref_slice %arg3[%mul3A_2] : memref<5120xi32, #tpu.memory_space<hbm>> -> memref<160xi32, #tpu.memory_space<hbm>>
      %dma_wait3A_64 = tpu.memref_slice %arg3[%mul3A_2] : memref<5120xi32, #tpu.memory_space<hbm>> -> memref<160xi32, #tpu.memory_space<hbm>>
      tpu.wait_dma2 semaphore(%run_scoped3A : memref<!tpu.dma_semaphore, #tpu.memory_space<semaphore_mem>>) src(%dma_wait3A_64 : memref<160xi32, #tpu.memory_space<hbm>>) dst(%arg5 : memref<160xi32, #tpu.memory_space<vmem>>)
      tpu.yield
    }) : () -> ()
    %dma_start3A = arith.constant 0 : i32
    %dma_start3A_3 = tpu.memref_slice %arg5[%dma_start3A] : memref<160xi32, #tpu.memory_space<vmem>> -> memref<32xi32, #tpu.memory_space<vmem>>
    %dma_start3A_4 = arith.constant 0 : i32
    %dma_start3A_5 = arith.constant 0 : i32
    %dma_start3A_6 = tpu.memref_slice %arg2[%dma_start3A_4, %dma_start3A_5] : memref<2048x1024xf32, #tpu.memory_space<hbm>> -> memref<2048x1024xf32, #tpu.memory_space<hbm>>
    tpu.enqueue_indirect_dma source(%dma_start3A_6 : memref<2048x1024xf32, #tpu.memory_space<hbm>>) target(%arg6 : memref<32x1024xf32, #tpu.memory_space<vmem>>) offsets(%dma_start3A_3 : memref<32xi32, #tpu.memory_space<vmem>>) semaphore(%arg8 : memref<!tpu.dma_semaphore, #tpu.memory_space<semaphore_mem>>)
    %dma_start3A_7 = arith.constant 32 : i32
    %dma_start3A_8 = tpu.memref_slice %arg5[%dma_start3A_7] : memref<160xi32, #tpu.memory_space<vmem>> -> memref<32xi32, #tpu.memory_space<vmem>>
    %dma_start3A_9 = arith.constant 0 : i32
    %dma_start3A_10 = arith.constant 0 : i32
    %dma_start3A_11 = tpu.memref_slice %arg2[%dma_start3A_9, %dma_start3A_10] : memref<2048x1024xf32, #tpu.memory_space<hbm>> -> memref<2048x1024xf32, #tpu.memory_space<hbm>>
    tpu.enqueue_indirect_dma source(%dma_start3A_11 : memref<2048x1024xf32, #tpu.memory_space<hbm>>) target(%arg7 : memref<32x1024xf32, #tpu.memory_space<vmem>>) offsets(%dma_start3A_8 : memref<32xi32, #tpu.memory_space<vmem>>) semaphore(%arg9 : memref<!tpu.dma_semaphore, #tpu.memory_space<semaphore_mem>>)
    %dma_wait3A = arith.constant 0 : i32
    %dma_wait3A_12 = tpu.memref_slice %arg5[%dma_wait3A] : memref<160xi32, #tpu.memory_space<vmem>> -> memref<32xi32, #tpu.memory_space<vmem>>
    %dma_wait3A_13 = arith.constant 0 : i32
    %dma_wait3A_14 = arith.constant 0 : i32
    %dma_wait3A_15 = tpu.memref_slice %arg2[%dma_wait3A_13, %dma_wait3A_14] : memref<2048x1024xf32, #tpu.memory_space<hbm>> -> memref<2048x1024xf32, #tpu.memory_space<hbm>>
    tpu.wait_indirect_dma semaphore(%arg8 : memref<!tpu.dma_semaphore, #tpu.memory_space<semaphore_mem>>) src(%dma_wait3A_15 : memref<2048x1024xf32, #tpu.memory_space<hbm>>) dst(%arg6 : memref<32x1024xf32, #tpu.memory_space<vmem>>)
    %add3A_16 = arith.constant 0 : i32
    %add3A_17 = arith.addi %mul3A_2, %add3A_16 : i32
    "tpu.region"() ({
      %run_scoped3A = tpu.sem_alloc : memref<!tpu.dma_semaphore, #tpu.memory_space<semaphore_mem>>
      %dma_start3A_61 = arith.constant 0 : i32
      %dma_start3A_62 = tpu.memref_slice %arg4[%add3A_17, %dma_start3A_61] : memref<5120x1024xf32, #tpu.memory_space<hbm>> -> memref<32x1024xf32, #tpu.memory_space<hbm>>
      %dma_start3A_63 = arith.constant 0 : i32
      %dma_start3A_64 = tpu.memref_slice %arg4[%add3A_17, %dma_start3A_63] : memref<5120x1024xf32, #tpu.memory_space<hbm>> -> memref<32x1024xf32, #tpu.memory_space<hbm>>
      tpu.enqueue_dma source(%arg6 : memref<32x1024xf32, #tpu.memory_space<vmem>>) target(%dma_start3A_64 : memref<32x1024xf32, #tpu.memory_space<hbm>>) target_semaphore(%run_scoped3A : memref<!tpu.dma_semaphore, #tpu.memory_space<semaphore_mem>>)
      %dma_wait3A_65 = arith.constant 0 : i32
      %dma_wait3A_66 = tpu.memref_slice %arg4[%add3A_17, %dma_wait3A_65] : memref<5120x1024xf32, #tpu.memory_space<hbm>> -> memref<32x1024xf32, #tpu.memory_space<hbm>>
      %dma_wait3A_67 = arith.constant 0 : i32
      %dma_wait3A_68 = tpu.memref_slice %arg4[%add3A_17, %dma_wait3A_67] : memref<5120x1024xf32, #tpu.memory_space<hbm>> -> memref<32x1024xf32, #tpu.memory_space<hbm>>
      tpu.wait_dma2 semaphore(%run_scoped3A : memref<!tpu.dma_semaphore, #tpu.memory_space<semaphore_mem>>) src(%arg6 : memref<32x1024xf32, #tpu.memory_space<vmem>>) dst(%dma_wait3A_68 : memref<32x1024xf32, #tpu.memory_space<hbm>>)
      tpu.yield
    }) : () -> ()
    %dma_start3A_18 = arith.constant 64 : i32
    %dma_start3A_19 = tpu.memref_slice %arg5[%dma_start3A_18] : memref<160xi32, #tpu.memory_space<vmem>> -> memref<32xi32, #tpu.memory_space<vmem>>
    %dma_start3A_20 = arith.constant 0 : i32
    %dma_start3A_21 = arith.constant 0 : i32
    %dma_start3A_22 = tpu.memref_slice %arg2[%dma_start3A_20, %dma_start3A_21] : memref<2048x1024xf32, #tpu.memory_space<hbm>> -> memref<2048x1024xf32, #tpu.memory_space<hbm>>
    tpu.enqueue_indirect_dma source(%dma_start3A_22 : memref<2048x1024xf32, #tpu.memory_space<hbm>>) target(%arg6 : memref<32x1024xf32, #tpu.memory_space<vmem>>) offsets(%dma_start3A_19 : memref<32xi32, #tpu.memory_space<vmem>>) semaphore(%arg8 : memref<!tpu.dma_semaphore, #tpu.memory_space<semaphore_mem>>)
    %dma_wait3A_23 = arith.constant 32 : i32
    %dma_wait3A_24 = tpu.memref_slice %arg5[%dma_wait3A_23] : memref<160xi32, #tpu.memory_space<vmem>> -> memref<32xi32, #tpu.memory_space<vmem>>
    %dma_wait3A_25 = arith.constant 0 : i32
    %dma_wait3A_26 = arith.constant 0 : i32
    %dma_wait3A_27 = tpu.memref_slice %arg2[%dma_wait3A_25, %dma_wait3A_26] : memref<2048x1024xf32, #tpu.memory_space<hbm>> -> memref<2048x1024xf32, #tpu.memory_space<hbm>>
    tpu.wait_indirect_dma semaphore(%arg9 : memref<!tpu.dma_semaphore, #tpu.memory_space<semaphore_mem>>) src(%dma_wait3A_27 : memref<2048x1024xf32, #tpu.memory_space<hbm>>) dst(%arg7 : memref<32x1024xf32, #tpu.memory_space<vmem>>)
    %add3A_28 = arith.constant 32 : i32
    %add3A_29 = arith.addi %mul3A_2, %add3A_28 : i32
    "tpu.region"() ({
      %run_scoped3A = tpu.sem_alloc : memref<!tpu.dma_semaphore, #tpu.memory_space<semaphore_mem>>
      %dma_start3A_61 = arith.constant 0 : i32
      %dma_start3A_62 = tpu.memref_slice %arg4[%add3A_29, %dma_start3A_61] : memref<5120x1024xf32, #tpu.memory_space<hbm>> -> memref<32x1024xf32, #tpu.memory_space<hbm>>
      %dma_start3A_63 = arith.constant 0 : i32
      %dma_start3A_64 = tpu.memref_slice %arg4[%add3A_29, %dma_start3A_63] : memref<5120x1024xf32, #tpu.memory_space<hbm>> -> memref<32x1024xf32, #tpu.memory_space<hbm>>
      tpu.enqueue_dma source(%arg7 : memref<32x1024xf32, #tpu.memory_space<vmem>>) target(%dma_start3A_64 : memref<32x1024xf32, #tpu.memory_space<hbm>>) target_semaphore(%run_scoped3A : memref<!tpu.dma_semaphore, #tpu.memory_space<semaphore_mem>>)
      %dma_wait3A_65 = arith.constant 0 : i32
      %dma_wait3A_66 = tpu.memref_slice %arg4[%add3A_29, %dma_wait3A_65] : memref<5120x1024xf32, #tpu.memory_space<hbm>> -> memref<32x1024xf32, #tpu.memory_space<hbm>>
      %dma_wait3A_67 = arith.constant 0 : i32
      %dma_wait3A_68 = tpu.memref_slice %arg4[%add3A_29, %dma_wait3A_67] : memref<5120x1024xf32, #tpu.memory_space<hbm>> -> memref<32x1024xf32, #tpu.memory_space<hbm>>
      tpu.wait_dma2 semaphore(%run_scoped3A : memref<!tpu.dma_semaphore, #tpu.memory_space<semaphore_mem>>) src(%arg7 : memref<32x1024xf32, #tpu.memory_space<vmem>>) dst(%dma_wait3A_68 : memref<32x1024xf32, #tpu.memory_space<hbm>>)
      tpu.yield
    }) : () -> ()
    %dma_start3A_30 = arith.constant 96 : i32
    %dma_start3A_31 = tpu.memref_slice %arg5[%dma_start3A_30] : memref<160xi32, #tpu.memory_space<vmem>> -> memref<32xi32, #tpu.memory_space<vmem>>
    %dma_start3A_32 = arith.constant 0 : i32
    %dma_start3A_33 = arith.constant 0 : i32
    %dma_start3A_34 = tpu.memref_slice %arg2[%dma_start3A_32, %dma_start3A_33] : memref<2048x1024xf32, #tpu.memory_space<hbm>> -> memref<2048x1024xf32, #tpu.memory_space<hbm>>
    tpu.enqueue_indirect_dma source(%dma_start3A_34 : memref<2048x1024xf32, #tpu.memory_space<hbm>>) target(%arg7 : memref<32x1024xf32, #tpu.memory_space<vmem>>) offsets(%dma_start3A_31 : memref<32xi32, #tpu.memory_space<vmem>>) semaphore(%arg9 : memref<!tpu.dma_semaphore, #tpu.memory_space<semaphore_mem>>)
    %dma_wait3A_35 = arith.constant 64 : i32
    %dma_wait3A_36 = tpu.memref_slice %arg5[%dma_wait3A_35] : memref<160xi32, #tpu.memory_space<vmem>> -> memref<32xi32, #tpu.memory_space<vmem>>
    %dma_wait3A_37 = arith.constant 0 : i32
    %dma_wait3A_38 = arith.constant 0 : i32
    %dma_wait3A_39 = tpu.memref_slice %arg2[%dma_wait3A_37, %dma_wait3A_38] : memref<2048x1024xf32, #tpu.memory_space<hbm>> -> memref<2048x1024xf32, #tpu.memory_space<hbm>>
    tpu.wait_indirect_dma semaphore(%arg8 : memref<!tpu.dma_semaphore, #tpu.memory_space<semaphore_mem>>) src(%dma_wait3A_39 : memref<2048x1024xf32, #tpu.memory_space<hbm>>) dst(%arg6 : memref<32x1024xf32, #tpu.memory_space<vmem>>)
    %add3A_40 = arith.constant 64 : i32
    %add3A_41 = arith.addi %mul3A_2, %add3A_40 : i32
    "tpu.region"() ({
      %run_scoped3A = tpu.sem_alloc : memref<!tpu.dma_semaphore, #tpu.memory_space<semaphore_mem>>
      %dma_start3A_61 = arith.constant 0 : i32
      %dma_start3A_62 = tpu.memref_slice %arg4[%add3A_41, %dma_start3A_61] : memref<5120x1024xf32, #tpu.memory_space<hbm>> -> memref<32x1024xf32, #tpu.memory_space<hbm>>
      %dma_start3A_63 = arith.constant 0 : i32
      %dma_start3A_64 = tpu.memref_slice %arg4[%add3A_41, %dma_start3A_63] : memref<5120x1024xf32, #tpu.memory_space<hbm>> -> memref<32x1024xf32, #tpu.memory_space<hbm>>
      tpu.enqueue_dma source(%arg6 : memref<32x1024xf32, #tpu.memory_space<vmem>>) target(%dma_start3A_64 : memref<32x1024xf32, #tpu.memory_space<hbm>>) target_semaphore(%run_scoped3A : memref<!tpu.dma_semaphore, #tpu.memory_space<semaphore_mem>>)
      %dma_wait3A_65 = arith.constant 0 : i32
      %dma_wait3A_66 = tpu.memref_slice %arg4[%add3A_41, %dma_wait3A_65] : memref<5120x1024xf32, #tpu.memory_space<hbm>> -> memref<32x1024xf32, #tpu.memory_space<hbm>>
      %dma_wait3A_67 = arith.constant 0 : i32
      %dma_wait3A_68 = tpu.memref_slice %arg4[%add3A_41, %dma_wait3A_67] : memref<5120x1024xf32, #tpu.memory_space<hbm>> -> memref<32x1024xf32, #tpu.memory_space<hbm>>
      tpu.wait_dma2 semaphore(%run_scoped3A : memref<!tpu.dma_semaphore, #tpu.memory_space<semaphore_mem>>) src(%arg6 : memref<32x1024xf32, #tpu.memory_space<vmem>>) dst(%dma_wait3A_68 : memref<32x1024xf32, #tpu.memory_space<hbm>>)
      tpu.yield
    }) : () -> ()
    %dma_start3A_42 = arith.constant 128 : i32
    %dma_start3A_43 = tpu.memref_slice %arg5[%dma_start3A_42] : memref<160xi32, #tpu.memory_space<vmem>> -> memref<32xi32, #tpu.memory_space<vmem>>
    %dma_start3A_44 = arith.constant 0 : i32
    %dma_start3A_45 = arith.constant 0 : i32
    %dma_start3A_46 = tpu.memref_slice %arg2[%dma_start3A_44, %dma_start3A_45] : memref<2048x1024xf32, #tpu.memory_space<hbm>> -> memref<2048x1024xf32, #tpu.memory_space<hbm>>
    tpu.enqueue_indirect_dma source(%dma_start3A_46 : memref<2048x1024xf32, #tpu.memory_space<hbm>>) target(%arg6 : memref<32x1024xf32, #tpu.memory_space<vmem>>) offsets(%dma_start3A_43 : memref<32xi32, #tpu.memory_space<vmem>>) semaphore(%arg8 : memref<!tpu.dma_semaphore, #tpu.memory_space<semaphore_mem>>)
    %dma_wait3A_47 = arith.constant 96 : i32
    %dma_wait3A_48 = tpu.memref_slice %arg5[%dma_wait3A_47] : memref<160xi32, #tpu.memory_space<vmem>> -> memref<32xi32, #tpu.memory_space<vmem>>
    %dma_wait3A_49 = arith.constant 0 : i32
    %dma_wait3A_50 = arith.constant 0 : i32
    %dma_wait3A_51 = tpu.memref_slice %arg2[%dma_wait3A_49, %dma_wait3A_50] : memref<2048x1024xf32, #tpu.memory_space<hbm>> -> memref<2048x1024xf32, #tpu.memory_space<hbm>>
    tpu.wait_indirect_dma semaphore(%arg9 : memref<!tpu.dma_semaphore, #tpu.memory_space<semaphore_mem>>) src(%dma_wait3A_51 : memref<2048x1024xf32, #tpu.memory_space<hbm>>) dst(%arg7 : memref<32x1024xf32, #tpu.memory_space<vmem>>)
    %add3A_52 = arith.constant 96 : i32
    %add3A_53 = arith.addi %mul3A_2, %add3A_52 : i32
    "tpu.region"() ({
      %run_scoped3A = tpu.sem_alloc : memref<!tpu.dma_semaphore, #tpu.memory_space<semaphore_mem>>
      %dma_start3A_61 = arith.constant 0 : i32
      %dma_start3A_62 = tpu.memref_slice %arg4[%add3A_53, %dma_start3A_61] : memref<5120x1024xf32, #tpu.memory_space<hbm>> -> memref<32x1024xf32, #tpu.memory_space<hbm>>
      %dma_start3A_63 = arith.constant 0 : i32
      %dma_start3A_64 = tpu.memref_slice %arg4[%add3A_53, %dma_start3A_63] : memref<5120x1024xf32, #tpu.memory_space<hbm>> -> memref<32x1024xf32, #tpu.memory_space<hbm>>
      tpu.enqueue_dma source(%arg7 : memref<32x1024xf32, #tpu.memory_space<vmem>>) target(%dma_start3A_64 : memref<32x1024xf32, #tpu.memory_space<hbm>>) target_semaphore(%run_scoped3A : memref<!tpu.dma_semaphore, #tpu.memory_space<semaphore_mem>>)
      %dma_wait3A_65 = arith.constant 0 : i32
      %dma_wait3A_66 = tpu.memref_slice %arg4[%add3A_53, %dma_wait3A_65] : memref<5120x1024xf32, #tpu.memory_space<hbm>> -> memref<32x1024xf32, #tpu.memory_space<hbm>>
      %dma_wait3A_67 = arith.constant 0 : i32
      %dma_wait3A_68 = tpu.memref_slice %arg4[%add3A_53, %dma_wait3A_67] : memref<5120x1024xf32, #tpu.memory_space<hbm>> -> memref<32x1024xf32, #tpu.memory_space<hbm>>
      tpu.wait_dma2 semaphore(%run_scoped3A : memref<!tpu.dma_semaphore, #tpu.memory_space<semaphore_mem>>) src(%arg7 : memref<32x1024xf32, #tpu.memory_space<vmem>>) dst(%dma_wait3A_68 : memref<32x1024xf32, #tpu.memory_space<hbm>>)
      tpu.yield
    }) : () -> ()
    %dma_wait3A_54 = arith.constant 128 : i32
    %dma_wait3A_55 = tpu.memref_slice %arg5[%dma_wait3A_54] : memref<160xi32, #tpu.memory_space<vmem>> -> memref<32xi32, #tpu.memory_space<vmem>>
    %dma_wait3A_56 = arith.constant 0 : i32
    %dma_wait3A_57 = arith.constant 0 : i32
    %dma_wait3A_58 = tpu.memref_slice %arg2[%dma_wait3A_56, %dma_wait3A_57] : memref<2048x1024xf32, #tpu.memory_space<hbm>> -> memref<2048x1024xf32, #tpu.memory_space<hbm>>
    tpu.wait_indirect_dma semaphore(%arg8 : memref<!tpu.dma_semaphore, #tpu.memory_space<semaphore_mem>>) src(%dma_wait3A_58 : memref<2048x1024xf32, #tpu.memory_space<hbm>>) dst(%arg6 : memref<32x1024xf32, #tpu.memory_space<vmem>>)
    %add3A_59 = arith.constant 128 : i32
    %add3A_60 = arith.addi %mul3A_2, %add3A_59 : i32
    "tpu.region"() ({
      %run_scoped3A = tpu.sem_alloc : memref<!tpu.dma_semaphore, #tpu.memory_space<semaphore_mem>>
      %dma_start3A_61 = arith.constant 0 : i32
      %dma_start3A_62 = tpu.memref_slice %arg4[%add3A_60, %dma_start3A_61] : memref<5120x1024xf32, #tpu.memory_space<hbm>> -> memref<32x1024xf32, #tpu.memory_space<hbm>>
      %dma_start3A_63 = arith.constant 0 : i32
      %dma_start3A_64 = tpu.memref_slice %arg4[%add3A_60, %dma_start3A_63] : memref<5120x1024xf32, #tpu.memory_space<hbm>> -> memref<32x1024xf32, #tpu.memory_space<hbm>>
      tpu.enqueue_dma source(%arg6 : memref<32x1024xf32, #tpu.memory_space<vmem>>) target(%dma_start3A_64 : memref<32x1024xf32, #tpu.memory_space<hbm>>) target_semaphore(%run_scoped3A : memref<!tpu.dma_semaphore, #tpu.memory_space<semaphore_mem>>)
      %dma_wait3A_65 = arith.constant 0 : i32
      %dma_wait3A_66 = tpu.memref_slice %arg4[%add3A_60, %dma_wait3A_65] : memref<5120x1024xf32, #tpu.memory_space<hbm>> -> memref<32x1024xf32, #tpu.memory_space<hbm>>
      %dma_wait3A_67 = arith.constant 0 : i32
      %dma_wait3A_68 = tpu.memref_slice %arg4[%add3A_60, %dma_wait3A_67] : memref<5120x1024xf32, #tpu.memory_space<hbm>> -> memref<32x1024xf32, #tpu.memory_space<hbm>>
      tpu.wait_dma2 semaphore(%run_scoped3A : memref<!tpu.dma_semaphore, #tpu.memory_space<semaphore_mem>>) src(%arg6 : memref<32x1024xf32, #tpu.memory_space<vmem>>) dst(%dma_wait3A_68 : memref<32x1024xf32, #tpu.memory_space<hbm>>)
      tpu.yield
    }) : () -> ()
    return
  }
}

#map = affine_map<(d0, d1) -> (0, 0)>
#map1 = affine_map<(d0, d1) -> (0)>
module attributes {stable_mosaic.version = 14 : i64} {
  func.func @gk(%arg0: i32, %arg1: i32, %arg2: memref<5120x1024xf32, #tpu.memory_space<hbm>>, %arg3: memref<4096xi32, #tpu.memory_space<hbm>>, %arg4: memref<4096x1024xf32, #tpu.memory_space<hbm>>, %arg5: memref<128xi32, #tpu.memory_space<vmem>>, %arg6: memref<32x1024xf32, #tpu.memory_space<vmem>>, %arg7: memref<32x1024xf32, #tpu.memory_space<vmem>>, %arg8: memref<!tpu.dma_semaphore, #tpu.memory_space<semaphore_mem>>, %arg9: memref<!tpu.dma_semaphore, #tpu.memory_space<semaphore_mem>>) attributes {dimension_semantics = [#tpu.dimension_semantics<core_parallel>, #tpu.dimension_semantics<subcore_parallel>], iteration_bounds = array<i64: 2, 16>, scalar_prefetch = 0 : i64, scratch_operands = 5 : i64, tpu.core_type = #tpu.core_type<sc_vector_subcore>, window_params = [{transform_indices = #map}, {transform_indices = #map1}, {transform_indices = #map}]} {
    %mul3A = arith.constant 2 : i32
    %mul3A_0 = arith.muli %arg1, %mul3A : i32
    %add3A = arith.addi %mul3A_0, %arg0 : i32
    %mul3A_1 = arith.constant 128 : i32
    %mul3A_2 = arith.muli %add3A, %mul3A_1 : i32
    "tpu.region"() ({
      %run_scoped3A = tpu.sem_alloc : memref<!tpu.dma_semaphore, #tpu.memory_space<semaphore_mem>>
      %dma_start3A_49 = tpu.memref_slice %arg3[%mul3A_2] : memref<4096xi32, #tpu.memory_space<hbm>> -> memref<128xi32, #tpu.memory_space<hbm>>
      %dma_start3A_50 = tpu.memref_slice %arg3[%mul3A_2] : memref<4096xi32, #tpu.memory_space<hbm>> -> memref<128xi32, #tpu.memory_space<hbm>>
      tpu.enqueue_dma source(%dma_start3A_50 : memref<128xi32, #tpu.memory_space<hbm>>) target(%arg5 : memref<128xi32, #tpu.memory_space<vmem>>) target_semaphore(%run_scoped3A : memref<!tpu.dma_semaphore, #tpu.memory_space<semaphore_mem>>)
      %dma_wait3A_51 = tpu.memref_slice %arg3[%mul3A_2] : memref<4096xi32, #tpu.memory_space<hbm>> -> memref<128xi32, #tpu.memory_space<hbm>>
      %dma_wait3A_52 = tpu.memref_slice %arg3[%mul3A_2] : memref<4096xi32, #tpu.memory_space<hbm>> -> memref<128xi32, #tpu.memory_space<hbm>>
      tpu.wait_dma2 semaphore(%run_scoped3A : memref<!tpu.dma_semaphore, #tpu.memory_space<semaphore_mem>>) src(%dma_wait3A_52 : memref<128xi32, #tpu.memory_space<hbm>>) dst(%arg5 : memref<128xi32, #tpu.memory_space<vmem>>)
      tpu.yield
    }) : () -> ()
    %dma_start3A = arith.constant 0 : i32
    %dma_start3A_3 = tpu.memref_slice %arg5[%dma_start3A] : memref<128xi32, #tpu.memory_space<vmem>> -> memref<32xi32, #tpu.memory_space<vmem>>
    %dma_start3A_4 = arith.constant 0 : i32
    %dma_start3A_5 = arith.constant 0 : i32
    %dma_start3A_6 = tpu.memref_slice %arg2[%dma_start3A_4, %dma_start3A_5] : memref<5120x1024xf32, #tpu.memory_space<hbm>> -> memref<5120x1024xf32, #tpu.memory_space<hbm>>
    tpu.enqueue_indirect_dma source(%dma_start3A_6 : memref<5120x1024xf32, #tpu.memory_space<hbm>>) target(%arg6 : memref<32x1024xf32, #tpu.memory_space<vmem>>) offsets(%dma_start3A_3 : memref<32xi32, #tpu.memory_space<vmem>>) semaphore(%arg8 : memref<!tpu.dma_semaphore, #tpu.memory_space<semaphore_mem>>)
    %dma_start3A_7 = arith.constant 32 : i32
    %dma_start3A_8 = tpu.memref_slice %arg5[%dma_start3A_7] : memref<128xi32, #tpu.memory_space<vmem>> -> memref<32xi32, #tpu.memory_space<vmem>>
    %dma_start3A_9 = arith.constant 0 : i32
    %dma_start3A_10 = arith.constant 0 : i32
    %dma_start3A_11 = tpu.memref_slice %arg2[%dma_start3A_9, %dma_start3A_10] : memref<5120x1024xf32, #tpu.memory_space<hbm>> -> memref<5120x1024xf32, #tpu.memory_space<hbm>>
    tpu.enqueue_indirect_dma source(%dma_start3A_11 : memref<5120x1024xf32, #tpu.memory_space<hbm>>) target(%arg7 : memref<32x1024xf32, #tpu.memory_space<vmem>>) offsets(%dma_start3A_8 : memref<32xi32, #tpu.memory_space<vmem>>) semaphore(%arg9 : memref<!tpu.dma_semaphore, #tpu.memory_space<semaphore_mem>>)
    %dma_wait3A = arith.constant 0 : i32
    %dma_wait3A_12 = tpu.memref_slice %arg5[%dma_wait3A] : memref<128xi32, #tpu.memory_space<vmem>> -> memref<32xi32, #tpu.memory_space<vmem>>
    %dma_wait3A_13 = arith.constant 0 : i32
    %dma_wait3A_14 = arith.constant 0 : i32
    %dma_wait3A_15 = tpu.memref_slice %arg2[%dma_wait3A_13, %dma_wait3A_14] : memref<5120x1024xf32, #tpu.memory_space<hbm>> -> memref<5120x1024xf32, #tpu.memory_space<hbm>>
    tpu.wait_indirect_dma semaphore(%arg8 : memref<!tpu.dma_semaphore, #tpu.memory_space<semaphore_mem>>) src(%dma_wait3A_15 : memref<5120x1024xf32, #tpu.memory_space<hbm>>) dst(%arg6 : memref<32x1024xf32, #tpu.memory_space<vmem>>)
    %add3A_16 = arith.constant 0 : i32
    %add3A_17 = arith.addi %mul3A_2, %add3A_16 : i32
    "tpu.region"() ({
      %run_scoped3A = tpu.sem_alloc : memref<!tpu.dma_semaphore, #tpu.memory_space<semaphore_mem>>
      %dma_start3A_49 = arith.constant 0 : i32
      %dma_start3A_50 = tpu.memref_slice %arg4[%add3A_17, %dma_start3A_49] : memref<4096x1024xf32, #tpu.memory_space<hbm>> -> memref<32x1024xf32, #tpu.memory_space<hbm>>
      %dma_start3A_51 = arith.constant 0 : i32
      %dma_start3A_52 = tpu.memref_slice %arg4[%add3A_17, %dma_start3A_51] : memref<4096x1024xf32, #tpu.memory_space<hbm>> -> memref<32x1024xf32, #tpu.memory_space<hbm>>
      tpu.enqueue_dma source(%arg6 : memref<32x1024xf32, #tpu.memory_space<vmem>>) target(%dma_start3A_52 : memref<32x1024xf32, #tpu.memory_space<hbm>>) target_semaphore(%run_scoped3A : memref<!tpu.dma_semaphore, #tpu.memory_space<semaphore_mem>>)
      %dma_wait3A_53 = arith.constant 0 : i32
      %dma_wait3A_54 = tpu.memref_slice %arg4[%add3A_17, %dma_wait3A_53] : memref<4096x1024xf32, #tpu.memory_space<hbm>> -> memref<32x1024xf32, #tpu.memory_space<hbm>>
      %dma_wait3A_55 = arith.constant 0 : i32
      %dma_wait3A_56 = tpu.memref_slice %arg4[%add3A_17, %dma_wait3A_55] : memref<4096x1024xf32, #tpu.memory_space<hbm>> -> memref<32x1024xf32, #tpu.memory_space<hbm>>
      tpu.wait_dma2 semaphore(%run_scoped3A : memref<!tpu.dma_semaphore, #tpu.memory_space<semaphore_mem>>) src(%arg6 : memref<32x1024xf32, #tpu.memory_space<vmem>>) dst(%dma_wait3A_56 : memref<32x1024xf32, #tpu.memory_space<hbm>>)
      tpu.yield
    }) : () -> ()
    %dma_start3A_18 = arith.constant 64 : i32
    %dma_start3A_19 = tpu.memref_slice %arg5[%dma_start3A_18] : memref<128xi32, #tpu.memory_space<vmem>> -> memref<32xi32, #tpu.memory_space<vmem>>
    %dma_start3A_20 = arith.constant 0 : i32
    %dma_start3A_21 = arith.constant 0 : i32
    %dma_start3A_22 = tpu.memref_slice %arg2[%dma_start3A_20, %dma_start3A_21] : memref<5120x1024xf32, #tpu.memory_space<hbm>> -> memref<5120x1024xf32, #tpu.memory_space<hbm>>
    tpu.enqueue_indirect_dma source(%dma_start3A_22 : memref<5120x1024xf32, #tpu.memory_space<hbm>>) target(%arg6 : memref<32x1024xf32, #tpu.memory_space<vmem>>) offsets(%dma_start3A_19 : memref<32xi32, #tpu.memory_space<vmem>>) semaphore(%arg8 : memref<!tpu.dma_semaphore, #tpu.memory_space<semaphore_mem>>)
    %dma_wait3A_23 = arith.constant 32 : i32
    %dma_wait3A_24 = tpu.memref_slice %arg5[%dma_wait3A_23] : memref<128xi32, #tpu.memory_space<vmem>> -> memref<32xi32, #tpu.memory_space<vmem>>
    %dma_wait3A_25 = arith.constant 0 : i32
    %dma_wait3A_26 = arith.constant 0 : i32
    %dma_wait3A_27 = tpu.memref_slice %arg2[%dma_wait3A_25, %dma_wait3A_26] : memref<5120x1024xf32, #tpu.memory_space<hbm>> -> memref<5120x1024xf32, #tpu.memory_space<hbm>>
    tpu.wait_indirect_dma semaphore(%arg9 : memref<!tpu.dma_semaphore, #tpu.memory_space<semaphore_mem>>) src(%dma_wait3A_27 : memref<5120x1024xf32, #tpu.memory_space<hbm>>) dst(%arg7 : memref<32x1024xf32, #tpu.memory_space<vmem>>)
    %add3A_28 = arith.constant 32 : i32
    %add3A_29 = arith.addi %mul3A_2, %add3A_28 : i32
    "tpu.region"() ({
      %run_scoped3A = tpu.sem_alloc : memref<!tpu.dma_semaphore, #tpu.memory_space<semaphore_mem>>
      %dma_start3A_49 = arith.constant 0 : i32
      %dma_start3A_50 = tpu.memref_slice %arg4[%add3A_29, %dma_start3A_49] : memref<4096x1024xf32, #tpu.memory_space<hbm>> -> memref<32x1024xf32, #tpu.memory_space<hbm>>
      %dma_start3A_51 = arith.constant 0 : i32
      %dma_start3A_52 = tpu.memref_slice %arg4[%add3A_29, %dma_start3A_51] : memref<4096x1024xf32, #tpu.memory_space<hbm>> -> memref<32x1024xf32, #tpu.memory_space<hbm>>
      tpu.enqueue_dma source(%arg7 : memref<32x1024xf32, #tpu.memory_space<vmem>>) target(%dma_start3A_52 : memref<32x1024xf32, #tpu.memory_space<hbm>>) target_semaphore(%run_scoped3A : memref<!tpu.dma_semaphore, #tpu.memory_space<semaphore_mem>>)
      %dma_wait3A_53 = arith.constant 0 : i32
      %dma_wait3A_54 = tpu.memref_slice %arg4[%add3A_29, %dma_wait3A_53] : memref<4096x1024xf32, #tpu.memory_space<hbm>> -> memref<32x1024xf32, #tpu.memory_space<hbm>>
      %dma_wait3A_55 = arith.constant 0 : i32
      %dma_wait3A_56 = tpu.memref_slice %arg4[%add3A_29, %dma_wait3A_55] : memref<4096x1024xf32, #tpu.memory_space<hbm>> -> memref<32x1024xf32, #tpu.memory_space<hbm>>
      tpu.wait_dma2 semaphore(%run_scoped3A : memref<!tpu.dma_semaphore, #tpu.memory_space<semaphore_mem>>) src(%arg7 : memref<32x1024xf32, #tpu.memory_space<vmem>>) dst(%dma_wait3A_56 : memref<32x1024xf32, #tpu.memory_space<hbm>>)
      tpu.yield
    }) : () -> ()
    %dma_start3A_30 = arith.constant 96 : i32
    %dma_start3A_31 = tpu.memref_slice %arg5[%dma_start3A_30] : memref<128xi32, #tpu.memory_space<vmem>> -> memref<32xi32, #tpu.memory_space<vmem>>
    %dma_start3A_32 = arith.constant 0 : i32
    %dma_start3A_33 = arith.constant 0 : i32
    %dma_start3A_34 = tpu.memref_slice %arg2[%dma_start3A_32, %dma_start3A_33] : memref<5120x1024xf32, #tpu.memory_space<hbm>> -> memref<5120x1024xf32, #tpu.memory_space<hbm>>
    tpu.enqueue_indirect_dma source(%dma_start3A_34 : memref<5120x1024xf32, #tpu.memory_space<hbm>>) target(%arg7 : memref<32x1024xf32, #tpu.memory_space<vmem>>) offsets(%dma_start3A_31 : memref<32xi32, #tpu.memory_space<vmem>>) semaphore(%arg9 : memref<!tpu.dma_semaphore, #tpu.memory_space<semaphore_mem>>)
    %dma_wait3A_35 = arith.constant 64 : i32
    %dma_wait3A_36 = tpu.memref_slice %arg5[%dma_wait3A_35] : memref<128xi32, #tpu.memory_space<vmem>> -> memref<32xi32, #tpu.memory_space<vmem>>
    %dma_wait3A_37 = arith.constant 0 : i32
    %dma_wait3A_38 = arith.constant 0 : i32
    %dma_wait3A_39 = tpu.memref_slice %arg2[%dma_wait3A_37, %dma_wait3A_38] : memref<5120x1024xf32, #tpu.memory_space<hbm>> -> memref<5120x1024xf32, #tpu.memory_space<hbm>>
    tpu.wait_indirect_dma semaphore(%arg8 : memref<!tpu.dma_semaphore, #tpu.memory_space<semaphore_mem>>) src(%dma_wait3A_39 : memref<5120x1024xf32, #tpu.memory_space<hbm>>) dst(%arg6 : memref<32x1024xf32, #tpu.memory_space<vmem>>)
    %add3A_40 = arith.constant 64 : i32
    %add3A_41 = arith.addi %mul3A_2, %add3A_40 : i32
    "tpu.region"() ({
      %run_scoped3A = tpu.sem_alloc : memref<!tpu.dma_semaphore, #tpu.memory_space<semaphore_mem>>
      %dma_start3A_49 = arith.constant 0 : i32
      %dma_start3A_50 = tpu.memref_slice %arg4[%add3A_41, %dma_start3A_49] : memref<4096x1024xf32, #tpu.memory_space<hbm>> -> memref<32x1024xf32, #tpu.memory_space<hbm>>
      %dma_start3A_51 = arith.constant 0 : i32
      %dma_start3A_52 = tpu.memref_slice %arg4[%add3A_41, %dma_start3A_51] : memref<4096x1024xf32, #tpu.memory_space<hbm>> -> memref<32x1024xf32, #tpu.memory_space<hbm>>
      tpu.enqueue_dma source(%arg6 : memref<32x1024xf32, #tpu.memory_space<vmem>>) target(%dma_start3A_52 : memref<32x1024xf32, #tpu.memory_space<hbm>>) target_semaphore(%run_scoped3A : memref<!tpu.dma_semaphore, #tpu.memory_space<semaphore_mem>>)
      %dma_wait3A_53 = arith.constant 0 : i32
      %dma_wait3A_54 = tpu.memref_slice %arg4[%add3A_41, %dma_wait3A_53] : memref<4096x1024xf32, #tpu.memory_space<hbm>> -> memref<32x1024xf32, #tpu.memory_space<hbm>>
      %dma_wait3A_55 = arith.constant 0 : i32
      %dma_wait3A_56 = tpu.memref_slice %arg4[%add3A_41, %dma_wait3A_55] : memref<4096x1024xf32, #tpu.memory_space<hbm>> -> memref<32x1024xf32, #tpu.memory_space<hbm>>
      tpu.wait_dma2 semaphore(%run_scoped3A : memref<!tpu.dma_semaphore, #tpu.memory_space<semaphore_mem>>) src(%arg6 : memref<32x1024xf32, #tpu.memory_space<vmem>>) dst(%dma_wait3A_56 : memref<32x1024xf32, #tpu.memory_space<hbm>>)
      tpu.yield
    }) : () -> ()
    %dma_wait3A_42 = arith.constant 96 : i32
    %dma_wait3A_43 = tpu.memref_slice %arg5[%dma_wait3A_42] : memref<128xi32, #tpu.memory_space<vmem>> -> memref<32xi32, #tpu.memory_space<vmem>>
    %dma_wait3A_44 = arith.constant 0 : i32
    %dma_wait3A_45 = arith.constant 0 : i32
    %dma_wait3A_46 = tpu.memref_slice %arg2[%dma_wait3A_44, %dma_wait3A_45] : memref<5120x1024xf32, #tpu.memory_space<hbm>> -> memref<5120x1024xf32, #tpu.memory_space<hbm>>
    tpu.wait_indirect_dma semaphore(%arg9 : memref<!tpu.dma_semaphore, #tpu.memory_space<semaphore_mem>>) src(%dma_wait3A_46 : memref<5120x1024xf32, #tpu.memory_space<hbm>>) dst(%arg7 : memref<32x1024xf32, #tpu.memory_space<vmem>>)
    %add3A_47 = arith.constant 96 : i32
    %add3A_48 = arith.addi %mul3A_2, %add3A_47 : i32
    "tpu.region"() ({
      %run_scoped3A = tpu.sem_alloc : memref<!tpu.dma_semaphore, #tpu.memory_space<semaphore_mem>>
      %dma_start3A_49 = arith.constant 0 : i32
      %dma_start3A_50 = tpu.memref_slice %arg4[%add3A_48, %dma_start3A_49] : memref<4096x1024xf32, #tpu.memory_space<hbm>> -> memref<32x1024xf32, #tpu.memory_space<hbm>>
      %dma_start3A_51 = arith.constant 0 : i32
      %dma_start3A_52 = tpu.memref_slice %arg4[%add3A_48, %dma_start3A_51] : memref<4096x1024xf32, #tpu.memory_space<hbm>> -> memref<32x1024xf32, #tpu.memory_space<hbm>>
      tpu.enqueue_dma source(%arg7 : memref<32x1024xf32, #tpu.memory_space<vmem>>) target(%dma_start3A_52 : memref<32x1024xf32, #tpu.memory_space<hbm>>) target_semaphore(%run_scoped3A : memref<!tpu.dma_semaphore, #tpu.memory_space<semaphore_mem>>)
      %dma_wait3A_53 = arith.constant 0 : i32
      %dma_wait3A_54 = tpu.memref_slice %arg4[%add3A_48, %dma_wait3A_53] : memref<4096x1024xf32, #tpu.memory_space<hbm>> -> memref<32x1024xf32, #tpu.memory_space<hbm>>
      %dma_wait3A_55 = arith.constant 0 : i32
      %dma_wait3A_56 = tpu.memref_slice %arg4[%add3A_48, %dma_wait3A_55] : memref<4096x1024xf32, #tpu.memory_space<hbm>> -> memref<32x1024xf32, #tpu.memory_space<hbm>>
      tpu.wait_dma2 semaphore(%run_scoped3A : memref<!tpu.dma_semaphore, #tpu.memory_space<semaphore_mem>>) src(%arg7 : memref<32x1024xf32, #tpu.memory_space<vmem>>) dst(%dma_wait3A_56 : memref<32x1024xf32, #tpu.memory_space<hbm>>)
      tpu.yield
    }) : () -> ()
    return
  }
}

module attributes {stable_mosaic.version = 14 : i64} {
  func.func @body(%arg0: i32, %arg1: memref<1x512x64xf32, #tpu.memory_space<vmem>>, %arg2: memref<1x2048x64xf32, #tpu.memory_space<vmem>>, %arg3: memref<1x2048x64xf32, #tpu.memory_space<vmem>>, %arg4: memref<1x512x64xf32, #tpu.memory_space<vmem>>) attributes {dimension_semantics = [#tpu.dimension_semantics<arbitrary>], iteration_bounds = array<i64: 16>, scalar_prefetch = 0 : i64, scratch_operands = 0 : i64, tpu.core_type = #tpu.core_type<tc>, window_params = [{transform_indices = @transform_0, window_bounds = array<i64: 1, 512, 64>}, {transform_indices = @transform_1, window_bounds = array<i64: 1, 2048, 64>}, {transform_indices = @transform_2, window_bounds = array<i64: 1, 2048, 64>}, {transform_indices = @transform_3, window_bounds = array<i64: 1, 512, 64>}]} {
    %get3A = arith.constant 0 : index
    %get3A_0 = arith.constant 0 : index
    %get3A_1 = arith.constant 0 : index
    %get3A_2 = vector.load %arg1[%get3A, %get3A_0, %get3A_1] : memref<1x512x64xf32, #tpu.memory_space<vmem>>, vector<1x512x64xf32>
    %get3A_3 = vector.shape_cast %get3A_2 : vector<1x512x64xf32> to vector<512x64xf32>
    %get3A_4 = arith.constant 0 : index
    %get3A_5 = arith.constant 0 : index
    %get3A_6 = arith.constant 0 : index
    %get3A_7 = vector.load %arg2[%get3A_4, %get3A_5, %get3A_6] : memref<1x2048x64xf32, #tpu.memory_space<vmem>>, vector<1x2048x64xf32>
    %get3A_8 = vector.shape_cast %get3A_7 : vector<1x2048x64xf32> to vector<2048x64xf32>
    %dot_general3A = arith.constant dense<0.000000e+00> : vector<512x2048xf32>
    %dot_general3A_9 = tpu.matmul %get3A_3, %get3A_8, %dot_general3A {dimension_numbers = #tpu.dot_dimension_numbers<[1], [1], [0], [0], [0, 0, 1, 0], [], []>, transpose_lhs_hint = false} : vector<512x64xf32>, vector<2048x64xf32>, vector<512x2048xf32> -> vector<512x2048xf32>
    %mul3A = arith.constant 1.250000e-01 : f32
    %mul3A_10 = vector.broadcast %mul3A : f32 to vector<512x2048xf32>
    %mul3A_11 = arith.mulf %dot_general3A_9, %mul3A_10 : vector<512x2048xf32>
    %iota3A = tpu.iota {dimensions = array<i32: 0>} : vector<512x2048xi32>
    %add3A = arith.constant 1536 : i32
    %add3A_12 = vector.broadcast %add3A : i32 to vector<512x2048xi32>
    %add3A_13 = arith.addi %iota3A, %add3A_12 : vector<512x2048xi32>
    %iota3A_14 = tpu.iota {dimensions = array<i32: 1>} : vector<512x2048xi32>
    %ge3A = arith.cmpi sge, %add3A_13, %iota3A_14 : vector<512x2048xi32>
    %jit3A = arith.constant -3.40282347E+38 : f32
    %broadcast_in_dim3A = vector.broadcast %jit3A : f32 to vector<512x2048xf32>
    %select_n3A = arith.select %ge3A, %mul3A_11, %broadcast_in_dim3A : vector<512x2048xi1>, vector<512x2048xf32>
    %reduce_max3A = arith.constant dense<0xFF800000> : vector<512xf32>
    %reduce_max3A_15 = vector.multi_reduction <maximumf>, %select_n3A, %reduce_max3A [1] : vector<512x2048xf32> to vector<512xf32>
    %broadcast_in_dim3A_16 = vector.shape_cast %reduce_max3A_15 : vector<512xf32> to vector<512x1xf32>
    %sub3A = vector.broadcast %broadcast_in_dim3A_16 : vector<512x1xf32> to vector<512x2048xf32>
    %sub3A_17 = arith.subf %select_n3A, %sub3A : vector<512x2048xf32>
    %exp3A = math.exp %sub3A_17 : vector<512x2048xf32>
    %reduce_sum3A = arith.constant dense<0.000000e+00> : vector<512xf32>
    %reduce_sum3A_18 = vector.multi_reduction <add>, %exp3A, %reduce_sum3A [1] : vector<512x2048xf32> to vector<512xf32>
    %broadcast_in_dim3A_19 = vector.shape_cast %reduce_sum3A_18 : vector<512xf32> to vector<512x1xf32>
    %div3A = vector.broadcast %broadcast_in_dim3A_19 : vector<512x1xf32> to vector<512x2048xf32>
    %div3A_20 = arith.divf %exp3A, %div3A : vector<512x2048xf32>
    %get3A_21 = arith.constant 0 : index
    %get3A_22 = arith.constant 0 : index
    %get3A_23 = arith.constant 0 : index
    %get3A_24 = vector.load %arg3[%get3A_21, %get3A_22, %get3A_23] : memref<1x2048x64xf32, #tpu.memory_space<vmem>>, vector<1x2048x64xf32>
    %get3A_25 = vector.shape_cast %get3A_24 : vector<1x2048x64xf32> to vector<2048x64xf32>
    %dot_general3A_26 = arith.constant dense<0.000000e+00> : vector<512x64xf32>
    %dot_general3A_27 = tpu.matmul %div3A_20, %get3A_25, %dot_general3A_26 {dimension_numbers = #tpu.dot_dimension_numbers<[1], [0], [0], [1], [0, 0, 1, 1], [], []>, transpose_lhs_hint = false} : vector<512x2048xf32>, vector<2048x64xf32>, vector<512x64xf32> -> vector<512x64xf32>
    %swap3A = arith.constant 0 : index
    %swap3A_28 = arith.constant 0 : index
    %swap3A_29 = arith.constant 0 : index
    %swap3A_30 = vector.load %arg4[%swap3A, %swap3A_28, %swap3A_29] : memref<1x512x64xf32, #tpu.memory_space<vmem>>, vector<1x512x64xf32>
    %swap3A_31 = vector.shape_cast %swap3A_30 : vector<1x512x64xf32> to vector<512x64xf32>
    %swap3A_32 = vector.shape_cast %dot_general3A_27 : vector<512x64xf32> to vector<1x512x64xf32>
    tpu.vector_store %arg4[%swap3A, %swap3A_28, %swap3A_29], %swap3A_32 {strides = array<i32>} : memref<1x512x64xf32, #tpu.memory_space<vmem>>, vector<1x512x64xf32>,
    return
  }
  func.func @transform_0(%arg0: i32) -> (i32, i32, i32) {
    %c3_i32 = arith.constant 3 : i32
    %c0_i32 = arith.constant 0 : i32
    %c0_i32_0 = arith.constant 0 : i32
    return %arg0, %c3_i32, %c0_i32 : i32, i32, i32
  }
  func.func @transform_1(%arg0: i32) -> (i32, i32, i32) {
    %jit3A = arith.constant 4 : i32
    %div3A = arith.divsi %arg0, %jit3A : i32
    %sign3A = arith.constant 0 : i32
    %sign3A_0 = arith.cmpi sgt, %arg0, %sign3A : i32
    %sign3A_1 = arith.extui %sign3A_0 : i1 to i32
    %sign3A_2 = arith.constant 0 : i32
    %sign3A_3 = arith.cmpi slt, %arg0, %sign3A_2 : i32
    %sign3A_4 = arith.extui %sign3A_3 : i1 to i32
    %sign3A_5 = arith.subi %sign3A_1, %sign3A_4 : i32
    %sign3A_6 = arith.constant 0 : i32
    %sign3A_7 = arith.cmpi sgt, %jit3A, %sign3A_6 : i32
    %sign3A_8 = arith.extui %sign3A_7 : i1 to i32
    %sign3A_9 = arith.constant 0 : i32
    %sign3A_10 = arith.cmpi slt, %jit3A, %sign3A_9 : i32
    %sign3A_11 = arith.extui %sign3A_10 : i1 to i32
    %sign3A_12 = arith.subi %sign3A_8, %sign3A_11 : i32
    %ne3A = arith.cmpi ne, %sign3A_5, %sign3A_12 : i32
    %rem3A = arith.remsi %arg0, %jit3A : i32
    %ne3A_13 = arith.constant 0 : i32
    %ne3A_14 = arith.cmpi ne, %rem3A, %ne3A_13 : i32
    %and3A = arith.andi %ne3A, %ne3A_14 : i1
    %sub3A = arith.constant 1 : i32
    %sub3A_15 = arith.subi %div3A, %sub3A : i32
    %select_n3A = arith.select %and3A, %sub3A_15, %div3A : i32
    %c0_i32 = arith.constant 0 : i32
    %c0_i32_16 = arith.constant 0 : i32
    %c0_i32_17 = arith.constant 0 : i32
    return %select_n3A, %c0_i32, %c0_i32_16 : i32, i32, i32
  }
  func.func @transform_2(%arg0: i32) -> (i32, i32, i32) {
    %jit3A = arith.constant 4 : i32
    %div3A = arith.divsi %arg0, %jit3A : i32
    %sign3A = arith.constant 0 : i32
    %sign3A_0 = arith.cmpi sgt, %arg0, %sign3A : i32
    %sign3A_1 = arith.extui %sign3A_0 : i1 to i32
    %sign3A_2 = arith.constant 0 : i32
    %sign3A_3 = arith.cmpi slt, %arg0, %sign3A_2 : i32
    %sign3A_4 = arith.extui %sign3A_3 : i1 to i32
    %sign3A_5 = arith.subi %sign3A_1, %sign3A_4 : i32
    %sign3A_6 = arith.constant 0 : i32
    %sign3A_7 = arith.cmpi sgt, %jit3A, %sign3A_6 : i32
    %sign3A_8 = arith.extui %sign3A_7 : i1 to i32
    %sign3A_9 = arith.constant 0 : i32
    %sign3A_10 = arith.cmpi slt, %jit3A, %sign3A_9 : i32
    %sign3A_11 = arith.extui %sign3A_10 : i1 to i32
    %sign3A_12 = arith.subi %sign3A_8, %sign3A_11 : i32
    %ne3A = arith.cmpi ne, %sign3A_5, %sign3A_12 : i32
    %rem3A = arith.remsi %arg0, %jit3A : i32
    %ne3A_13 = arith.constant 0 : i32
    %ne3A_14 = arith.cmpi ne, %rem3A, %ne3A_13 : i32
    %and3A = arith.andi %ne3A, %ne3A_14 : i1
    %sub3A = arith.constant 1 : i32
    %sub3A_15 = arith.subi %div3A, %sub3A : i32
    %select_n3A = arith.select %and3A, %sub3A_15, %div3A : i32
    %c0_i32 = arith.constant 0 : i32
    %c0_i32_16 = arith.constant 0 : i32
    %c0_i32_17 = arith.constant 0 : i32
    return %select_n3A, %c0_i32, %c0_i32_16 : i32, i32, i32
  }
  func.func @transform_3(%arg0: i32) -> (i32, i32, i32) {
    %c0_i32 = arith.constant 0 : i32
    %c0_i32_0 = arith.constant 0 : i32
    %c0_i32_1 = arith.constant 0 : i32
    return %arg0, %c0_i32, %c0_i32_0 : i32, i32, i32
  }
}

module attributes {stable_mosaic.version = 14 : i64} {
  func.func @body(%arg0: i32, %arg1: memref<1x512x64xf32, #tpu.memory_space<vmem>>, %arg2: memref<1x1024x64xf32, #tpu.memory_space<vmem>>, %arg3: memref<1x1024x64xf32, #tpu.memory_space<vmem>>, %arg4: memref<1x512x64xf32, #tpu.memory_space<vmem>>) attributes {dimension_semantics = [#tpu.dimension_semantics<arbitrary>], iteration_bounds = array<i64: 16>, scalar_prefetch = 0 : i64, scratch_operands = 0 : i64, tpu.core_type = #tpu.core_type<tc>, window_params = [{transform_indices = @transform_0, window_bounds = array<i64: 1, 512, 64>}, {transform_indices = @transform_1, window_bounds = array<i64: 1, 1024, 64>}, {transform_indices = @transform_2, window_bounds = array<i64: 1, 1024, 64>}, {transform_indices = @transform_3, window_bounds = array<i64: 1, 512, 64>}]} {
    %get3A = arith.constant 0 : index
    %get3A_0 = arith.constant 0 : index
    %get3A_1 = arith.constant 0 : index
    %get3A_2 = vector.load %arg1[%get3A, %get3A_0, %get3A_1] : memref<1x512x64xf32, #tpu.memory_space<vmem>>, vector<1x512x64xf32>
    %get3A_3 = vector.shape_cast %get3A_2 : vector<1x512x64xf32> to vector<512x64xf32>
    %get3A_4 = arith.constant 0 : index
    %get3A_5 = arith.constant 0 : index
    %get3A_6 = arith.constant 0 : index
    %get3A_7 = vector.load %arg2[%get3A_4, %get3A_5, %get3A_6] : memref<1x1024x64xf32, #tpu.memory_space<vmem>>, vector<1x1024x64xf32>
    %get3A_8 = vector.shape_cast %get3A_7 : vector<1x1024x64xf32> to vector<1024x64xf32>
    %dot_general3A = arith.constant dense<0.000000e+00> : vector<512x1024xf32>
    %dot_general3A_9 = tpu.matmul %get3A_3, %get3A_8, %dot_general3A {dimension_numbers = #tpu.dot_dimension_numbers<[1], [1], [0], [0], [0, 0, 1, 0], [], []>, transpose_lhs_hint = false} : vector<512x64xf32>, vector<1024x64xf32>, vector<512x1024xf32> -> vector<512x1024xf32>
    %mul3A = arith.constant 1.250000e-01 : f32
    %mul3A_10 = vector.broadcast %mul3A : f32 to vector<512x1024xf32>
    %mul3A_11 = arith.mulf %dot_general3A_9, %mul3A_10 : vector<512x1024xf32>
    %iota3A = tpu.iota {dimensions = array<i32: 0>} : vector<512x1024xi32>
    %add3A = arith.constant 512 : i32
    %add3A_12 = vector.broadcast %add3A : i32 to vector<512x1024xi32>
    %add3A_13 = arith.addi %iota3A, %add3A_12 : vector<512x1024xi32>
    %iota3A_14 = tpu.iota {dimensions = array<i32: 1>} : vector<512x1024xi32>
    %ge3A = arith.cmpi sge, %add3A_13, %iota3A_14 : vector<512x1024xi32>
    %jit3A = arith.constant -3.40282347E+38 : f32
    %broadcast_in_dim3A = vector.broadcast %jit3A : f32 to vector<512x1024xf32>
    %select_n3A = arith.select %ge3A, %mul3A_11, %broadcast_in_dim3A : vector<512x1024xi1>, vector<512x1024xf32>
    %reduce_max3A = arith.constant dense<0xFF800000> : vector<512xf32>
    %reduce_max3A_15 = vector.multi_reduction <maximumf>, %select_n3A, %reduce_max3A [1] : vector<512x1024xf32> to vector<512xf32>
    %broadcast_in_dim3A_16 = vector.shape_cast %reduce_max3A_15 : vector<512xf32> to vector<512x1xf32>
    %sub3A = vector.broadcast %broadcast_in_dim3A_16 : vector<512x1xf32> to vector<512x1024xf32>
    %sub3A_17 = arith.subf %select_n3A, %sub3A : vector<512x1024xf32>
    %exp3A = math.exp %sub3A_17 : vector<512x1024xf32>
    %reduce_sum3A = arith.constant dense<0.000000e+00> : vector<512xf32>
    %reduce_sum3A_18 = vector.multi_reduction <add>, %exp3A, %reduce_sum3A [1] : vector<512x1024xf32> to vector<512xf32>
    %broadcast_in_dim3A_19 = vector.shape_cast %reduce_sum3A_18 : vector<512xf32> to vector<512x1xf32>
    %div3A = vector.broadcast %broadcast_in_dim3A_19 : vector<512x1xf32> to vector<512x1024xf32>
    %div3A_20 = arith.divf %exp3A, %div3A : vector<512x1024xf32>
    %get3A_21 = arith.constant 0 : index
    %get3A_22 = arith.constant 0 : index
    %get3A_23 = arith.constant 0 : index
    %get3A_24 = vector.load %arg3[%get3A_21, %get3A_22, %get3A_23] : memref<1x1024x64xf32, #tpu.memory_space<vmem>>, vector<1x1024x64xf32>
    %get3A_25 = vector.shape_cast %get3A_24 : vector<1x1024x64xf32> to vector<1024x64xf32>
    %dot_general3A_26 = arith.constant dense<0.000000e+00> : vector<512x64xf32>
    %dot_general3A_27 = tpu.matmul %div3A_20, %get3A_25, %dot_general3A_26 {dimension_numbers = #tpu.dot_dimension_numbers<[1], [0], [0], [1], [0, 0, 1, 1], [], []>, transpose_lhs_hint = false} : vector<512x1024xf32>, vector<1024x64xf32>, vector<512x64xf32> -> vector<512x64xf32>
    %swap3A = arith.constant 0 : index
    %swap3A_28 = arith.constant 0 : index
    %swap3A_29 = arith.constant 0 : index
    %swap3A_30 = vector.load %arg4[%swap3A, %swap3A_28, %swap3A_29] : memref<1x512x64xf32, #tpu.memory_space<vmem>>, vector<1x512x64xf32>
    %swap3A_31 = vector.shape_cast %swap3A_30 : vector<1x512x64xf32> to vector<512x64xf32>
    %swap3A_32 = vector.shape_cast %dot_general3A_27 : vector<512x64xf32> to vector<1x512x64xf32>
    tpu.vector_store %arg4[%swap3A, %swap3A_28, %swap3A_29], %swap3A_32 {strides = array<i32>} : memref<1x512x64xf32, #tpu.memory_space<vmem>>, vector<1x512x64xf32>,
    return
  }
  func.func @transform_0(%arg0: i32) -> (i32, i32, i32) {
    %c1_i32 = arith.constant 1 : i32
    %c0_i32 = arith.constant 0 : i32
    %c0_i32_0 = arith.constant 0 : i32
    return %arg0, %c1_i32, %c0_i32 : i32, i32, i32
  }
  func.func @transform_1(%arg0: i32) -> (i32, i32, i32) {
    %jit3A = arith.constant 4 : i32
    %div3A = arith.divsi %arg0, %jit3A : i32
    %sign3A = arith.constant 0 : i32
    %sign3A_0 = arith.cmpi sgt, %arg0, %sign3A : i32
    %sign3A_1 = arith.extui %sign3A_0 : i1 to i32
    %sign3A_2 = arith.constant 0 : i32
    %sign3A_3 = arith.cmpi slt, %arg0, %sign3A_2 : i32
    %sign3A_4 = arith.extui %sign3A_3 : i1 to i32
    %sign3A_5 = arith.subi %sign3A_1, %sign3A_4 : i32
    %sign3A_6 = arith.constant 0 : i32
    %sign3A_7 = arith.cmpi sgt, %jit3A, %sign3A_6 : i32
    %sign3A_8 = arith.extui %sign3A_7 : i1 to i32
    %sign3A_9 = arith.constant 0 : i32
    %sign3A_10 = arith.cmpi slt, %jit3A, %sign3A_9 : i32
    %sign3A_11 = arith.extui %sign3A_10 : i1 to i32
    %sign3A_12 = arith.subi %sign3A_8, %sign3A_11 : i32
    %ne3A = arith.cmpi ne, %sign3A_5, %sign3A_12 : i32
    %rem3A = arith.remsi %arg0, %jit3A : i32
    %ne3A_13 = arith.constant 0 : i32
    %ne3A_14 = arith.cmpi ne, %rem3A, %ne3A_13 : i32
    %and3A = arith.andi %ne3A, %ne3A_14 : i1
    %sub3A = arith.constant 1 : i32
    %sub3A_15 = arith.subi %div3A, %sub3A : i32
    %select_n3A = arith.select %and3A, %sub3A_15, %div3A : i32
    %c0_i32 = arith.constant 0 : i32
    %c0_i32_16 = arith.constant 0 : i32
    %c0_i32_17 = arith.constant 0 : i32
    return %select_n3A, %c0_i32, %c0_i32_16 : i32, i32, i32
  }
  func.func @transform_2(%arg0: i32) -> (i32, i32, i32) {
    %jit3A = arith.constant 4 : i32
    %div3A = arith.divsi %arg0, %jit3A : i32
    %sign3A = arith.constant 0 : i32
    %sign3A_0 = arith.cmpi sgt, %arg0, %sign3A : i32
    %sign3A_1 = arith.extui %sign3A_0 : i1 to i32
    %sign3A_2 = arith.constant 0 : i32
    %sign3A_3 = arith.cmpi slt, %arg0, %sign3A_2 : i32
    %sign3A_4 = arith.extui %sign3A_3 : i1 to i32
    %sign3A_5 = arith.subi %sign3A_1, %sign3A_4 : i32
    %sign3A_6 = arith.constant 0 : i32
    %sign3A_7 = arith.cmpi sgt, %jit3A, %sign3A_6 : i32
    %sign3A_8 = arith.extui %sign3A_7 : i1 to i32
    %sign3A_9 = arith.constant 0 : i32
    %sign3A_10 = arith.cmpi slt, %jit3A, %sign3A_9 : i32
    %sign3A_11 = arith.extui %sign3A_10 : i1 to i32
    %sign3A_12 = arith.subi %sign3A_8, %sign3A_11 : i32
    %ne3A = arith.cmpi ne, %sign3A_5, %sign3A_12 : i32
    %rem3A = arith.remsi %arg0, %jit3A : i32
    %ne3A_13 = arith.constant 0 : i32
    %ne3A_14 = arith.cmpi ne, %rem3A, %ne3A_13 : i32
    %and3A = arith.andi %ne3A, %ne3A_14 : i1
    %sub3A = arith.constant 1 : i32
    %sub3A_15 = arith.subi %div3A, %sub3A : i32
    %select_n3A = arith.select %and3A, %sub3A_15, %div3A : i32
    %c0_i32 = arith.constant 0 : i32
    %c0_i32_16 = arith.constant 0 : i32
    %c0_i32_17 = arith.constant 0 : i32
    return %select_n3A, %c0_i32, %c0_i32_16 : i32, i32, i32
  }
  func.func @transform_3(%arg0: i32) -> (i32, i32, i32) {
    %c0_i32 = arith.constant 0 : i32
    %c0_i32_0 = arith.constant 0 : i32
    %c0_i32_1 = arith.constant 0 : i32
    return %arg0, %c0_i32, %c0_i32_0 : i32, i32, i32
  }
}

module attributes {stable_mosaic.version = 14 : i64} {
  func.func @body(%arg0: i32, %arg1: memref<1x512x64xf32, #tpu.memory_space<vmem>>, %arg2: memref<1x1536x64xf32, #tpu.memory_space<vmem>>, %arg3: memref<1x1536x64xf32, #tpu.memory_space<vmem>>, %arg4: memref<1x512x64xf32, #tpu.memory_space<vmem>>) attributes {dimension_semantics = [#tpu.dimension_semantics<arbitrary>], iteration_bounds = array<i64: 16>, scalar_prefetch = 0 : i64, scratch_operands = 0 : i64, tpu.core_type = #tpu.core_type<tc>, window_params = [{transform_indices = @transform_0, window_bounds = array<i64: 1, 512, 64>}, {transform_indices = @transform_1, window_bounds = array<i64: 1, 1536, 64>}, {transform_indices = @transform_2, window_bounds = array<i64: 1, 1536, 64>}, {transform_indices = @transform_3, window_bounds = array<i64: 1, 512, 64>}]} {
    %get3A = arith.constant 0 : index
    %get3A_0 = arith.constant 0 : index
    %get3A_1 = arith.constant 0 : index
    %get3A_2 = vector.load %arg1[%get3A, %get3A_0, %get3A_1] : memref<1x512x64xf32, #tpu.memory_space<vmem>>, vector<1x512x64xf32>
    %get3A_3 = vector.shape_cast %get3A_2 : vector<1x512x64xf32> to vector<512x64xf32>
    %get3A_4 = arith.constant 0 : index
    %get3A_5 = arith.constant 0 : index
    %get3A_6 = arith.constant 0 : index
    %get3A_7 = vector.load %arg2[%get3A_4, %get3A_5, %get3A_6] : memref<1x1536x64xf32, #tpu.memory_space<vmem>>, vector<1x1536x64xf32>
    %get3A_8 = vector.shape_cast %get3A_7 : vector<1x1536x64xf32> to vector<1536x64xf32>
    %dot_general3A = arith.constant dense<0.000000e+00> : vector<512x1536xf32>
    %dot_general3A_9 = tpu.matmul %get3A_3, %get3A_8, %dot_general3A {dimension_numbers = #tpu.dot_dimension_numbers<[1], [1], [0], [0], [0, 0, 1, 0], [], []>, transpose_lhs_hint = false} : vector<512x64xf32>, vector<1536x64xf32>, vector<512x1536xf32> -> vector<512x1536xf32>
    %mul3A = arith.constant 1.250000e-01 : f32
    %mul3A_10 = vector.broadcast %mul3A : f32 to vector<512x1536xf32>
    %mul3A_11 = arith.mulf %dot_general3A_9, %mul3A_10 : vector<512x1536xf32>
    %iota3A = tpu.iota {dimensions = array<i32: 0>} : vector<512x1536xi32>
    %add3A = arith.constant 1024 : i32
    %add3A_12 = vector.broadcast %add3A : i32 to vector<512x1536xi32>
    %add3A_13 = arith.addi %iota3A, %add3A_12 : vector<512x1536xi32>
    %iota3A_14 = tpu.iota {dimensions = array<i32: 1>} : vector<512x1536xi32>
    %ge3A = arith.cmpi sge, %add3A_13, %iota3A_14 : vector<512x1536xi32>
    %jit3A = arith.constant -3.40282347E+38 : f32
    %broadcast_in_dim3A = vector.broadcast %jit3A : f32 to vector<512x1536xf32>
    %select_n3A = arith.select %ge3A, %mul3A_11, %broadcast_in_dim3A : vector<512x1536xi1>, vector<512x1536xf32>
    %reduce_max3A = arith.constant dense<0xFF800000> : vector<512xf32>
    %reduce_max3A_15 = vector.multi_reduction <maximumf>, %select_n3A, %reduce_max3A [1] : vector<512x1536xf32> to vector<512xf32>
    %broadcast_in_dim3A_16 = vector.shape_cast %reduce_max3A_15 : vector<512xf32> to vector<512x1xf32>
    %sub3A = vector.broadcast %broadcast_in_dim3A_16 : vector<512x1xf32> to vector<512x1536xf32>
    %sub3A_17 = arith.subf %select_n3A, %sub3A : vector<512x1536xf32>
    %exp3A = math.exp %sub3A_17 : vector<512x1536xf32>
    %reduce_sum3A = arith.constant dense<0.000000e+00> : vector<512xf32>
    %reduce_sum3A_18 = vector.multi_reduction <add>, %exp3A, %reduce_sum3A [1] : vector<512x1536xf32> to vector<512xf32>
    %broadcast_in_dim3A_19 = vector.shape_cast %reduce_sum3A_18 : vector<512xf32> to vector<512x1xf32>
    %div3A = vector.broadcast %broadcast_in_dim3A_19 : vector<512x1xf32> to vector<512x1536xf32>
    %div3A_20 = arith.divf %exp3A, %div3A : vector<512x1536xf32>
    %get3A_21 = arith.constant 0 : index
    %get3A_22 = arith.constant 0 : index
    %get3A_23 = arith.constant 0 : index
    %get3A_24 = vector.load %arg3[%get3A_21, %get3A_22, %get3A_23] : memref<1x1536x64xf32, #tpu.memory_space<vmem>>, vector<1x1536x64xf32>
    %get3A_25 = vector.shape_cast %get3A_24 : vector<1x1536x64xf32> to vector<1536x64xf32>
    %dot_general3A_26 = arith.constant dense<0.000000e+00> : vector<512x64xf32>
    %dot_general3A_27 = tpu.matmul %div3A_20, %get3A_25, %dot_general3A_26 {dimension_numbers = #tpu.dot_dimension_numbers<[1], [0], [0], [1], [0, 0, 1, 1], [], []>, transpose_lhs_hint = false} : vector<512x1536xf32>, vector<1536x64xf32>, vector<512x64xf32> -> vector<512x64xf32>
    %swap3A = arith.constant 0 : index
    %swap3A_28 = arith.constant 0 : index
    %swap3A_29 = arith.constant 0 : index
    %swap3A_30 = vector.load %arg4[%swap3A, %swap3A_28, %swap3A_29] : memref<1x512x64xf32, #tpu.memory_space<vmem>>, vector<1x512x64xf32>
    %swap3A_31 = vector.shape_cast %swap3A_30 : vector<1x512x64xf32> to vector<512x64xf32>
    %swap3A_32 = vector.shape_cast %dot_general3A_27 : vector<512x64xf32> to vector<1x512x64xf32>
    tpu.vector_store %arg4[%swap3A, %swap3A_28, %swap3A_29], %swap3A_32 {strides = array<i32>} : memref<1x512x64xf32, #tpu.memory_space<vmem>>, vector<1x512x64xf32>,
    return
  }
  func.func @transform_0(%arg0: i32) -> (i32, i32, i32) {
    %c2_i32 = arith.constant 2 : i32
    %c0_i32 = arith.constant 0 : i32
    %c0_i32_0 = arith.constant 0 : i32
    return %arg0, %c2_i32, %c0_i32 : i32, i32, i32
  }
  func.func @transform_1(%arg0: i32) -> (i32, i32, i32) {
    %jit3A = arith.constant 4 : i32
    %div3A = arith.divsi %arg0, %jit3A : i32
    %sign3A = arith.constant 0 : i32
    %sign3A_0 = arith.cmpi sgt, %arg0, %sign3A : i32
    %sign3A_1 = arith.extui %sign3A_0 : i1 to i32
    %sign3A_2 = arith.constant 0 : i32
    %sign3A_3 = arith.cmpi slt, %arg0, %sign3A_2 : i32
    %sign3A_4 = arith.extui %sign3A_3 : i1 to i32
    %sign3A_5 = arith.subi %sign3A_1, %sign3A_4 : i32
    %sign3A_6 = arith.constant 0 : i32
    %sign3A_7 = arith.cmpi sgt, %jit3A, %sign3A_6 : i32
    %sign3A_8 = arith.extui %sign3A_7 : i1 to i32
    %sign3A_9 = arith.constant 0 : i32
    %sign3A_10 = arith.cmpi slt, %jit3A, %sign3A_9 : i32
    %sign3A_11 = arith.extui %sign3A_10 : i1 to i32
    %sign3A_12 = arith.subi %sign3A_8, %sign3A_11 : i32
    %ne3A = arith.cmpi ne, %sign3A_5, %sign3A_12 : i32
    %rem3A = arith.remsi %arg0, %jit3A : i32
    %ne3A_13 = arith.constant 0 : i32
    %ne3A_14 = arith.cmpi ne, %rem3A, %ne3A_13 : i32
    %and3A = arith.andi %ne3A, %ne3A_14 : i1
    %sub3A = arith.constant 1 : i32
    %sub3A_15 = arith.subi %div3A, %sub3A : i32
    %select_n3A = arith.select %and3A, %sub3A_15, %div3A : i32
    %c0_i32 = arith.constant 0 : i32
    %c0_i32_16 = arith.constant 0 : i32
    %c0_i32_17 = arith.constant 0 : i32
    return %select_n3A, %c0_i32, %c0_i32_16 : i32, i32, i32
  }
  func.func @transform_2(%arg0: i32) -> (i32, i32, i32) {
    %jit3A = arith.constant 4 : i32
    %div3A = arith.divsi %arg0, %jit3A : i32
    %sign3A = arith.constant 0 : i32
    %sign3A_0 = arith.cmpi sgt, %arg0, %sign3A : i32
    %sign3A_1 = arith.extui %sign3A_0 : i1 to i32
    %sign3A_2 = arith.constant 0 : i32
    %sign3A_3 = arith.cmpi slt, %arg0, %sign3A_2 : i32
    %sign3A_4 = arith.extui %sign3A_3 : i1 to i32
    %sign3A_5 = arith.subi %sign3A_1, %sign3A_4 : i32
    %sign3A_6 = arith.constant 0 : i32
    %sign3A_7 = arith.cmpi sgt, %jit3A, %sign3A_6 : i32
    %sign3A_8 = arith.extui %sign3A_7 : i1 to i32
    %sign3A_9 = arith.constant 0 : i32
    %sign3A_10 = arith.cmpi slt, %jit3A, %sign3A_9 : i32
    %sign3A_11 = arith.extui %sign3A_10 : i1 to i32
    %sign3A_12 = arith.subi %sign3A_8, %sign3A_11 : i32
    %ne3A = arith.cmpi ne, %sign3A_5, %sign3A_12 : i32
    %rem3A = arith.remsi %arg0, %jit3A : i32
    %ne3A_13 = arith.constant 0 : i32
    %ne3A_14 = arith.cmpi ne, %rem3A, %ne3A_13 : i32
    %and3A = arith.andi %ne3A, %ne3A_14 : i1
    %sub3A = arith.constant 1 : i32
    %sub3A_15 = arith.subi %div3A, %sub3A : i32
    %select_n3A = arith.select %and3A, %sub3A_15, %div3A : i32
    %c0_i32 = arith.constant 0 : i32
    %c0_i32_16 = arith.constant 0 : i32
    %c0_i32_17 = arith.constant 0 : i32
    return %select_n3A, %c0_i32, %c0_i32_16 : i32, i32, i32
  }
  func.func @transform_3(%arg0: i32) -> (i32, i32, i32) {
    %c0_i32 = arith.constant 0 : i32
    %c0_i32_0 = arith.constant 0 : i32
    %c0_i32_1 = arith.constant 0 : i32
    return %arg0, %c0_i32, %c0_i32_0 : i32, i32, i32
  }
}

module attributes {stable_mosaic.version = 14 : i64} {
  func.func @_qkv_body(%arg0: i32, %arg1: memref<256x1024xf32, #tpu.memory_space<vmem>>, %arg2: memref<1x1024xf32, #tpu.memory_space<vmem>>, %arg3: memref<1024x1024xf32, #tpu.memory_space<vmem>>, %arg4: memref<1024x256xf32, #tpu.memory_space<vmem>>, %arg5: memref<1024x256xf32, #tpu.memory_space<vmem>>, %arg6: memref<256x64xf32, #tpu.memory_space<vmem>>, %arg7: memref<256x64xf32, #tpu.memory_space<vmem>>, %arg8: memref<16x256x64xf32, #tpu.memory_space<vmem>>, %arg9: memref<4x256x64xf32, #tpu.memory_space<vmem>>, %arg10: memref<4x256x64xf32, #tpu.memory_space<vmem>>) attributes {dimension_semantics = [#tpu.dimension_semantics<arbitrary>], iteration_bounds = array<i64: 8>, scalar_prefetch = 0 : i64, scratch_operands = 0 : i64, tpu.core_type = #tpu.core_type<tc>, window_params = [{transform_indices = @transform_0, window_bounds = array<i64: 256, 1024>}, {pipeline_mode = #tpu.pipeline_mode<synchronous>, transform_indices = @transform_1, window_bounds = array<i64: 1, 1024>}, {pipeline_mode = #tpu.pipeline_mode<synchronous>, transform_indices = @transform_2, window_bounds = array<i64: 1024, 1024>}, {pipeline_mode = #tpu.pipeline_mode<synchronous>, transform_indices = @transform_3, window_bounds = array<i64: 1024, 256>}, {pipeline_mode = #tpu.pipeline_mode<synchronous>, transform_indices = @transform_4, window_bounds = array<i64: 1024, 256>}, {transform_indices = @transform_5, window_bounds = array<i64: 256, 64>}, {transform_indices = @transform_6, window_bounds = array<i64: 256, 64>}, {transform_indices = @transform_7, window_bounds = array<i64: 16, 256, 64>}, {transform_indices = @transform_8, window_bounds = array<i64: 4, 256, 64>}, {transform_indices = @transform_9, window_bounds = array<i64: 4, 256, 64>}]} {
    %get3A = arith.constant 0 : index
    %get3A_0 = arith.constant 0 : index
    %get3A_1 = vector.load %arg1[%get3A, %get3A_0] : memref<256x1024xf32, #tpu.memory_space<vmem>>, vector<256x1024xf32>
    %mul3A = arith.mulf %get3A_1, %get3A_1 : vector<256x1024xf32>
    %reduce_sum3A = arith.constant dense<0.000000e+00> : vector<256xf32>
    %reduce_sum3A_2 = vector.multi_reduction <add>, %mul3A, %reduce_sum3A [1] : vector<256x1024xf32> to vector<256xf32>
    %broadcast_in_dim3A = vector.shape_cast %reduce_sum3A_2 : vector<256xf32> to vector<256x1xf32>
    %div3A = arith.constant 1.024000e+03 : f32
    %div3A_3 = vector.broadcast %div3A : f32 to vector<256x1xf32>
    %div3A_4 = arith.divf %broadcast_in_dim3A, %div3A_3 : vector<256x1xf32>
    %add3A = arith.constant 9.99999997E-7 : f32
    %add3A_5 = vector.broadcast %add3A : f32 to vector<256x1xf32>
    %add3A_6 = arith.addf %div3A_4, %add3A_5 : vector<256x1xf32>
    %sqrt3A = math.sqrt %add3A_6 : vector<256x1xf32>
    %div3A_7 = arith.constant 1.000000e+00 : f32
    %div3A_8 = vector.broadcast %div3A_7 : f32 to vector<256x1xf32>
    %div3A_9 = arith.divf %div3A_8, %sqrt3A : vector<256x1xf32>
    %mul3A_10 = vector.broadcast %div3A_9 : vector<256x1xf32> to vector<256x1024xf32>
    %mul3A_11 = arith.mulf %get3A_1, %mul3A_10 : vector<256x1024xf32>
    %get3A_12 = arith.constant 0 : index
    %get3A_13 = arith.constant 0 : index
    %get3A_14 = vector.load %arg2[%get3A_12, %get3A_13] : memref<1x1024xf32, #tpu.memory_space<vmem>>, vector<1x1024xf32>
    %mul3A_15 = vector.broadcast %get3A_14 : vector<1x1024xf32> to vector<256x1024xf32>
    %mul3A_16 = arith.mulf %mul3A_11, %mul3A_15 : vector<256x1024xf32>
    %get3A_17 = arith.constant 0 : index
    %get3A_18 = arith.constant 0 : index
    %get3A_19 = vector.load %arg3[%get3A_17, %get3A_18] : memref<1024x1024xf32, #tpu.memory_space<vmem>>, vector<1024x1024xf32>
    %dot_general3A = arith.constant dense<0.000000e+00> : vector<256x1024xf32>
    %dot_general3A_20 = tpu.matmul %mul3A_16, %get3A_19, %dot_general3A {dimension_numbers = #tpu.dot_dimension_numbers<[1], [0], [0], [1], [0, 0, 1, 1], [], []>, transpose_lhs_hint = false} : vector<256x1024xf32>, vector<1024x1024xf32>, vector<256x1024xf32> -> vector<256x1024xf32>
    %get3A_21 = arith.constant 0 : index
    %get3A_22 = arith.constant 0 : index
    %get3A_23 = vector.load %arg4[%get3A_21, %get3A_22] : memref<1024x256xf32, #tpu.memory_space<vmem>>, vector<1024x256xf32>
    %dot_general3A_24 = arith.constant dense<0.000000e+00> : vector<256x256xf32>
    %dot_general3A_25 = tpu.matmul %mul3A_16, %get3A_23, %dot_general3A_24 {dimension_numbers = #tpu.dot_dimension_numbers<[1], [0], [0], [1], [0, 0, 1, 1], [], []>, transpose_lhs_hint = false} : vector<256x1024xf32>, vector<1024x256xf32>, vector<256x256xf32> -> vector<256x256xf32>
    %get3A_26 = arith.constant 0 : index
    %get3A_27 = arith.constant 0 : index
    %get3A_28 = vector.load %arg5[%get3A_26, %get3A_27] : memref<1024x256xf32, #tpu.memory_space<vmem>>, vector<1024x256xf32>
    %dot_general3A_29 = arith.constant dense<0.000000e+00> : vector<256x256xf32>
    %dot_general3A_30 = tpu.matmul %mul3A_16, %get3A_28, %dot_general3A_29 {dimension_numbers = #tpu.dot_dimension_numbers<[1], [0], [0], [1], [0, 0, 1, 1], [], []>, transpose_lhs_hint = false} : vector<256x1024xf32>, vector<1024x256xf32>, vector<256x256xf32> -> vector<256x256xf32>
    %get3A_31 = arith.constant 0 : index
    %get3A_32 = arith.constant 0 : index
    %get3A_33 = vector.load %arg6[%get3A_31, %get3A_32] : memref<256x64xf32, #tpu.memory_space<vmem>>, vector<256x64xf32>
    %get3A_34 = arith.constant 0 : index
    %get3A_35 = arith.constant 0 : index
    %get3A_36 = vector.load %arg7[%get3A_34, %get3A_35] : memref<256x64xf32, #tpu.memory_space<vmem>>, vector<256x64xf32>
    %slice3A = vector.extract_strided_slice %dot_general3A_20 {offsets = [0, 0], sizes = [256, 64], strides = [1, 1]} : vector<256x1024xf32> to vector<256x64xf32>
    %slice3A_37 = vector.extract_strided_slice %slice3A {offsets = [0, 32], sizes = [256, 32], strides = [1, 1]} : vector<256x64xf32> to vector<256x32xf32>
    %neg3A = arith.constant 0.000000e+00 : f32
    %neg3A_38 = vector.broadcast %neg3A : f32 to vector<256x32xf32>
    %neg3A_39 = arith.subf %neg3A_38, %slice3A_37 : vector<256x32xf32>
    %slice3A_40 = vector.extract_strided_slice %slice3A {offsets = [0, 0], sizes = [256, 32], strides = [1, 1]} : vector<256x64xf32> to vector<256x32xf32>
    %concatenate3A = tpu.concatenate %neg3A_39, %slice3A_40 in 1 : vector<256x32xf32>, vector<256x32xf32> -> vector<256x64xf32>
    %mul3A_41 = arith.mulf %slice3A, %get3A_33 : vector<256x64xf32>
    %mul3A_42 = arith.mulf %concatenate3A, %get3A_36 : vector<256x64xf32>
    %add3A_43 = arith.addf %mul3A_41, %mul3A_42 : vector<256x64xf32>
    %slice3A_44 = vector.extract_strided_slice %dot_general3A_20 {offsets = [0, 64], sizes = [256, 64], strides = [1, 1]} : vector<256x1024xf32> to vector<256x64xf32>
    %slice3A_45 = vector.extract_strided_slice %slice3A_44 {offsets = [0, 32], sizes = [256, 32], strides = [1, 1]} : vector<256x64xf32> to vector<256x32xf32>
    %neg3A_46 = arith.constant 0.000000e+00 : f32
    %neg3A_47 = vector.broadcast %neg3A_46 : f32 to vector<256x32xf32>
    %neg3A_48 = arith.subf %neg3A_47, %slice3A_45 : vector<256x32xf32>
    %slice3A_49 = vector.extract_strided_slice %slice3A_44 {offsets = [0, 0], sizes = [256, 32], strides = [1, 1]} : vector<256x64xf32> to vector<256x32xf32>
    %concatenate3A_50 = tpu.concatenate %neg3A_48, %slice3A_49 in 1 : vector<256x32xf32>, vector<256x32xf32> -> vector<256x64xf32>
    %mul3A_51 = arith.mulf %slice3A_44, %get3A_33 : vector<256x64xf32>
    %mul3A_52 = arith.mulf %concatenate3A_50, %get3A_36 : vector<256x64xf32>
    %add3A_53 = arith.addf %mul3A_51, %mul3A_52 : vector<256x64xf32>
    %slice3A_54 = vector.extract_strided_slice %dot_general3A_20 {offsets = [0, 128], sizes = [256, 64], strides = [1, 1]} : vector<256x1024xf32> to vector<256x64xf32>
    %slice3A_55 = vector.extract_strided_slice %slice3A_54 {offsets = [0, 32], sizes = [256, 32], strides = [1, 1]} : vector<256x64xf32> to vector<256x32xf32>
    %neg3A_56 = arith.constant 0.000000e+00 : f32
    %neg3A_57 = vector.broadcast %neg3A_56 : f32 to vector<256x32xf32>
    %neg3A_58 = arith.subf %neg3A_57, %slice3A_55 : vector<256x32xf32>
    %slice3A_59 = vector.extract_strided_slice %slice3A_54 {offsets = [0, 0], sizes = [256, 32], strides = [1, 1]} : vector<256x64xf32> to vector<256x32xf32>
    %concatenate3A_60 = tpu.concatenate %neg3A_58, %slice3A_59 in 1 : vector<256x32xf32>, vector<256x32xf32> -> vector<256x64xf32>
    %mul3A_61 = arith.mulf %slice3A_54, %get3A_33 : vector<256x64xf32>
    %mul3A_62 = arith.mulf %concatenate3A_60, %get3A_36 : vector<256x64xf32>
    %add3A_63 = arith.addf %mul3A_61, %mul3A_62 : vector<256x64xf32>
    %slice3A_64 = vector.extract_strided_slice %dot_general3A_20 {offsets = [0, 192], sizes = [256, 64], strides = [1, 1]} : vector<256x1024xf32> to vector<256x64xf32>
    %slice3A_65 = vector.extract_strided_slice %slice3A_64 {offsets = [0, 32], sizes = [256, 32], strides = [1, 1]} : vector<256x64xf32> to vector<256x32xf32>
    %neg3A_66 = arith.constant 0.000000e+00 : f32
    %neg3A_67 = vector.broadcast %neg3A_66 : f32 to vector<256x32xf32>
    %neg3A_68 = arith.subf %neg3A_67, %slice3A_65 : vector<256x32xf32>
    %slice3A_69 = vector.extract_strided_slice %slice3A_64 {offsets = [0, 0], sizes = [256, 32], strides = [1, 1]} : vector<256x64xf32> to vector<256x32xf32>
    %concatenate3A_70 = tpu.concatenate %neg3A_68, %slice3A_69 in 1 : vector<256x32xf32>, vector<256x32xf32> -> vector<256x64xf32>
    %mul3A_71 = arith.mulf %slice3A_64, %get3A_33 : vector<256x64xf32>
    %mul3A_72 = arith.mulf %concatenate3A_70, %get3A_36 : vector<256x64xf32>
    %add3A_73 = arith.addf %mul3A_71, %mul3A_72 : vector<256x64xf32>
    %slice3A_74 = vector.extract_strided_slice %dot_general3A_20 {offsets = [0, 256], sizes = [256, 64], strides = [1, 1]} : vector<256x1024xf32> to vector<256x64xf32>
    %slice3A_75 = vector.extract_strided_slice %slice3A_74 {offsets = [0, 32], sizes = [256, 32], strides = [1, 1]} : vector<256x64xf32> to vector<256x32xf32>
    %neg3A_76 = arith.constant 0.000000e+00 : f32
    %neg3A_77 = vector.broadcast %neg3A_76 : f32 to vector<256x32xf32>
    %neg3A_78 = arith.subf %neg3A_77, %slice3A_75 : vector<256x32xf32>
    %slice3A_79 = vector.extract_strided_slice %slice3A_74 {offsets = [0, 0], sizes = [256, 32], strides = [1, 1]} : vector<256x64xf32> to vector<256x32xf32>
    %concatenate3A_80 = tpu.concatenate %neg3A_78, %slice3A_79 in 1 : vector<256x32xf32>, vector<256x32xf32> -> vector<256x64xf32>
    %mul3A_81 = arith.mulf %slice3A_74, %get3A_33 : vector<256x64xf32>
    %mul3A_82 = arith.mulf %concatenate3A_80, %get3A_36 : vector<256x64xf32>
    %add3A_83 = arith.addf %mul3A_81, %mul3A_82 : vector<256x64xf32>
    %slice3A_84 = vector.extract_strided_slice %dot_general3A_20 {offsets = [0, 320], sizes = [256, 64], strides = [1, 1]} : vector<256x1024xf32> to vector<256x64xf32>
    %slice3A_85 = vector.extract_strided_slice %slice3A_84 {offsets = [0, 32], sizes = [256, 32], strides = [1, 1]} : vector<256x64xf32> to vector<256x32xf32>
    %neg3A_86 = arith.constant 0.000000e+00 : f32
    %neg3A_87 = vector.broadcast %neg3A_86 : f32 to vector<256x32xf32>
    %neg3A_88 = arith.subf %neg3A_87, %slice3A_85 : vector<256x32xf32>
    %slice3A_89 = vector.extract_strided_slice %slice3A_84 {offsets = [0, 0], sizes = [256, 32], strides = [1, 1]} : vector<256x64xf32> to vector<256x32xf32>
    %concatenate3A_90 = tpu.concatenate %neg3A_88, %slice3A_89 in 1 : vector<256x32xf32>, vector<256x32xf32> -> vector<256x64xf32>
    %mul3A_91 = arith.mulf %slice3A_84, %get3A_33 : vector<256x64xf32>
    %mul3A_92 = arith.mulf %concatenate3A_90, %get3A_36 : vector<256x64xf32>
    %add3A_93 = arith.addf %mul3A_91, %mul3A_92 : vector<256x64xf32>
    %slice3A_94 = vector.extract_strided_slice %dot_general3A_20 {offsets = [0, 384], sizes = [256, 64], strides = [1, 1]} : vector<256x1024xf32> to vector<256x64xf32>
    %slice3A_95 = vector.extract_strided_slice %slice3A_94 {offsets = [0, 32], sizes = [256, 32], strides = [1, 1]} : vector<256x64xf32> to vector<256x32xf32>
    %neg3A_96 = arith.constant 0.000000e+00 : f32
    %neg3A_97 = vector.broadcast %neg3A_96 : f32 to vector<256x32xf32>
    %neg3A_98 = arith.subf %neg3A_97, %slice3A_95 : vector<256x32xf32>
    %slice3A_99 = vector.extract_strided_slice %slice3A_94 {offsets = [0, 0], sizes = [256, 32], strides = [1, 1]} : vector<256x64xf32> to vector<256x32xf32>
    %concatenate3A_100 = tpu.concatenate %neg3A_98, %slice3A_99 in 1 : vector<256x32xf32>, vector<256x32xf32> -> vector<256x64xf32>
    %mul3A_101 = arith.mulf %slice3A_94, %get3A_33 : vector<256x64xf32>
    %mul3A_102 = arith.mulf %concatenate3A_100, %get3A_36 : vector<256x64xf32>
    %add3A_103 = arith.addf %mul3A_101, %mul3A_102 : vector<256x64xf32>
    %slice3A_104 = vector.extract_strided_slice %dot_general3A_20 {offsets = [0, 448], sizes = [256, 64], strides = [1, 1]} : vector<256x1024xf32> to vector<256x64xf32>
    %slice3A_105 = vector.extract_strided_slice %slice3A_104 {offsets = [0, 32], sizes = [256, 32], strides = [1, 1]} : vector<256x64xf32> to vector<256x32xf32>
    %neg3A_106 = arith.constant 0.000000e+00 : f32
    %neg3A_107 = vector.broadcast %neg3A_106 : f32 to vector<256x32xf32>
    %neg3A_108 = arith.subf %neg3A_107, %slice3A_105 : vector<256x32xf32>
    %slice3A_109 = vector.extract_strided_slice %slice3A_104 {offsets = [0, 0], sizes = [256, 32], strides = [1, 1]} : vector<256x64xf32> to vector<256x32xf32>
    %concatenate3A_110 = tpu.concatenate %neg3A_108, %slice3A_109 in 1 : vector<256x32xf32>, vector<256x32xf32> -> vector<256x64xf32>
    %mul3A_111 = arith.mulf %slice3A_104, %get3A_33 : vector<256x64xf32>
    %mul3A_112 = arith.mulf %concatenate3A_110, %get3A_36 : vector<256x64xf32>
    %add3A_113 = arith.addf %mul3A_111, %mul3A_112 : vector<256x64xf32>
    %slice3A_114 = vector.extract_strided_slice %dot_general3A_20 {offsets = [0, 512], sizes = [256, 64], strides = [1, 1]} : vector<256x1024xf32> to vector<256x64xf32>
    %slice3A_115 = vector.extract_strided_slice %slice3A_114 {offsets = [0, 32], sizes = [256, 32], strides = [1, 1]} : vector<256x64xf32> to vector<256x32xf32>
    %neg3A_116 = arith.constant 0.000000e+00 : f32
    %neg3A_117 = vector.broadcast %neg3A_116 : f32 to vector<256x32xf32>
    %neg3A_118 = arith.subf %neg3A_117, %slice3A_115 : vector<256x32xf32>
    %slice3A_119 = vector.extract_strided_slice %slice3A_114 {offsets = [0, 0], sizes = [256, 32], strides = [1, 1]} : vector<256x64xf32> to vector<256x32xf32>
    %concatenate3A_120 = tpu.concatenate %neg3A_118, %slice3A_119 in 1 : vector<256x32xf32>, vector<256x32xf32> -> vector<256x64xf32>
    %mul3A_121 = arith.mulf %slice3A_114, %get3A_33 : vector<256x64xf32>
    %mul3A_122 = arith.mulf %concatenate3A_120, %get3A_36 : vector<256x64xf32>
    %add3A_123 = arith.addf %mul3A_121, %mul3A_122 : vector<256x64xf32>
    %slice3A_124 = vector.extract_strided_slice %dot_general3A_20 {offsets = [0, 576], sizes = [256, 64], strides = [1, 1]} : vector<256x1024xf32> to vector<256x64xf32>
    %slice3A_125 = vector.extract_strided_slice %slice3A_124 {offsets = [0, 32], sizes = [256, 32], strides = [1, 1]} : vector<256x64xf32> to vector<256x32xf32>
    %neg3A_126 = arith.constant 0.000000e+00 : f32
    %neg3A_127 = vector.broadcast %neg3A_126 : f32 to vector<256x32xf32>
    %neg3A_128 = arith.subf %neg3A_127, %slice3A_125 : vector<256x32xf32>
    %slice3A_129 = vector.extract_strided_slice %slice3A_124 {offsets = [0, 0], sizes = [256, 32], strides = [1, 1]} : vector<256x64xf32> to vector<256x32xf32>
    %concatenate3A_130 = tpu.concatenate %neg3A_128, %slice3A_129 in 1 : vector<256x32xf32>, vector<256x32xf32> -> vector<256x64xf32>
    %mul3A_131 = arith.mulf %slice3A_124, %get3A_33 : vector<256x64xf32>
    %mul3A_132 = arith.mulf %concatenate3A_130, %get3A_36 : vector<256x64xf32>
    %add3A_133 = arith.addf %mul3A_131, %mul3A_132 : vector<256x64xf32>
    %slice3A_134 = vector.extract_strided_slice %dot_general3A_20 {offsets = [0, 640], sizes = [256, 64], strides = [1, 1]} : vector<256x1024xf32> to vector<256x64xf32>
    %slice3A_135 = vector.extract_strided_slice %slice3A_134 {offsets = [0, 32], sizes = [256, 32], strides = [1, 1]} : vector<256x64xf32> to vector<256x32xf32>
    %neg3A_136 = arith.constant 0.000000e+00 : f32
    %neg3A_137 = vector.broadcast %neg3A_136 : f32 to vector<256x32xf32>
    %neg3A_138 = arith.subf %neg3A_137, %slice3A_135 : vector<256x32xf32>
    %slice3A_139 = vector.extract_strided_slice %slice3A_134 {offsets = [0, 0], sizes = [256, 32], strides = [1, 1]} : vector<256x64xf32> to vector<256x32xf32>
    %concatenate3A_140 = tpu.concatenate %neg3A_138, %slice3A_139 in 1 : vector<256x32xf32>, vector<256x32xf32> -> vector<256x64xf32>
    %mul3A_141 = arith.mulf %slice3A_134, %get3A_33 : vector<256x64xf32>
    %mul3A_142 = arith.mulf %concatenate3A_140, %get3A_36 : vector<256x64xf32>
    %add3A_143 = arith.addf %mul3A_141, %mul3A_142 : vector<256x64xf32>
    %slice3A_144 = vector.extract_strided_slice %dot_general3A_20 {offsets = [0, 704], sizes = [256, 64], strides = [1, 1]} : vector<256x1024xf32> to vector<256x64xf32>
    %slice3A_145 = vector.extract_strided_slice %slice3A_144 {offsets = [0, 32], sizes = [256, 32], strides = [1, 1]} : vector<256x64xf32> to vector<256x32xf32>
    %neg3A_146 = arith.constant 0.000000e+00 : f32
    %neg3A_147 = vector.broadcast %neg3A_146 : f32 to vector<256x32xf32>
    %neg3A_148 = arith.subf %neg3A_147, %slice3A_145 : vector<256x32xf32>
    %slice3A_149 = vector.extract_strided_slice %slice3A_144 {offsets = [0, 0], sizes = [256, 32], strides = [1, 1]} : vector<256x64xf32> to vector<256x32xf32>
    %concatenate3A_150 = tpu.concatenate %neg3A_148, %slice3A_149 in 1 : vector<256x32xf32>, vector<256x32xf32> -> vector<256x64xf32>
    %mul3A_151 = arith.mulf %slice3A_144, %get3A_33 : vector<256x64xf32>
    %mul3A_152 = arith.mulf %concatenate3A_150, %get3A_36 : vector<256x64xf32>
    %add3A_153 = arith.addf %mul3A_151, %mul3A_152 : vector<256x64xf32>
    %slice3A_154 = vector.extract_strided_slice %dot_general3A_20 {offsets = [0, 768], sizes = [256, 64], strides = [1, 1]} : vector<256x1024xf32> to vector<256x64xf32>
    %slice3A_155 = vector.extract_strided_slice %slice3A_154 {offsets = [0, 32], sizes = [256, 32], strides = [1, 1]} : vector<256x64xf32> to vector<256x32xf32>
    %neg3A_156 = arith.constant 0.000000e+00 : f32
    %neg3A_157 = vector.broadcast %neg3A_156 : f32 to vector<256x32xf32>
    %neg3A_158 = arith.subf %neg3A_157, %slice3A_155 : vector<256x32xf32>
    %slice3A_159 = vector.extract_strided_slice %slice3A_154 {offsets = [0, 0], sizes = [256, 32], strides = [1, 1]} : vector<256x64xf32> to vector<256x32xf32>
    %concatenate3A_160 = tpu.concatenate %neg3A_158, %slice3A_159 in 1 : vector<256x32xf32>, vector<256x32xf32> -> vector<256x64xf32>
    %mul3A_161 = arith.mulf %slice3A_154, %get3A_33 : vector<256x64xf32>
    %mul3A_162 = arith.mulf %concatenate3A_160, %get3A_36 : vector<256x64xf32>
    %add3A_163 = arith.addf %mul3A_161, %mul3A_162 : vector<256x64xf32>
    %slice3A_164 = vector.extract_strided_slice %dot_general3A_20 {offsets = [0, 832], sizes = [256, 64], strides = [1, 1]} : vector<256x1024xf32> to vector<256x64xf32>
    %slice3A_165 = vector.extract_strided_slice %slice3A_164 {offsets = [0, 32], sizes = [256, 32], strides = [1, 1]} : vector<256x64xf32> to vector<256x32xf32>
    %neg3A_166 = arith.constant 0.000000e+00 : f32
    %neg3A_167 = vector.broadcast %neg3A_166 : f32 to vector<256x32xf32>
    %neg3A_168 = arith.subf %neg3A_167, %slice3A_165 : vector<256x32xf32>
    %slice3A_169 = vector.extract_strided_slice %slice3A_164 {offsets = [0, 0], sizes = [256, 32], strides = [1, 1]} : vector<256x64xf32> to vector<256x32xf32>
    %concatenate3A_170 = tpu.concatenate %neg3A_168, %slice3A_169 in 1 : vector<256x32xf32>, vector<256x32xf32> -> vector<256x64xf32>
    %mul3A_171 = arith.mulf %slice3A_164, %get3A_33 : vector<256x64xf32>
    %mul3A_172 = arith.mulf %concatenate3A_170, %get3A_36 : vector<256x64xf32>
    %add3A_173 = arith.addf %mul3A_171, %mul3A_172 : vector<256x64xf32>
    %slice3A_174 = vector.extract_strided_slice %dot_general3A_20 {offsets = [0, 896], sizes = [256, 64], strides = [1, 1]} : vector<256x1024xf32> to vector<256x64xf32>
    %slice3A_175 = vector.extract_strided_slice %slice3A_174 {offsets = [0, 32], sizes = [256, 32], strides = [1, 1]} : vector<256x64xf32> to vector<256x32xf32>
    %neg3A_176 = arith.constant 0.000000e+00 : f32
    %neg3A_177 = vector.broadcast %neg3A_176 : f32 to vector<256x32xf32>
    %neg3A_178 = arith.subf %neg3A_177, %slice3A_175 : vector<256x32xf32>
    %slice3A_179 = vector.extract_strided_slice %slice3A_174 {offsets = [0, 0], sizes = [256, 32], strides = [1, 1]} : vector<256x64xf32> to vector<256x32xf32>
    %concatenate3A_180 = tpu.concatenate %neg3A_178, %slice3A_179 in 1 : vector<256x32xf32>, vector<256x32xf32> -> vector<256x64xf32>
    %mul3A_181 = arith.mulf %slice3A_174, %get3A_33 : vector<256x64xf32>
    %mul3A_182 = arith.mulf %concatenate3A_180, %get3A_36 : vector<256x64xf32>
    %add3A_183 = arith.addf %mul3A_181, %mul3A_182 : vector<256x64xf32>
    %slice3A_184 = vector.extract_strided_slice %dot_general3A_20 {offsets = [0, 960], sizes = [256, 64], strides = [1, 1]} : vector<256x1024xf32> to vector<256x64xf32>
    %slice3A_185 = vector.extract_strided_slice %slice3A_184 {offsets = [0, 32], sizes = [256, 32], strides = [1, 1]} : vector<256x64xf32> to vector<256x32xf32>
    %neg3A_186 = arith.constant 0.000000e+00 : f32
    %neg3A_187 = vector.broadcast %neg3A_186 : f32 to vector<256x32xf32>
    %neg3A_188 = arith.subf %neg3A_187, %slice3A_185 : vector<256x32xf32>
    %slice3A_189 = vector.extract_strided_slice %slice3A_184 {offsets = [0, 0], sizes = [256, 32], strides = [1, 1]} : vector<256x64xf32> to vector<256x32xf32>
    %concatenate3A_190 = tpu.concatenate %neg3A_188, %slice3A_189 in 1 : vector<256x32xf32>, vector<256x32xf32> -> vector<256x64xf32>
    %mul3A_191 = arith.mulf %slice3A_184, %get3A_33 : vector<256x64xf32>
    %mul3A_192 = arith.mulf %concatenate3A_190, %get3A_36 : vector<256x64xf32>
    %add3A_193 = arith.addf %mul3A_191, %mul3A_192 : vector<256x64xf32>
    %swap3A = arith.constant 0 : index
    %swap3A_194 = arith.constant 0 : index
    %swap3A_195 = arith.constant 0 : index
    %swap3A_196 = vector.load %arg8[%swap3A, %swap3A_194, %swap3A_195] : memref<16x256x64xf32, #tpu.memory_space<vmem>>, vector<1x256x64xf32>
    %swap3A_197 = vector.shape_cast %swap3A_196 : vector<1x256x64xf32> to vector<256x64xf32>
    %swap3A_198 = vector.shape_cast %add3A_43 : vector<256x64xf32> to vector<1x256x64xf32>
    tpu.vector_store %arg8[%swap3A, %swap3A_194, %swap3A_195], %swap3A_198 {strides = array<i32>} : memref<16x256x64xf32, #tpu.memory_space<vmem>>, vector<1x256x64xf32>,
    %swap3A_199 = arith.constant 1 : index
    %swap3A_200 = arith.constant 0 : index
    %swap3A_201 = arith.constant 0 : index
    %swap3A_202 = vector.load %arg8[%swap3A_199, %swap3A_200, %swap3A_201] : memref<16x256x64xf32, #tpu.memory_space<vmem>>, vector<1x256x64xf32>
    %swap3A_203 = vector.shape_cast %swap3A_202 : vector<1x256x64xf32> to vector<256x64xf32>
    %swap3A_204 = vector.shape_cast %add3A_53 : vector<256x64xf32> to vector<1x256x64xf32>
    tpu.vector_store %arg8[%swap3A_199, %swap3A_200, %swap3A_201], %swap3A_204 {strides = array<i32>} : memref<16x256x64xf32, #tpu.memory_space<vmem>>, vector<1x256x64xf32>,
    %swap3A_205 = arith.constant 2 : index
    %swap3A_206 = arith.constant 0 : index
    %swap3A_207 = arith.constant 0 : index
    %swap3A_208 = vector.load %arg8[%swap3A_205, %swap3A_206, %swap3A_207] : memref<16x256x64xf32, #tpu.memory_space<vmem>>, vector<1x256x64xf32>
    %swap3A_209 = vector.shape_cast %swap3A_208 : vector<1x256x64xf32> to vector<256x64xf32>
    %swap3A_210 = vector.shape_cast %add3A_63 : vector<256x64xf32> to vector<1x256x64xf32>
    tpu.vector_store %arg8[%swap3A_205, %swap3A_206, %swap3A_207], %swap3A_210 {strides = array<i32>} : memref<16x256x64xf32, #tpu.memory_space<vmem>>, vector<1x256x64xf32>,
    %swap3A_211 = arith.constant 3 : index
    %swap3A_212 = arith.constant 0 : index
    %swap3A_213 = arith.constant 0 : index
    %swap3A_214 = vector.load %arg8[%swap3A_211, %swap3A_212, %swap3A_213] : memref<16x256x64xf32, #tpu.memory_space<vmem>>, vector<1x256x64xf32>
    %swap3A_215 = vector.shape_cast %swap3A_214 : vector<1x256x64xf32> to vector<256x64xf32>
    %swap3A_216 = vector.shape_cast %add3A_73 : vector<256x64xf32> to vector<1x256x64xf32>
    tpu.vector_store %arg8[%swap3A_211, %swap3A_212, %swap3A_213], %swap3A_216 {strides = array<i32>} : memref<16x256x64xf32, #tpu.memory_space<vmem>>, vector<1x256x64xf32>,
    %swap3A_217 = arith.constant 4 : index
    %swap3A_218 = arith.constant 0 : index
    %swap3A_219 = arith.constant 0 : index
    %swap3A_220 = vector.load %arg8[%swap3A_217, %swap3A_218, %swap3A_219] : memref<16x256x64xf32, #tpu.memory_space<vmem>>, vector<1x256x64xf32>
    %swap3A_221 = vector.shape_cast %swap3A_220 : vector<1x256x64xf32> to vector<256x64xf32>
    %swap3A_222 = vector.shape_cast %add3A_83 : vector<256x64xf32> to vector<1x256x64xf32>
    tpu.vector_store %arg8[%swap3A_217, %swap3A_218, %swap3A_219], %swap3A_222 {strides = array<i32>} : memref<16x256x64xf32, #tpu.memory_space<vmem>>, vector<1x256x64xf32>,
    %swap3A_223 = arith.constant 5 : index
    %swap3A_224 = arith.constant 0 : index
    %swap3A_225 = arith.constant 0 : index
    %swap3A_226 = vector.load %arg8[%swap3A_223, %swap3A_224, %swap3A_225] : memref<16x256x64xf32, #tpu.memory_space<vmem>>, vector<1x256x64xf32>
    %swap3A_227 = vector.shape_cast %swap3A_226 : vector<1x256x64xf32> to vector<256x64xf32>
    %swap3A_228 = vector.shape_cast %add3A_93 : vector<256x64xf32> to vector<1x256x64xf32>
    tpu.vector_store %arg8[%swap3A_223, %swap3A_224, %swap3A_225], %swap3A_228 {strides = array<i32>} : memref<16x256x64xf32, #tpu.memory_space<vmem>>, vector<1x256x64xf32>,
    %swap3A_229 = arith.constant 6 : index
    %swap3A_230 = arith.constant 0 : index
    %swap3A_231 = arith.constant 0 : index
    %swap3A_232 = vector.load %arg8[%swap3A_229, %swap3A_230, %swap3A_231] : memref<16x256x64xf32, #tpu.memory_space<vmem>>, vector<1x256x64xf32>
    %swap3A_233 = vector.shape_cast %swap3A_232 : vector<1x256x64xf32> to vector<256x64xf32>
    %swap3A_234 = vector.shape_cast %add3A_103 : vector<256x64xf32> to vector<1x256x64xf32>
    tpu.vector_store %arg8[%swap3A_229, %swap3A_230, %swap3A_231], %swap3A_234 {strides = array<i32>} : memref<16x256x64xf32, #tpu.memory_space<vmem>>, vector<1x256x64xf32>,
    %swap3A_235 = arith.constant 7 : index
    %swap3A_236 = arith.constant 0 : index
    %swap3A_237 = arith.constant 0 : index
    %swap3A_238 = vector.load %arg8[%swap3A_235, %swap3A_236, %swap3A_237] : memref<16x256x64xf32, #tpu.memory_space<vmem>>, vector<1x256x64xf32>
    %swap3A_239 = vector.shape_cast %swap3A_238 : vector<1x256x64xf32> to vector<256x64xf32>
    %swap3A_240 = vector.shape_cast %add3A_113 : vector<256x64xf32> to vector<1x256x64xf32>
    tpu.vector_store %arg8[%swap3A_235, %swap3A_236, %swap3A_237], %swap3A_240 {strides = array<i32>} : memref<16x256x64xf32, #tpu.memory_space<vmem>>, vector<1x256x64xf32>,
    %swap3A_241 = arith.constant 8 : index
    %swap3A_242 = arith.constant 0 : index
    %swap3A_243 = arith.constant 0 : index
    %swap3A_244 = vector.load %arg8[%swap3A_241, %swap3A_242, %swap3A_243] : memref<16x256x64xf32, #tpu.memory_space<vmem>>, vector<1x256x64xf32>
    %swap3A_245 = vector.shape_cast %swap3A_244 : vector<1x256x64xf32> to vector<256x64xf32>
    %swap3A_246 = vector.shape_cast %add3A_123 : vector<256x64xf32> to vector<1x256x64xf32>
    tpu.vector_store %arg8[%swap3A_241, %swap3A_242, %swap3A_243], %swap3A_246 {strides = array<i32>} : memref<16x256x64xf32, #tpu.memory_space<vmem>>, vector<1x256x64xf32>,
    %swap3A_247 = arith.constant 9 : index
    %swap3A_248 = arith.constant 0 : index
    %swap3A_249 = arith.constant 0 : index
    %swap3A_250 = vector.load %arg8[%swap3A_247, %swap3A_248, %swap3A_249] : memref<16x256x64xf32, #tpu.memory_space<vmem>>, vector<1x256x64xf32>
    %swap3A_251 = vector.shape_cast %swap3A_250 : vector<1x256x64xf32> to vector<256x64xf32>
    %swap3A_252 = vector.shape_cast %add3A_133 : vector<256x64xf32> to vector<1x256x64xf32>
    tpu.vector_store %arg8[%swap3A_247, %swap3A_248, %swap3A_249], %swap3A_252 {strides = array<i32>} : memref<16x256x64xf32, #tpu.memory_space<vmem>>, vector<1x256x64xf32>,
    %swap3A_253 = arith.constant 10 : index
    %swap3A_254 = arith.constant 0 : index
    %swap3A_255 = arith.constant 0 : index
    %swap3A_256 = vector.load %arg8[%swap3A_253, %swap3A_254, %swap3A_255] : memref<16x256x64xf32, #tpu.memory_space<vmem>>, vector<1x256x64xf32>
    %swap3A_257 = vector.shape_cast %swap3A_256 : vector<1x256x64xf32> to vector<256x64xf32>
    %swap3A_258 = vector.shape_cast %add3A_143 : vector<256x64xf32> to vector<1x256x64xf32>
    tpu.vector_store %arg8[%swap3A_253, %swap3A_254, %swap3A_255], %swap3A_258 {strides = array<i32>} : memref<16x256x64xf32, #tpu.memory_space<vmem>>, vector<1x256x64xf32>,
    %swap3A_259 = arith.constant 11 : index
    %swap3A_260 = arith.constant 0 : index
    %swap3A_261 = arith.constant 0 : index
    %swap3A_262 = vector.load %arg8[%swap3A_259, %swap3A_260, %swap3A_261] : memref<16x256x64xf32, #tpu.memory_space<vmem>>, vector<1x256x64xf32>
    %swap3A_263 = vector.shape_cast %swap3A_262 : vector<1x256x64xf32> to vector<256x64xf32>
    %swap3A_264 = vector.shape_cast %add3A_153 : vector<256x64xf32> to vector<1x256x64xf32>
    tpu.vector_store %arg8[%swap3A_259, %swap3A_260, %swap3A_261], %swap3A_264 {strides = array<i32>} : memref<16x256x64xf32, #tpu.memory_space<vmem>>, vector<1x256x64xf32>,
    %swap3A_265 = arith.constant 12 : index
    %swap3A_266 = arith.constant 0 : index
    %swap3A_267 = arith.constant 0 : index
    %swap3A_268 = vector.load %arg8[%swap3A_265, %swap3A_266, %swap3A_267] : memref<16x256x64xf32, #tpu.memory_space<vmem>>, vector<1x256x64xf32>
    %swap3A_269 = vector.shape_cast %swap3A_268 : vector<1x256x64xf32> to vector<256x64xf32>
    %swap3A_270 = vector.shape_cast %add3A_163 : vector<256x64xf32> to vector<1x256x64xf32>
    tpu.vector_store %arg8[%swap3A_265, %swap3A_266, %swap3A_267], %swap3A_270 {strides = array<i32>} : memref<16x256x64xf32, #tpu.memory_space<vmem>>, vector<1x256x64xf32>,
    %swap3A_271 = arith.constant 13 : index
    %swap3A_272 = arith.constant 0 : index
    %swap3A_273 = arith.constant 0 : index
    %swap3A_274 = vector.load %arg8[%swap3A_271, %swap3A_272, %swap3A_273] : memref<16x256x64xf32, #tpu.memory_space<vmem>>, vector<1x256x64xf32>
    %swap3A_275 = vector.shape_cast %swap3A_274 : vector<1x256x64xf32> to vector<256x64xf32>
    %swap3A_276 = vector.shape_cast %add3A_173 : vector<256x64xf32> to vector<1x256x64xf32>
    tpu.vector_store %arg8[%swap3A_271, %swap3A_272, %swap3A_273], %swap3A_276 {strides = array<i32>} : memref<16x256x64xf32, #tpu.memory_space<vmem>>, vector<1x256x64xf32>,
    %swap3A_277 = arith.constant 14 : index
    %swap3A_278 = arith.constant 0 : index
    %swap3A_279 = arith.constant 0 : index
    %swap3A_280 = vector.load %arg8[%swap3A_277, %swap3A_278, %swap3A_279] : memref<16x256x64xf32, #tpu.memory_space<vmem>>, vector<1x256x64xf32>
    %swap3A_281 = vector.shape_cast %swap3A_280 : vector<1x256x64xf32> to vector<256x64xf32>
    %swap3A_282 = vector.shape_cast %add3A_183 : vector<256x64xf32> to vector<1x256x64xf32>
    tpu.vector_store %arg8[%swap3A_277, %swap3A_278, %swap3A_279], %swap3A_282 {strides = array<i32>} : memref<16x256x64xf32, #tpu.memory_space<vmem>>, vector<1x256x64xf32>,
    %swap3A_283 = arith.constant 15 : index
    %swap3A_284 = arith.constant 0 : index
    %swap3A_285 = arith.constant 0 : index
    %swap3A_286 = vector.load %arg8[%swap3A_283, %swap3A_284, %swap3A_285] : memref<16x256x64xf32, #tpu.memory_space<vmem>>, vector<1x256x64xf32>
    %swap3A_287 = vector.shape_cast %swap3A_286 : vector<1x256x64xf32> to vector<256x64xf32>
    %swap3A_288 = vector.shape_cast %add3A_193 : vector<256x64xf32> to vector<1x256x64xf32>
    tpu.vector_store %arg8[%swap3A_283, %swap3A_284, %swap3A_285], %swap3A_288 {strides = array<i32>} : memref<16x256x64xf32, #tpu.memory_space<vmem>>, vector<1x256x64xf32>,
    %slice3A_289 = vector.extract_strided_slice %dot_general3A_25 {offsets = [0, 0], sizes = [256, 64], strides = [1, 1]} : vector<256x256xf32> to vector<256x64xf32>
    %slice3A_290 = vector.extract_strided_slice %slice3A_289 {offsets = [0, 32], sizes = [256, 32], strides = [1, 1]} : vector<256x64xf32> to vector<256x32xf32>
    %neg3A_291 = arith.constant 0.000000e+00 : f32
    %neg3A_292 = vector.broadcast %neg3A_291 : f32 to vector<256x32xf32>
    %neg3A_293 = arith.subf %neg3A_292, %slice3A_290 : vector<256x32xf32>
    %slice3A_294 = vector.extract_strided_slice %slice3A_289 {offsets = [0, 0], sizes = [256, 32], strides = [1, 1]} : vector<256x64xf32> to vector<256x32xf32>
    %concatenate3A_295 = tpu.concatenate %neg3A_293, %slice3A_294 in 1 : vector<256x32xf32>, vector<256x32xf32> -> vector<256x64xf32>
    %mul3A_296 = arith.mulf %slice3A_289, %get3A_33 : vector<256x64xf32>
    %mul3A_297 = arith.mulf %concatenate3A_295, %get3A_36 : vector<256x64xf32>
    %add3A_298 = arith.addf %mul3A_296, %mul3A_297 : vector<256x64xf32>
    %slice3A_299 = vector.extract_strided_slice %dot_general3A_25 {offsets = [0, 64], sizes = [256, 64], strides = [1, 1]} : vector<256x256xf32> to vector<256x64xf32>
    %slice3A_300 = vector.extract_strided_slice %slice3A_299 {offsets = [0, 32], sizes = [256, 32], strides = [1, 1]} : vector<256x64xf32> to vector<256x32xf32>
    %neg3A_301 = arith.constant 0.000000e+00 : f32
    %neg3A_302 = vector.broadcast %neg3A_301 : f32 to vector<256x32xf32>
    %neg3A_303 = arith.subf %neg3A_302, %slice3A_300 : vector<256x32xf32>
    %slice3A_304 = vector.extract_strided_slice %slice3A_299 {offsets = [0, 0], sizes = [256, 32], strides = [1, 1]} : vector<256x64xf32> to vector<256x32xf32>
    %concatenate3A_305 = tpu.concatenate %neg3A_303, %slice3A_304 in 1 : vector<256x32xf32>, vector<256x32xf32> -> vector<256x64xf32>
    %mul3A_306 = arith.mulf %slice3A_299, %get3A_33 : vector<256x64xf32>
    %mul3A_307 = arith.mulf %concatenate3A_305, %get3A_36 : vector<256x64xf32>
    %add3A_308 = arith.addf %mul3A_306, %mul3A_307 : vector<256x64xf32>
    %slice3A_309 = vector.extract_strided_slice %dot_general3A_25 {offsets = [0, 128], sizes = [256, 64], strides = [1, 1]} : vector<256x256xf32> to vector<256x64xf32>
    %slice3A_310 = vector.extract_strided_slice %slice3A_309 {offsets = [0, 32], sizes = [256, 32], strides = [1, 1]} : vector<256x64xf32> to vector<256x32xf32>
    %neg3A_311 = arith.constant 0.000000e+00 : f32
    %neg3A_312 = vector.broadcast %neg3A_311 : f32 to vector<256x32xf32>
    %neg3A_313 = arith.subf %neg3A_312, %slice3A_310 : vector<256x32xf32>
    %slice3A_314 = vector.extract_strided_slice %slice3A_309 {offsets = [0, 0], sizes = [256, 32], strides = [1, 1]} : vector<256x64xf32> to vector<256x32xf32>
    %concatenate3A_315 = tpu.concatenate %neg3A_313, %slice3A_314 in 1 : vector<256x32xf32>, vector<256x32xf32> -> vector<256x64xf32>
    %mul3A_316 = arith.mulf %slice3A_309, %get3A_33 : vector<256x64xf32>
    %mul3A_317 = arith.mulf %concatenate3A_315, %get3A_36 : vector<256x64xf32>
    %add3A_318 = arith.addf %mul3A_316, %mul3A_317 : vector<256x64xf32>
    %slice3A_319 = vector.extract_strided_slice %dot_general3A_25 {offsets = [0, 192], sizes = [256, 64], strides = [1, 1]} : vector<256x256xf32> to vector<256x64xf32>
    %slice3A_320 = vector.extract_strided_slice %slice3A_319 {offsets = [0, 32], sizes = [256, 32], strides = [1, 1]} : vector<256x64xf32> to vector<256x32xf32>
    %neg3A_321 = arith.constant 0.000000e+00 : f32
    %neg3A_322 = vector.broadcast %neg3A_321 : f32 to vector<256x32xf32>
    %neg3A_323 = arith.subf %neg3A_322, %slice3A_320 : vector<256x32xf32>
    %slice3A_324 = vector.extract_strided_slice %slice3A_319 {offsets = [0, 0], sizes = [256, 32], strides = [1, 1]} : vector<256x64xf32> to vector<256x32xf32>
    %concatenate3A_325 = tpu.concatenate %neg3A_323, %slice3A_324 in 1 : vector<256x32xf32>, vector<256x32xf32> -> vector<256x64xf32>
    %mul3A_326 = arith.mulf %slice3A_319, %get3A_33 : vector<256x64xf32>
    %mul3A_327 = arith.mulf %concatenate3A_325, %get3A_36 : vector<256x64xf32>
    %add3A_328 = arith.addf %mul3A_326, %mul3A_327 : vector<256x64xf32>
    %swap3A_329 = arith.constant 0 : index
    %swap3A_330 = arith.constant 0 : index
    %swap3A_331 = arith.constant 0 : index
    %swap3A_332 = vector.load %arg9[%swap3A_329, %swap3A_330, %swap3A_331] : memref<4x256x64xf32, #tpu.memory_space<vmem>>, vector<1x256x64xf32>
    %swap3A_333 = vector.shape_cast %swap3A_332 : vector<1x256x64xf32> to vector<256x64xf32>
    %swap3A_334 = vector.shape_cast %add3A_298 : vector<256x64xf32> to vector<1x256x64xf32>
    tpu.vector_store %arg9[%swap3A_329, %swap3A_330, %swap3A_331], %swap3A_334 {strides = array<i32>} : memref<4x256x64xf32, #tpu.memory_space<vmem>>, vector<1x256x64xf32>,
    %swap3A_335 = arith.constant 1 : index
    %swap3A_336 = arith.constant 0 : index
    %swap3A_337 = arith.constant 0 : index
    %swap3A_338 = vector.load %arg9[%swap3A_335, %swap3A_336, %swap3A_337] : memref<4x256x64xf32, #tpu.memory_space<vmem>>, vector<1x256x64xf32>
    %swap3A_339 = vector.shape_cast %swap3A_338 : vector<1x256x64xf32> to vector<256x64xf32>
    %swap3A_340 = vector.shape_cast %add3A_308 : vector<256x64xf32> to vector<1x256x64xf32>
    tpu.vector_store %arg9[%swap3A_335, %swap3A_336, %swap3A_337], %swap3A_340 {strides = array<i32>} : memref<4x256x64xf32, #tpu.memory_space<vmem>>, vector<1x256x64xf32>,
    %swap3A_341 = arith.constant 2 : index
    %swap3A_342 = arith.constant 0 : index
    %swap3A_343 = arith.constant 0 : index
    %swap3A_344 = vector.load %arg9[%swap3A_341, %swap3A_342, %swap3A_343] : memref<4x256x64xf32, #tpu.memory_space<vmem>>, vector<1x256x64xf32>
    %swap3A_345 = vector.shape_cast %swap3A_344 : vector<1x256x64xf32> to vector<256x64xf32>
    %swap3A_346 = vector.shape_cast %add3A_318 : vector<256x64xf32> to vector<1x256x64xf32>
    tpu.vector_store %arg9[%swap3A_341, %swap3A_342, %swap3A_343], %swap3A_346 {strides = array<i32>} : memref<4x256x64xf32, #tpu.memory_space<vmem>>, vector<1x256x64xf32>,
    %swap3A_347 = arith.constant 3 : index
    %swap3A_348 = arith.constant 0 : index
    %swap3A_349 = arith.constant 0 : index
    %swap3A_350 = vector.load %arg9[%swap3A_347, %swap3A_348, %swap3A_349] : memref<4x256x64xf32, #tpu.memory_space<vmem>>, vector<1x256x64xf32>
    %swap3A_351 = vector.shape_cast %swap3A_350 : vector<1x256x64xf32> to vector<256x64xf32>
    %swap3A_352 = vector.shape_cast %add3A_328 : vector<256x64xf32> to vector<1x256x64xf32>
    tpu.vector_store %arg9[%swap3A_347, %swap3A_348, %swap3A_349], %swap3A_352 {strides = array<i32>} : memref<4x256x64xf32, #tpu.memory_space<vmem>>, vector<1x256x64xf32>,
    %slice3A_353 = vector.extract_strided_slice %dot_general3A_30 {offsets = [0, 0], sizes = [256, 64], strides = [1, 1]} : vector<256x256xf32> to vector<256x64xf32>
    %swap3A_354 = arith.constant 0 : index
    %swap3A_355 = arith.constant 0 : index
    %swap3A_356 = arith.constant 0 : index
    %swap3A_357 = vector.load %arg10[%swap3A_354, %swap3A_355, %swap3A_356] : memref<4x256x64xf32, #tpu.memory_space<vmem>>, vector<1x256x64xf32>
    %swap3A_358 = vector.shape_cast %swap3A_357 : vector<1x256x64xf32> to vector<256x64xf32>
    %swap3A_359 = vector.shape_cast %slice3A_353 : vector<256x64xf32> to vector<1x256x64xf32>
    tpu.vector_store %arg10[%swap3A_354, %swap3A_355, %swap3A_356], %swap3A_359 {strides = array<i32>} : memref<4x256x64xf32, #tpu.memory_space<vmem>>, vector<1x256x64xf32>,
    %slice3A_360 = vector.extract_strided_slice %dot_general3A_30 {offsets = [0, 64], sizes = [256, 64], strides = [1, 1]} : vector<256x256xf32> to vector<256x64xf32>
    %swap3A_361 = arith.constant 1 : index
    %swap3A_362 = arith.constant 0 : index
    %swap3A_363 = arith.constant 0 : index
    %swap3A_364 = vector.load %arg10[%swap3A_361, %swap3A_362, %swap3A_363] : memref<4x256x64xf32, #tpu.memory_space<vmem>>, vector<1x256x64xf32>
    %swap3A_365 = vector.shape_cast %swap3A_364 : vector<1x256x64xf32> to vector<256x64xf32>
    %swap3A_366 = vector.shape_cast %slice3A_360 : vector<256x64xf32> to vector<1x256x64xf32>
    tpu.vector_store %arg10[%swap3A_361, %swap3A_362, %swap3A_363], %swap3A_366 {strides = array<i32>} : memref<4x256x64xf32, #tpu.memory_space<vmem>>, vector<1x256x64xf32>,
    %slice3A_367 = vector.extract_strided_slice %dot_general3A_30 {offsets = [0, 128], sizes = [256, 64], strides = [1, 1]} : vector<256x256xf32> to vector<256x64xf32>
    %swap3A_368 = arith.constant 2 : index
    %swap3A_369 = arith.constant 0 : index
    %swap3A_370 = arith.constant 0 : index
    %swap3A_371 = vector.load %arg10[%swap3A_368, %swap3A_369, %swap3A_370] : memref<4x256x64xf32, #tpu.memory_space<vmem>>, vector<1x256x64xf32>
    %swap3A_372 = vector.shape_cast %swap3A_371 : vector<1x256x64xf32> to vector<256x64xf32>
    %swap3A_373 = vector.shape_cast %slice3A_367 : vector<256x64xf32> to vector<1x256x64xf32>
    tpu.vector_store %arg10[%swap3A_368, %swap3A_369, %swap3A_370], %swap3A_373 {strides = array<i32>} : memref<4x256x64xf32, #tpu.memory_space<vmem>>, vector<1x256x64xf32>,
    %slice3A_374 = vector.extract_strided_slice %dot_general3A_30 {offsets = [0, 192], sizes = [256, 64], strides = [1, 1]} : vector<256x256xf32> to vector<256x64xf32>
    %swap3A_375 = arith.constant 3 : index
    %swap3A_376 = arith.constant 0 : index
    %swap3A_377 = arith.constant 0 : index
    %swap3A_378 = vector.load %arg10[%swap3A_375, %swap3A_376, %swap3A_377] : memref<4x256x64xf32, #tpu.memory_space<vmem>>, vector<1x256x64xf32>
    %swap3A_379 = vector.shape_cast %swap3A_378 : vector<1x256x64xf32> to vector<256x64xf32>
    %swap3A_380 = vector.shape_cast %slice3A_374 : vector<256x64xf32> to vector<1x256x64xf32>
    tpu.vector_store %arg10[%swap3A_375, %swap3A_376, %swap3A_377], %swap3A_380 {strides = array<i32>} : memref<4x256x64xf32, #tpu.memory_space<vmem>>, vector<1x256x64xf32>,
    return
  }
  func.func @transform_0(%arg0: i32) -> (i32, i32) {
    %c0_i32 = arith.constant 0 : i32
    %c0_i32_0 = arith.constant 0 : i32
    return %arg0, %c0_i32 : i32, i32
  }
  func.func @transform_1(%arg0: i32) -> (i32, i32) {
    %c0_i32 = arith.constant 0 : i32
    %c0_i32_0 = arith.constant 0 : i32
    %c0_i32_1 = arith.constant 0 : i32
    return %c0_i32, %c0_i32_0 : i32, i32
  }
  func.func @transform_2(%arg0: i32) -> (i32, i32) {
    %c0_i32 = arith.constant 0 : i32
    %c0_i32_0 = arith.constant 0 : i32
    %c0_i32_1 = arith.constant 0 : i32
    return %c0_i32, %c0_i32_0 : i32, i32
  }
  func.func @transform_3(%arg0: i32) -> (i32, i32) {
    %c0_i32 = arith.constant 0 : i32
    %c0_i32_0 = arith.constant 0 : i32
    %c0_i32_1 = arith.constant 0 : i32
    return %c0_i32, %c0_i32_0 : i32, i32
  }
  func.func @transform_4(%arg0: i32) -> (i32, i32) {
    %c0_i32 = arith.constant 0 : i32
    %c0_i32_0 = arith.constant 0 : i32
    %c0_i32_1 = arith.constant 0 : i32
    return %c0_i32, %c0_i32_0 : i32, i32
  }
  func.func @transform_5(%arg0: i32) -> (i32, i32) {
    %c0_i32 = arith.constant 0 : i32
    %c0_i32_0 = arith.constant 0 : i32
    return %arg0, %c0_i32 : i32, i32
  }
  func.func @transform_6(%arg0: i32) -> (i32, i32) {
    %c0_i32 = arith.constant 0 : i32
    %c0_i32_0 = arith.constant 0 : i32
    return %arg0, %c0_i32 : i32, i32
  }
  func.func @transform_7(%arg0: i32) -> (i32, i32, i32) {
    %c0_i32 = arith.constant 0 : i32
    %c0_i32_0 = arith.constant 0 : i32
    %c0_i32_1 = arith.constant 0 : i32
    return %c0_i32, %arg0, %c0_i32_0 : i32, i32, i32
  }
  func.func @transform_8(%arg0: i32) -> (i32, i32, i32) {
    %c0_i32 = arith.constant 0 : i32
    %c0_i32_0 = arith.constant 0 : i32
    %c0_i32_1 = arith.constant 0 : i32
    return %c0_i32, %arg0, %c0_i32_0 : i32, i32, i32
  }
  func.func @transform_9(%arg0: i32) -> (i32, i32, i32) {
    %c0_i32 = arith.constant 0 : i32
    %c0_i32_0 = arith.constant 0 : i32
    %c0_i32_1 = arith.constant 0 : i32
    return %c0_i32, %arg0, %c0_i32_0 : i32, i32, i32
  }
}

module attributes {stable_mosaic.version = 14 : i64} {
  func.func @body(%arg0: i32, %arg1: memref<1x512x64xf32, #tpu.memory_space<vmem>>, %arg2: memref<1x512x64xf32, #tpu.memory_space<vmem>>, %arg3: memref<1x512x64xf32, #tpu.memory_space<vmem>>, %arg4: memref<1x512x64xf32, #tpu.memory_space<vmem>>) attributes {dimension_semantics = [#tpu.dimension_semantics<arbitrary>], iteration_bounds = array<i64: 16>, scalar_prefetch = 0 : i64, scratch_operands = 0 : i64, tpu.core_type = #tpu.core_type<tc>, window_params = [{transform_indices = @transform_0, window_bounds = array<i64: 1, 512, 64>}, {transform_indices = @transform_1, window_bounds = array<i64: 1, 512, 64>}, {transform_indices = @transform_2, window_bounds = array<i64: 1, 512, 64>}, {transform_indices = @transform_3, window_bounds = array<i64: 1, 512, 64>}]} {
    %get3A = arith.constant 0 : index
    %get3A_0 = arith.constant 0 : index
    %get3A_1 = arith.constant 0 : index
    %get3A_2 = vector.load %arg1[%get3A, %get3A_0, %get3A_1] : memref<1x512x64xf32, #tpu.memory_space<vmem>>, vector<1x512x64xf32>
    %get3A_3 = vector.shape_cast %get3A_2 : vector<1x512x64xf32> to vector<512x64xf32>
    %get3A_4 = arith.constant 0 : index
    %get3A_5 = arith.constant 0 : index
    %get3A_6 = arith.constant 0 : index
    %get3A_7 = vector.load %arg2[%get3A_4, %get3A_5, %get3A_6] : memref<1x512x64xf32, #tpu.memory_space<vmem>>, vector<1x512x64xf32>
    %get3A_8 = vector.shape_cast %get3A_7 : vector<1x512x64xf32> to vector<512x64xf32>
    %dot_general3A = arith.constant dense<0.000000e+00> : vector<512x512xf32>
    %dot_general3A_9 = tpu.matmul %get3A_3, %get3A_8, %dot_general3A {dimension_numbers = #tpu.dot_dimension_numbers<[1], [1], [0], [0], [0, 0, 1, 0], [], []>, transpose_lhs_hint = false} : vector<512x64xf32>, vector<512x64xf32>, vector<512x512xf32> -> vector<512x512xf32>
    %mul3A = arith.constant 1.250000e-01 : f32
    %mul3A_10 = vector.broadcast %mul3A : f32 to vector<512x512xf32>
    %mul3A_11 = arith.mulf %dot_general3A_9, %mul3A_10 : vector<512x512xf32>
    %iota3A = tpu.iota {dimensions = array<i32: 0>} : vector<512x512xi32>
    %add3A = arith.constant 0 : i32
    %add3A_12 = vector.broadcast %add3A : i32 to vector<512x512xi32>
    %add3A_13 = arith.addi %iota3A, %add3A_12 : vector<512x512xi32>
    %iota3A_14 = tpu.iota {dimensions = array<i32: 1>} : vector<512x512xi32>
    %ge3A = arith.cmpi sge, %add3A_13, %iota3A_14 : vector<512x512xi32>
    %jit3A = arith.constant -3.40282347E+38 : f32
    %broadcast_in_dim3A = vector.broadcast %jit3A : f32 to vector<512x512xf32>
    %select_n3A = arith.select %ge3A, %mul3A_11, %broadcast_in_dim3A : vector<512x512xi1>, vector<512x512xf32>
    %reduce_max3A = arith.constant dense<0xFF800000> : vector<512xf32>
    %reduce_max3A_15 = vector.multi_reduction <maximumf>, %select_n3A, %reduce_max3A [1] : vector<512x512xf32> to vector<512xf32>
    %broadcast_in_dim3A_16 = vector.shape_cast %reduce_max3A_15 : vector<512xf32> to vector<512x1xf32>
    %sub3A = vector.broadcast %broadcast_in_dim3A_16 : vector<512x1xf32> to vector<512x512xf32>
    %sub3A_17 = arith.subf %select_n3A, %sub3A : vector<512x512xf32>
    %exp3A = math.exp %sub3A_17 : vector<512x512xf32>
    %reduce_sum3A = arith.constant dense<0.000000e+00> : vector<512xf32>
    %reduce_sum3A_18 = vector.multi_reduction <add>, %exp3A, %reduce_sum3A [1] : vector<512x512xf32> to vector<512xf32>
    %broadcast_in_dim3A_19 = vector.shape_cast %reduce_sum3A_18 : vector<512xf32> to vector<512x1xf32>
    %div3A = vector.broadcast %broadcast_in_dim3A_19 : vector<512x1xf32> to vector<512x512xf32>
    %div3A_20 = arith.divf %exp3A, %div3A : vector<512x512xf32>
    %get3A_21 = arith.constant 0 : index
    %get3A_22 = arith.constant 0 : index
    %get3A_23 = arith.constant 0 : index
    %get3A_24 = vector.load %arg3[%get3A_21, %get3A_22, %get3A_23] : memref<1x512x64xf32, #tpu.memory_space<vmem>>, vector<1x512x64xf32>
    %get3A_25 = vector.shape_cast %get3A_24 : vector<1x512x64xf32> to vector<512x64xf32>
    %dot_general3A_26 = arith.constant dense<0.000000e+00> : vector<512x64xf32>
    %dot_general3A_27 = tpu.matmul %div3A_20, %get3A_25, %dot_general3A_26 {dimension_numbers = #tpu.dot_dimension_numbers<[1], [0], [0], [1], [0, 0, 1, 1], [], []>, transpose_lhs_hint = false} : vector<512x512xf32>, vector<512x64xf32>, vector<512x64xf32> -> vector<512x64xf32>
    %swap3A = arith.constant 0 : index
    %swap3A_28 = arith.constant 0 : index
    %swap3A_29 = arith.constant 0 : index
    %swap3A_30 = vector.load %arg4[%swap3A, %swap3A_28, %swap3A_29] : memref<1x512x64xf32, #tpu.memory_space<vmem>>, vector<1x512x64xf32>
    %swap3A_31 = vector.shape_cast %swap3A_30 : vector<1x512x64xf32> to vector<512x64xf32>
    %swap3A_32 = vector.shape_cast %dot_general3A_27 : vector<512x64xf32> to vector<1x512x64xf32>
    tpu.vector_store %arg4[%swap3A, %swap3A_28, %swap3A_29], %swap3A_32 {strides = array<i32>} : memref<1x512x64xf32, #tpu.memory_space<vmem>>, vector<1x512x64xf32>,
    return
  }
  func.func @transform_0(%arg0: i32) -> (i32, i32, i32) {
    %c0_i32 = arith.constant 0 : i32
    %c0_i32_0 = arith.constant 0 : i32
    %c0_i32_1 = arith.constant 0 : i32
    return %arg0, %c0_i32, %c0_i32_0 : i32, i32, i32
  }
  func.func @transform_1(%arg0: i32) -> (i32, i32, i32) {
    %jit3A = arith.constant 4 : i32
    %div3A = arith.divsi %arg0, %jit3A : i32
    %sign3A = arith.constant 0 : i32
    %sign3A_0 = arith.cmpi sgt, %arg0, %sign3A : i32
    %sign3A_1 = arith.extui %sign3A_0 : i1 to i32
    %sign3A_2 = arith.constant 0 : i32
    %sign3A_3 = arith.cmpi slt, %arg0, %sign3A_2 : i32
    %sign3A_4 = arith.extui %sign3A_3 : i1 to i32
    %sign3A_5 = arith.subi %sign3A_1, %sign3A_4 : i32
    %sign3A_6 = arith.constant 0 : i32
    %sign3A_7 = arith.cmpi sgt, %jit3A, %sign3A_6 : i32
    %sign3A_8 = arith.extui %sign3A_7 : i1 to i32
    %sign3A_9 = arith.constant 0 : i32
    %sign3A_10 = arith.cmpi slt, %jit3A, %sign3A_9 : i32
    %sign3A_11 = arith.extui %sign3A_10 : i1 to i32
    %sign3A_12 = arith.subi %sign3A_8, %sign3A_11 : i32
    %ne3A = arith.cmpi ne, %sign3A_5, %sign3A_12 : i32
    %rem3A = arith.remsi %arg0, %jit3A : i32
    %ne3A_13 = arith.constant 0 : i32
    %ne3A_14 = arith.cmpi ne, %rem3A, %ne3A_13 : i32
    %and3A = arith.andi %ne3A, %ne3A_14 : i1
    %sub3A = arith.constant 1 : i32
    %sub3A_15 = arith.subi %div3A, %sub3A : i32
    %select_n3A = arith.select %and3A, %sub3A_15, %div3A : i32
    %c0_i32 = arith.constant 0 : i32
    %c0_i32_16 = arith.constant 0 : i32
    %c0_i32_17 = arith.constant 0 : i32
    return %select_n3A, %c0_i32, %c0_i32_16 : i32, i32, i32
  }
  func.func @transform_2(%arg0: i32) -> (i32, i32, i32) {
    %jit3A = arith.constant 4 : i32
    %div3A = arith.divsi %arg0, %jit3A : i32
    %sign3A = arith.constant 0 : i32
    %sign3A_0 = arith.cmpi sgt, %arg0, %sign3A : i32
    %sign3A_1 = arith.extui %sign3A_0 : i1 to i32
    %sign3A_2 = arith.constant 0 : i32
    %sign3A_3 = arith.cmpi slt, %arg0, %sign3A_2 : i32
    %sign3A_4 = arith.extui %sign3A_3 : i1 to i32
    %sign3A_5 = arith.subi %sign3A_1, %sign3A_4 : i32
    %sign3A_6 = arith.constant 0 : i32
    %sign3A_7 = arith.cmpi sgt, %jit3A, %sign3A_6 : i32
    %sign3A_8 = arith.extui %sign3A_7 : i1 to i32
    %sign3A_9 = arith.constant 0 : i32
    %sign3A_10 = arith.cmpi slt, %jit3A, %sign3A_9 : i32
    %sign3A_11 = arith.extui %sign3A_10 : i1 to i32
    %sign3A_12 = arith.subi %sign3A_8, %sign3A_11 : i32
    %ne3A = arith.cmpi ne, %sign3A_5, %sign3A_12 : i32
    %rem3A = arith.remsi %arg0, %jit3A : i32
    %ne3A_13 = arith.constant 0 : i32
    %ne3A_14 = arith.cmpi ne, %rem3A, %ne3A_13 : i32
    %and3A = arith.andi %ne3A, %ne3A_14 : i1
    %sub3A = arith.constant 1 : i32
    %sub3A_15 = arith.subi %div3A, %sub3A : i32
    %select_n3A = arith.select %and3A, %sub3A_15, %div3A : i32
    %c0_i32 = arith.constant 0 : i32
    %c0_i32_16 = arith.constant 0 : i32
    %c0_i32_17 = arith.constant 0 : i32
    return %select_n3A, %c0_i32, %c0_i32_16 : i32, i32, i32
  }
  func.func @transform_3(%arg0: i32) -> (i32, i32, i32) {
    %c0_i32 = arith.constant 0 : i32
    %c0_i32_0 = arith.constant 0 : i32
    %c0_i32_1 = arith.constant 0 : i32
    return %arg0, %c0_i32, %c0_i32_0 : i32, i32, i32
  }
}

module attributes {stable_mosaic.version = 14 : i64} {
  func.func @_post_body(%arg0: i32, %arg1: memref<16x256x64xf32, #tpu.memory_space<vmem>>, %arg2: memref<256x1024xf32, #tpu.memory_space<vmem>>, %arg3: memref<1024x1024xf32, #tpu.memory_space<vmem>>, %arg4: memref<1x1024xf32, #tpu.memory_space<vmem>>, %arg5: memref<1024x8xf32, #tpu.memory_space<vmem>>, %arg6: memref<1x8xf32, #tpu.memory_space<vmem>>, %arg7: memref<256x1024xf32, #tpu.memory_space<vmem>>, %arg8: memref<256x1024xf32, #tpu.memory_space<vmem>>, %arg9: memref<256x1xi32, #tpu.memory_space<vmem>>, %arg10: memref<256x1xi32, #tpu.memory_space<vmem>>, %arg11: memref<256x1xf32, #tpu.memory_space<vmem>>, %arg12: memref<256x1xf32, #tpu.memory_space<vmem>>) attributes {dimension_semantics = [#tpu.dimension_semantics<arbitrary>], iteration_bounds = array<i64: 8>, scalar_prefetch = 0 : i64, scratch_operands = 0 : i64, tpu.core_type = #tpu.core_type<tc>, window_params = [{transform_indices = @transform_0, window_bounds = array<i64: 16, 256, 64>}, {transform_indices = @transform_1, window_bounds = array<i64: 256, 1024>}, {pipeline_mode = #tpu.pipeline_mode<synchronous>, transform_indices = @transform_2, window_bounds = array<i64: 1024, 1024>}, {pipeline_mode = #tpu.pipeline_mode<synchronous>, transform_indices = @transform_3, window_bounds = array<i64: 1, 1024>}, {pipeline_mode = #tpu.pipeline_mode<synchronous>, transform_indices = @transform_4, window_bounds = array<i64: 1024, 8>}, {pipeline_mode = #tpu.pipeline_mode<synchronous>, transform_indices = @transform_5, window_bounds = array<i64: 1, 8>}, {transform_indices = @transform_6, window_bounds = array<i64: 256, 1024>}, {transform_indices = @transform_7, window_bounds = array<i64: 256, 1024>}, {transform_indices = @transform_8, window_bounds = array<i64: 256, 1>}, {transform_indices = @transform_9, window_bounds = array<i64: 256, 1>}, {transform_indices = @transform_10, window_bounds = array<i64: 256, 1>}, {transform_indices = @transform_11, window_bounds = array<i64: 256, 1>}]} {
    %get3A = arith.constant 0 : index
    %get3A_0 = arith.constant 0 : index
    %get3A_1 = arith.constant 0 : index
    %get3A_2 = vector.load %arg1[%get3A, %get3A_0, %get3A_1] : memref<16x256x64xf32, #tpu.memory_space<vmem>>, vector<1x256x64xf32>
    %get3A_3 = vector.shape_cast %get3A_2 : vector<1x256x64xf32> to vector<256x64xf32>
    %get3A_4 = arith.constant 1 : index
    %get3A_5 = arith.constant 0 : index
    %get3A_6 = arith.constant 0 : index
    %get3A_7 = vector.load %arg1[%get3A_4, %get3A_5, %get3A_6] : memref<16x256x64xf32, #tpu.memory_space<vmem>>, vector<1x256x64xf32>
    %get3A_8 = vector.shape_cast %get3A_7 : vector<1x256x64xf32> to vector<256x64xf32>
    %get3A_9 = arith.constant 2 : index
    %get3A_10 = arith.constant 0 : index
    %get3A_11 = arith.constant 0 : index
    %get3A_12 = vector.load %arg1[%get3A_9, %get3A_10, %get3A_11] : memref<16x256x64xf32, #tpu.memory_space<vmem>>, vector<1x256x64xf32>
    %get3A_13 = vector.shape_cast %get3A_12 : vector<1x256x64xf32> to vector<256x64xf32>
    %get3A_14 = arith.constant 3 : index
    %get3A_15 = arith.constant 0 : index
    %get3A_16 = arith.constant 0 : index
    %get3A_17 = vector.load %arg1[%get3A_14, %get3A_15, %get3A_16] : memref<16x256x64xf32, #tpu.memory_space<vmem>>, vector<1x256x64xf32>
    %get3A_18 = vector.shape_cast %get3A_17 : vector<1x256x64xf32> to vector<256x64xf32>
    %get3A_19 = arith.constant 4 : index
    %get3A_20 = arith.constant 0 : index
    %get3A_21 = arith.constant 0 : index
    %get3A_22 = vector.load %arg1[%get3A_19, %get3A_20, %get3A_21] : memref<16x256x64xf32, #tpu.memory_space<vmem>>, vector<1x256x64xf32>
    %get3A_23 = vector.shape_cast %get3A_22 : vector<1x256x64xf32> to vector<256x64xf32>
    %get3A_24 = arith.constant 5 : index
    %get3A_25 = arith.constant 0 : index
    %get3A_26 = arith.constant 0 : index
    %get3A_27 = vector.load %arg1[%get3A_24, %get3A_25, %get3A_26] : memref<16x256x64xf32, #tpu.memory_space<vmem>>, vector<1x256x64xf32>
    %get3A_28 = vector.shape_cast %get3A_27 : vector<1x256x64xf32> to vector<256x64xf32>
    %get3A_29 = arith.constant 6 : index
    %get3A_30 = arith.constant 0 : index
    %get3A_31 = arith.constant 0 : index
    %get3A_32 = vector.load %arg1[%get3A_29, %get3A_30, %get3A_31] : memref<16x256x64xf32, #tpu.memory_space<vmem>>, vector<1x256x64xf32>
    %get3A_33 = vector.shape_cast %get3A_32 : vector<1x256x64xf32> to vector<256x64xf32>
    %get3A_34 = arith.constant 7 : index
    %get3A_35 = arith.constant 0 : index
    %get3A_36 = arith.constant 0 : index
    %get3A_37 = vector.load %arg1[%get3A_34, %get3A_35, %get3A_36] : memref<16x256x64xf32, #tpu.memory_space<vmem>>, vector<1x256x64xf32>
    %get3A_38 = vector.shape_cast %get3A_37 : vector<1x256x64xf32> to vector<256x64xf32>
    %get3A_39 = arith.constant 8 : index
    %get3A_40 = arith.constant 0 : index
    %get3A_41 = arith.constant 0 : index
    %get3A_42 = vector.load %arg1[%get3A_39, %get3A_40, %get3A_41] : memref<16x256x64xf32, #tpu.memory_space<vmem>>, vector<1x256x64xf32>
    %get3A_43 = vector.shape_cast %get3A_42 : vector<1x256x64xf32> to vector<256x64xf32>
    %get3A_44 = arith.constant 9 : index
    %get3A_45 = arith.constant 0 : index
    %get3A_46 = arith.constant 0 : index
    %get3A_47 = vector.load %arg1[%get3A_44, %get3A_45, %get3A_46] : memref<16x256x64xf32, #tpu.memory_space<vmem>>, vector<1x256x64xf32>
    %get3A_48 = vector.shape_cast %get3A_47 : vector<1x256x64xf32> to vector<256x64xf32>
    %get3A_49 = arith.constant 10 : index
    %get3A_50 = arith.constant 0 : index
    %get3A_51 = arith.constant 0 : index
    %get3A_52 = vector.load %arg1[%get3A_49, %get3A_50, %get3A_51] : memref<16x256x64xf32, #tpu.memory_space<vmem>>, vector<1x256x64xf32>
    %get3A_53 = vector.shape_cast %get3A_52 : vector<1x256x64xf32> to vector<256x64xf32>
    %get3A_54 = arith.constant 11 : index
    %get3A_55 = arith.constant 0 : index
    %get3A_56 = arith.constant 0 : index
    %get3A_57 = vector.load %arg1[%get3A_54, %get3A_55, %get3A_56] : memref<16x256x64xf32, #tpu.memory_space<vmem>>, vector<1x256x64xf32>
    %get3A_58 = vector.shape_cast %get3A_57 : vector<1x256x64xf32> to vector<256x64xf32>
    %get3A_59 = arith.constant 12 : index
    %get3A_60 = arith.constant 0 : index
    %get3A_61 = arith.constant 0 : index
    %get3A_62 = vector.load %arg1[%get3A_59, %get3A_60, %get3A_61] : memref<16x256x64xf32, #tpu.memory_space<vmem>>, vector<1x256x64xf32>
    %get3A_63 = vector.shape_cast %get3A_62 : vector<1x256x64xf32> to vector<256x64xf32>
    %get3A_64 = arith.constant 13 : index
    %get3A_65 = arith.constant 0 : index
    %get3A_66 = arith.constant 0 : index
    %get3A_67 = vector.load %arg1[%get3A_64, %get3A_65, %get3A_66] : memref<16x256x64xf32, #tpu.memory_space<vmem>>, vector<1x256x64xf32>
    %get3A_68 = vector.shape_cast %get3A_67 : vector<1x256x64xf32> to vector<256x64xf32>
    %get3A_69 = arith.constant 14 : index
    %get3A_70 = arith.constant 0 : index
    %get3A_71 = arith.constant 0 : index
    %get3A_72 = vector.load %arg1[%get3A_69, %get3A_70, %get3A_71] : memref<16x256x64xf32, #tpu.memory_space<vmem>>, vector<1x256x64xf32>
    %get3A_73 = vector.shape_cast %get3A_72 : vector<1x256x64xf32> to vector<256x64xf32>
    %get3A_74 = arith.constant 15 : index
    %get3A_75 = arith.constant 0 : index
    %get3A_76 = arith.constant 0 : index
    %get3A_77 = vector.load %arg1[%get3A_74, %get3A_75, %get3A_76] : memref<16x256x64xf32, #tpu.memory_space<vmem>>, vector<1x256x64xf32>
    %get3A_78 = vector.shape_cast %get3A_77 : vector<1x256x64xf32> to vector<256x64xf32>
    %concatenate3A = tpu.concatenate %get3A_3, %get3A_8, %get3A_13, %get3A_18, %get3A_23, %get3A_28, %get3A_33, %get3A_38, %get3A_43, %get3A_48, %get3A_53, %get3A_58, %get3A_63, %get3A_68, %get3A_73, %get3A_78 in 1 : vector<256x64xf32>, vector<256x64xf32>, vector<256x64xf32>, vector<256x64xf32>, vector<256x64xf32>, vector<256x64xf32>, vector<256x64xf32>, vector<256x64xf32>, vector<256x64xf32>, vector<256x64xf32>, vector<256x64xf32>, vector<256x64xf32>, vector<256x64xf32>, vector<256x64xf32>, vector<256x64xf32>, vector<256x64xf32> -> vector<256x1024xf32>
    %get3A_79 = arith.constant 0 : index
    %get3A_80 = arith.constant 0 : index
    %get3A_81 = vector.load %arg3[%get3A_79, %get3A_80] : memref<1024x1024xf32, #tpu.memory_space<vmem>>, vector<1024x1024xf32>
    %dot_general3A = arith.constant dense<0.000000e+00> : vector<256x1024xf32>
    %dot_general3A_82 = tpu.matmul %concatenate3A, %get3A_81, %dot_general3A {dimension_numbers = #tpu.dot_dimension_numbers<[1], [0], [0], [1], [0, 0, 1, 1], [], []>, transpose_lhs_hint = false} : vector<256x1024xf32>, vector<1024x1024xf32>, vector<256x1024xf32> -> vector<256x1024xf32>
    %get3A_83 = arith.constant 0 : index
    %get3A_84 = arith.constant 0 : index
    %get3A_85 = vector.load %arg2[%get3A_83, %get3A_84] : memref<256x1024xf32, #tpu.memory_space<vmem>>, vector<256x1024xf32>
    %add3A = arith.addf %dot_general3A_82, %get3A_85 : vector<256x1024xf32>
    %swap3A = arith.constant 0 : index
    %swap3A_86 = arith.constant 0 : index
    %swap3A_87 = vector.load %arg7[%swap3A, %swap3A_86] : memref<256x1024xf32, #tpu.memory_space<vmem>>, vector<256x1024xf32>
    tpu.vector_store %arg7[%swap3A, %swap3A_86], %add3A {strides = array<i32>} : memref<256x1024xf32, #tpu.memory_space<vmem>>, vector<256x1024xf32>,
    %mul3A = arith.mulf %add3A, %add3A : vector<256x1024xf32>
    %reduce_sum3A = arith.constant dense<0.000000e+00> : vector<256xf32>
    %reduce_sum3A_88 = vector.multi_reduction <add>, %mul3A, %reduce_sum3A [1] : vector<256x1024xf32> to vector<256xf32>
    %broadcast_in_dim3A = vector.shape_cast %reduce_sum3A_88 : vector<256xf32> to vector<256x1xf32>
    %div3A = arith.constant 1.024000e+03 : f32
    %div3A_89 = vector.broadcast %div3A : f32 to vector<256x1xf32>
    %div3A_90 = arith.divf %broadcast_in_dim3A, %div3A_89 : vector<256x1xf32>
    %add3A_91 = arith.constant 9.99999997E-7 : f32
    %add3A_92 = vector.broadcast %add3A_91 : f32 to vector<256x1xf32>
    %add3A_93 = arith.addf %div3A_90, %add3A_92 : vector<256x1xf32>
    %sqrt3A = math.sqrt %add3A_93 : vector<256x1xf32>
    %div3A_94 = arith.constant 1.000000e+00 : f32
    %div3A_95 = vector.broadcast %div3A_94 : f32 to vector<256x1xf32>
    %div3A_96 = arith.divf %div3A_95, %sqrt3A : vector<256x1xf32>
    %mul3A_97 = vector.broadcast %div3A_96 : vector<256x1xf32> to vector<256x1024xf32>
    %mul3A_98 = arith.mulf %add3A, %mul3A_97 : vector<256x1024xf32>
    %get3A_99 = arith.constant 0 : index
    %get3A_100 = arith.constant 0 : index
    %get3A_101 = vector.load %arg4[%get3A_99, %get3A_100] : memref<1x1024xf32, #tpu.memory_space<vmem>>, vector<1x1024xf32>
    %mul3A_102 = vector.broadcast %get3A_101 : vector<1x1024xf32> to vector<256x1024xf32>
    %mul3A_103 = arith.mulf %mul3A_98, %mul3A_102 : vector<256x1024xf32>
    %swap3A_104 = arith.constant 0 : index
    %swap3A_105 = arith.constant 0 : index
    %swap3A_106 = vector.load %arg8[%swap3A_104, %swap3A_105] : memref<256x1024xf32, #tpu.memory_space<vmem>>, vector<256x1024xf32>
    tpu.vector_store %arg8[%swap3A_104, %swap3A_105], %mul3A_103 {strides = array<i32>} : memref<256x1024xf32, #tpu.memory_space<vmem>>, vector<256x1024xf32>,
    %get3A_107 = arith.constant 0 : index
    %get3A_108 = arith.constant 0 : index
    %get3A_109 = vector.load %arg5[%get3A_107, %get3A_108] : memref<1024x8xf32, #tpu.memory_space<vmem>>, vector<1024x8xf32>
    %dot_general3A_110 = arith.constant dense<0.000000e+00> : vector<256x8xf32>
    %dot_general3A_111 = tpu.matmul %mul3A_103, %get3A_109, %dot_general3A_110 {dimension_numbers = #tpu.dot_dimension_numbers<[1], [0], [0], [1], [0, 0, 1, 1], [], []>, transpose_lhs_hint = false} : vector<256x1024xf32>, vector<1024x8xf32>, vector<256x8xf32> -> vector<256x8xf32>
    %reduce_max3A = arith.constant dense<0xFF800000> : vector<256xf32>
    %reduce_max3A_112 = vector.multi_reduction <maximumf>, %dot_general3A_111, %reduce_max3A [1] : vector<256x8xf32> to vector<256xf32>
    %broadcast_in_dim3A_113 = vector.shape_cast %reduce_max3A_112 : vector<256xf32> to vector<256x1xf32>
    %sub3A = vector.broadcast %broadcast_in_dim3A_113 : vector<256x1xf32> to vector<256x8xf32>
    %sub3A_114 = arith.subf %dot_general3A_111, %sub3A : vector<256x8xf32>
    %exp3A = math.exp %sub3A_114 : vector<256x8xf32>
    %reduce_sum3A_115 = arith.constant dense<0.000000e+00> : vector<256xf32>
    %reduce_sum3A_116 = vector.multi_reduction <add>, %exp3A, %reduce_sum3A_115 [1] : vector<256x8xf32> to vector<256xf32>
    %broadcast_in_dim3A_117 = vector.shape_cast %reduce_sum3A_116 : vector<256xf32> to vector<256x1xf32>
    %div3A_118 = vector.broadcast %broadcast_in_dim3A_117 : vector<256x1xf32> to vector<256x8xf32>
    %div3A_119 = arith.divf %exp3A, %div3A_118 : vector<256x8xf32>
    %get3A_120 = arith.constant 0 : index
    %get3A_121 = arith.constant 0 : index
    %get3A_122 = vector.load %arg6[%get3A_120, %get3A_121] : memref<1x8xf32, #tpu.memory_space<vmem>>, vector<1x8xf32>
    %add3A_123 = vector.broadcast %get3A_122 : vector<1x8xf32> to vector<256x8xf32>
    %add3A_124 = arith.addf %div3A_119, %add3A_123 : vector<256x8xf32>
    %iota3A = tpu.iota {dimensions = array<i32: 1>} : vector<256x8xi32>
    %reduce_max3A_125 = arith.constant dense<0xFF800000> : vector<256xf32>
    %reduce_max3A_126 = vector.multi_reduction <maximumf>, %add3A_124, %reduce_max3A_125 [1] : vector<256x8xf32> to vector<256xf32>
    %broadcast_in_dim3A_127 = vector.shape_cast %reduce_max3A_126 : vector<256xf32> to vector<256x1xf32>
    %eq3A = vector.broadcast %broadcast_in_dim3A_127 : vector<256x1xf32> to vector<256x8xf32>
    %eq3A_128 = arith.cmpf oeq, %add3A_124, %eq3A : vector<256x8xf32>
    %jit3A = arith.constant 8 : i32
    %broadcast_in_dim3A_129 = vector.broadcast %jit3A : i32 to vector<256x8xi32>
    %select_n3A = arith.select %eq3A_128, %iota3A, %broadcast_in_dim3A_129 : vector<256x8xi1>, vector<256x8xi32>
    %reduce_min3A = arith.constant dense<2147483647> : vector<256xi32>
    %reduce_min3A_130 = vector.multi_reduction <minsi>, %select_n3A, %reduce_min3A [1] : vector<256x8xi32> to vector<256xi32>
    %broadcast_in_dim3A_131 = vector.shape_cast %reduce_min3A_130 : vector<256xi32> to vector<256x1xi32>
    %eq3A_132 = vector.broadcast %broadcast_in_dim3A_131 : vector<256x1xi32> to vector<256x8xi32>
    %eq3A_133 = arith.cmpi eq, %iota3A, %eq3A_132 : vector<256x8xi32>
    %jit3A_134 = arith.constant 0.000000e+00 : f32
    %broadcast_in_dim3A_135 = vector.broadcast %jit3A_134 : f32 to vector<256x8xf32>
    %select_n3A_136 = arith.select %eq3A_133, %div3A_119, %broadcast_in_dim3A_135 : vector<256x8xi1>, vector<256x8xf32>
    %reduce_sum3A_137 = arith.constant dense<0.000000e+00> : vector<256xf32>
    %reduce_sum3A_138 = vector.multi_reduction <add>, %select_n3A_136, %reduce_sum3A_137 [1] : vector<256x8xf32> to vector<256xf32>
    %broadcast_in_dim3A_139 = vector.shape_cast %reduce_sum3A_138 : vector<256xf32> to vector<256x1xf32>
    %eq3A_140 = vector.broadcast %broadcast_in_dim3A_131 : vector<256x1xi32> to vector<256x8xi32>
    %eq3A_141 = arith.cmpi eq, %iota3A, %eq3A_140 : vector<256x8xi32>
    %jit3A_142 = arith.constant -1.000000e+30 : f32
    %broadcast_in_dim3A_143 = vector.broadcast %jit3A_142 : f32 to vector<256x8xf32>
    %select_n3A_144 = arith.select %eq3A_141, %broadcast_in_dim3A_143, %add3A_124 : vector<256x8xi1>, vector<256x8xf32>
    %reduce_max3A_145 = arith.constant dense<0xFF800000> : vector<256xf32>
    %reduce_max3A_146 = vector.multi_reduction <maximumf>, %select_n3A_144, %reduce_max3A_145 [1] : vector<256x8xf32> to vector<256xf32>
    %broadcast_in_dim3A_147 = vector.shape_cast %reduce_max3A_146 : vector<256xf32> to vector<256x1xf32>
    %eq3A_148 = vector.broadcast %broadcast_in_dim3A_147 : vector<256x1xf32> to vector<256x8xf32>
    %eq3A_149 = arith.cmpf oeq, %select_n3A_144, %eq3A_148 : vector<256x8xf32>
    %jit3A_150 = arith.constant 8 : i32
    %broadcast_in_dim3A_151 = vector.broadcast %jit3A_150 : i32 to vector<256x8xi32>
    %select_n3A_152 = arith.select %eq3A_149, %iota3A, %broadcast_in_dim3A_151 : vector<256x8xi1>, vector<256x8xi32>
    %reduce_min3A_153 = arith.constant dense<2147483647> : vector<256xi32>
    %reduce_min3A_154 = vector.multi_reduction <minsi>, %select_n3A_152, %reduce_min3A_153 [1] : vector<256x8xi32> to vector<256xi32>
    %broadcast_in_dim3A_155 = vector.shape_cast %reduce_min3A_154 : vector<256xi32> to vector<256x1xi32>
    %eq3A_156 = vector.broadcast %broadcast_in_dim3A_155 : vector<256x1xi32> to vector<256x8xi32>
    %eq3A_157 = arith.cmpi eq, %iota3A, %eq3A_156 : vector<256x8xi32>
    %jit3A_158 = arith.constant 0.000000e+00 : f32
    %broadcast_in_dim3A_159 = vector.broadcast %jit3A_158 : f32 to vector<256x8xf32>
    %select_n3A_160 = arith.select %eq3A_157, %div3A_119, %broadcast_in_dim3A_159 : vector<256x8xi1>, vector<256x8xf32>
    %reduce_sum3A_161 = arith.constant dense<0.000000e+00> : vector<256xf32>
    %reduce_sum3A_162 = vector.multi_reduction <add>, %select_n3A_160, %reduce_sum3A_161 [1] : vector<256x8xf32> to vector<256xf32>
    %broadcast_in_dim3A_163 = vector.shape_cast %reduce_sum3A_162 : vector<256xf32> to vector<256x1xf32>
    %add3A_164 = arith.addf %broadcast_in_dim3A_139, %broadcast_in_dim3A_163 : vector<256x1xf32>
    %add3A_165 = arith.constant 9.99999968E-21 : f32
    %add3A_166 = vector.broadcast %add3A_165 : f32 to vector<256x1xf32>
    %add3A_167 = arith.addf %add3A_164, %add3A_166 : vector<256x1xf32>
    %swap3A_168 = arith.constant 0 : index
    %swap3A_169 = arith.constant 0 : index
    %swap3A_170 = vector.load %arg9[%swap3A_168, %swap3A_169] : memref<256x1xi32, #tpu.memory_space<vmem>>, vector<256x1xi32>
    tpu.vector_store %arg9[%swap3A_168, %swap3A_169], %broadcast_in_dim3A_131 {strides = array<i32>} : memref<256x1xi32, #tpu.memory_space<vmem>>, vector<256x1xi32>,
    %swap3A_171 = arith.constant 0 : index
    %swap3A_172 = arith.constant 0 : index
    %swap3A_173 = vector.load %arg10[%swap3A_171, %swap3A_172] : memref<256x1xi32, #tpu.memory_space<vmem>>, vector<256x1xi32>
    tpu.vector_store %arg10[%swap3A_171, %swap3A_172], %broadcast_in_dim3A_155 {strides = array<i32>} : memref<256x1xi32, #tpu.memory_space<vmem>>, vector<256x1xi32>,
    %div3A_174 = arith.divf %broadcast_in_dim3A_139, %add3A_167 : vector<256x1xf32>
    %swap3A_175 = arith.constant 0 : index
    %swap3A_176 = arith.constant 0 : index
    %swap3A_177 = vector.load %arg11[%swap3A_175, %swap3A_176] : memref<256x1xf32, #tpu.memory_space<vmem>>, vector<256x1xf32>
    tpu.vector_store %arg11[%swap3A_175, %swap3A_176], %div3A_174 {strides = array<i32>} : memref<256x1xf32, #tpu.memory_space<vmem>>, vector<256x1xf32>,
    %div3A_178 = arith.divf %broadcast_in_dim3A_163, %add3A_167 : vector<256x1xf32>
    %swap3A_179 = arith.constant 0 : index
    %swap3A_180 = arith.constant 0 : index
    %swap3A_181 = vector.load %arg12[%swap3A_179, %swap3A_180] : memref<256x1xf32, #tpu.memory_space<vmem>>, vector<256x1xf32>
    tpu.vector_store %arg12[%swap3A_179, %swap3A_180], %div3A_178 {strides = array<i32>} : memref<256x1xf32, #tpu.memory_space<vmem>>, vector<256x1xf32>,
    return
  }
  func.func @transform_0(%arg0: i32) -> (i32, i32, i32) {
    %c0_i32 = arith.constant 0 : i32
    %c0_i32_0 = arith.constant 0 : i32
    %c0_i32_1 = arith.constant 0 : i32
    return %c0_i32, %arg0, %c0_i32_0 : i32, i32, i32
  }
  func.func @transform_1(%arg0: i32) -> (i32, i32) {
    %c0_i32 = arith.constant 0 : i32
    %c0_i32_0 = arith.constant 0 : i32
    return %arg0, %c0_i32 : i32, i32
  }
  func.func @transform_2(%arg0: i32) -> (i32, i32) {
    %c0_i32 = arith.constant 0 : i32
    %c0_i32_0 = arith.constant 0 : i32
    %c0_i32_1 = arith.constant 0 : i32
    return %c0_i32, %c0_i32_0 : i32, i32
  }
  func.func @transform_3(%arg0: i32) -> (i32, i32) {
    %c0_i32 = arith.constant 0 : i32
    %c0_i32_0 = arith.constant 0 : i32
    %c0_i32_1 = arith.constant 0 : i32
    return %c0_i32, %c0_i32_0 : i32, i32
  }
  func.func @transform_4(%arg0: i32) -> (i32, i32) {
    %c0_i32 = arith.constant 0 : i32
    %c0_i32_0 = arith.constant 0 : i32
    %c0_i32_1 = arith.constant 0 : i32
    return %c0_i32, %c0_i32_0 : i32, i32
  }
  func.func @transform_5(%arg0: i32) -> (i32, i32) {
    %c0_i32 = arith.constant 0 : i32
    %c0_i32_0 = arith.constant 0 : i32
    %c0_i32_1 = arith.constant 0 : i32
    return %c0_i32, %c0_i32_0 : i32, i32
  }
  func.func @transform_6(%arg0: i32) -> (i32, i32) {
    %c0_i32 = arith.constant 0 : i32
    %c0_i32_0 = arith.constant 0 : i32
    return %arg0, %c0_i32 : i32, i32
  }
  func.func @transform_7(%arg0: i32) -> (i32, i32) {
    %c0_i32 = arith.constant 0 : i32
    %c0_i32_0 = arith.constant 0 : i32
    return %arg0, %c0_i32 : i32, i32
  }
  func.func @transform_8(%arg0: i32) -> (i32, i32) {
    %c0_i32 = arith.constant 0 : i32
    %c0_i32_0 = arith.constant 0 : i32
    return %arg0, %c0_i32 : i32, i32
  }
  func.func @transform_9(%arg0: i32) -> (i32, i32) {
    %c0_i32 = arith.constant 0 : i32
    %c0_i32_0 = arith.constant 0 : i32
    return %arg0, %c0_i32 : i32, i32
  }
  func.func @transform_10(%arg0: i32) -> (i32, i32) {
    %c0_i32 = arith.constant 0 : i32
    %c0_i32_0 = arith.constant 0 : i32
    return %arg0, %c0_i32 : i32, i32
  }
  func.func @transform_11(%arg0: i32) -> (i32, i32) {
    %c0_i32 = arith.constant 0 : i32
    %c0_i32_0 = arith.constant 0 : i32
    return %arg0, %c0_i32 : i32, i32
  }
}

module attributes {stable_mosaic.version = 14 : i64} {
  func.func @_ffn_body(%arg0: i32, %arg1: memref<40xi32, #tpu.memory_space<smem>>, %arg2: memref<128x1024xf32, #tpu.memory_space<vmem>>, %arg3: memref<1x1024x1024xf32, #tpu.memory_space<vmem>>, %arg4: memref<1x512x1024xf32, #tpu.memory_space<vmem>>, %arg5: memref<128x1024xf32, #tpu.memory_space<vmem>>) attributes {dimension_semantics = [#tpu.dimension_semantics<arbitrary>], iteration_bounds = array<i64: 40>, scalar_prefetch = 1 : i64, scratch_operands = 0 : i64, tpu.core_type = #tpu.core_type<tc>, window_params = [{transform_indices = @transform_0, window_bounds = array<i64: 128, 1024>}, {transform_indices = @transform_1, window_bounds = array<i64: 1, 1024, 1024>}, {transform_indices = @transform_2, window_bounds = array<i64: 1, 512, 1024>}, {transform_indices = @transform_3, window_bounds = array<i64: 128, 1024>}]} {
    %get3A = arith.constant 0 : index
    %get3A_0 = arith.constant 0 : index
    %get3A_1 = vector.load %arg2[%get3A, %get3A_0] : memref<128x1024xf32, #tpu.memory_space<vmem>>, vector<128x1024xf32>
    %get3A_2 = arith.constant 0 : index
    %get3A_3 = arith.constant 0 : index
    %get3A_4 = arith.constant 0 : index
    %get3A_5 = vector.load %arg3[%get3A_2, %get3A_3, %get3A_4] : memref<1x1024x1024xf32, #tpu.memory_space<vmem>>, vector<1x1024x1024xf32>
    %get3A_6 = vector.shape_cast %get3A_5 : vector<1x1024x1024xf32> to vector<1024x1024xf32>
    %dot_general3A = arith.constant dense<0.000000e+00> : vector<128x1024xf32>
    %dot_general3A_7 = tpu.matmul %get3A_1, %get3A_6, %dot_general3A {dimension_numbers = #tpu.dot_dimension_numbers<[1], [0], [0], [1], [0, 0, 1, 1], [], []>, transpose_lhs_hint = false} : vector<128x1024xf32>, vector<1024x1024xf32>, vector<128x1024xf32> -> vector<128x1024xf32>
    %slice3A = vector.extract_strided_slice %dot_general3A_7 {offsets = [0, 0], sizes = [128, 512], strides = [1, 1]} : vector<128x1024xf32> to vector<128x512xf32>
    %slice3A_8 = vector.extract_strided_slice %dot_general3A_7 {offsets = [0, 512], sizes = [128, 512], strides = [1, 1]} : vector<128x1024xf32> to vector<128x512xf32>
    %logistic3A = arith.negf %slice3A : vector<128x512xf32>
    %logistic3A_9 = math.exp %logistic3A : vector<128x512xf32>
    %logistic3A_10 = arith.constant 1.000000e+00 : f32
    %logistic3A_11 = vector.broadcast %logistic3A_10 : f32 to vector<128x512xf32>
    %logistic3A_12 = arith.addf %logistic3A_11, %logistic3A_9 : vector<128x512xf32>
    %logistic3A_13 = arith.divf %logistic3A_11, %logistic3A_12 : vector<128x512xf32>
    %mul3A = arith.mulf %slice3A, %logistic3A_13 : vector<128x512xf32>
    %mul3A_14 = arith.mulf %mul3A, %slice3A_8 : vector<128x512xf32>
    %get3A_15 = arith.constant 0 : index
    %get3A_16 = arith.constant 0 : index
    %get3A_17 = arith.constant 0 : index
    %get3A_18 = vector.load %arg4[%get3A_15, %get3A_16, %get3A_17] : memref<1x512x1024xf32, #tpu.memory_space<vmem>>, vector<1x512x1024xf32>
    %get3A_19 = vector.shape_cast %get3A_18 : vector<1x512x1024xf32> to vector<512x1024xf32>
    %dot_general3A_20 = arith.constant dense<0.000000e+00> : vector<128x1024xf32>
    %dot_general3A_21 = tpu.matmul %mul3A_14, %get3A_19, %dot_general3A_20 {dimension_numbers = #tpu.dot_dimension_numbers<[1], [0], [0], [1], [0, 0, 1, 1], [], []>, transpose_lhs_hint = false} : vector<128x512xf32>, vector<512x1024xf32>, vector<128x1024xf32> -> vector<128x1024xf32>
    %swap3A = arith.constant 0 : index
    %swap3A_22 = arith.constant 0 : index
    %swap3A_23 = vector.load %arg5[%swap3A, %swap3A_22] : memref<128x1024xf32, #tpu.memory_space<vmem>>, vector<128x1024xf32>
    tpu.vector_store %arg5[%swap3A, %swap3A_22], %dot_general3A_21 {strides = array<i32>} : memref<128x1024xf32, #tpu.memory_space<vmem>>, vector<128x1024xf32>,
    return
  }
  func.func @transform_0(%arg0: i32, %arg1: memref<40xi32, #tpu.memory_space<smem>>) -> (i32, i32) {
    %c0_i32 = arith.constant 0 : i32
    %c0_i32_0 = arith.constant 0 : i32
    return %arg0, %c0_i32 : i32, i32
  }
  func.func @transform_1(%arg0: i32, %arg1: memref<40xi32, #tpu.memory_space<smem>>) -> (i32, i32, i32) {
    %get3A = arith.index_cast %arg0 : i32 to index
    %get3A_0 = memref.load %arg1[%get3A] : memref<40xi32, #tpu.memory_space<smem>>
    %c0_i32 = arith.constant 0 : i32
    %c0_i32_1 = arith.constant 0 : i32
    %c0_i32_2 = arith.constant 0 : i32
    return %get3A_0, %c0_i32, %c0_i32_1 : i32, i32, i32
  }
  func.func @transform_2(%arg0: i32, %arg1: memref<40xi32, #tpu.memory_space<smem>>) -> (i32, i32, i32) {
    %get3A = arith.index_cast %arg0 : i32 to index
    %get3A_0 = memref.load %arg1[%get3A] : memref<40xi32, #tpu.memory_space<smem>>
    %c0_i32 = arith.constant 0 : i32
    %c0_i32_1 = arith.constant 0 : i32
    %c0_i32_2 = arith.constant 0 : i32
    return %get3A_0, %c0_i32, %c0_i32_1 : i32, i32, i32
  }
  func.func @transform_3(%arg0: i32, %arg1: memref<40xi32, #tpu.memory_space<smem>>) -> (i32, i32) {
    %c0_i32 = arith.constant 0 : i32
    %c0_i32_0 = arith.constant 0 : i32
    return %arg0, %c0_i32 : i32, i32
  }
}

module attributes {stable_mosaic.version = 14 : i64} {
  func.func @_shared_body(%arg0: i32, %arg1: memref<256x1024xf32, #tpu.memory_space<vmem>>, %arg2: memref<1024x2048xf32, #tpu.memory_space<vmem>>, %arg3: memref<1024x1024xf32, #tpu.memory_space<vmem>>, %arg4: memref<256x1024xf32, #tpu.memory_space<vmem>>) attributes {dimension_semantics = [#tpu.dimension_semantics<arbitrary>], iteration_bounds = array<i64: 8>, scalar_prefetch = 0 : i64, scratch_operands = 0 : i64, tpu.core_type = #tpu.core_type<tc>, window_params = [{transform_indices = @transform_0, window_bounds = array<i64: 256, 1024>}, {pipeline_mode = #tpu.pipeline_mode<synchronous>, transform_indices = @transform_1, window_bounds = array<i64: 1024, 2048>}, {pipeline_mode = #tpu.pipeline_mode<synchronous>, transform_indices = @transform_2, window_bounds = array<i64: 1024, 1024>}, {transform_indices = @transform_3, window_bounds = array<i64: 256, 1024>}]} {
    %get3A = arith.constant 0 : index
    %get3A_0 = arith.constant 0 : index
    %get3A_1 = vector.load %arg1[%get3A, %get3A_0] : memref<256x1024xf32, #tpu.memory_space<vmem>>, vector<256x1024xf32>
    %get3A_2 = arith.constant 0 : index
    %get3A_3 = arith.constant 0 : index
    %get3A_4 = vector.load %arg2[%get3A_2, %get3A_3] : memref<1024x2048xf32, #tpu.memory_space<vmem>>, vector<1024x2048xf32>
    %dot_general3A = arith.constant dense<0.000000e+00> : vector<256x2048xf32>
    %dot_general3A_5 = tpu.matmul %get3A_1, %get3A_4, %dot_general3A {dimension_numbers = #tpu.dot_dimension_numbers<[1], [0], [0], [1], [0, 0, 1, 1], [], []>, transpose_lhs_hint = false} : vector<256x1024xf32>, vector<1024x2048xf32>, vector<256x2048xf32> -> vector<256x2048xf32>
    %slice3A = vector.extract_strided_slice %dot_general3A_5 {offsets = [0, 0], sizes = [256, 1024], strides = [1, 1]} : vector<256x2048xf32> to vector<256x1024xf32>
    %slice3A_6 = vector.extract_strided_slice %dot_general3A_5 {offsets = [0, 1024], sizes = [256, 1024], strides = [1, 1]} : vector<256x2048xf32> to vector<256x1024xf32>
    %logistic3A = arith.negf %slice3A : vector<256x1024xf32>
    %logistic3A_7 = math.exp %logistic3A : vector<256x1024xf32>
    %logistic3A_8 = arith.constant 1.000000e+00 : f32
    %logistic3A_9 = vector.broadcast %logistic3A_8 : f32 to vector<256x1024xf32>
    %logistic3A_10 = arith.addf %logistic3A_9, %logistic3A_7 : vector<256x1024xf32>
    %logistic3A_11 = arith.divf %logistic3A_9, %logistic3A_10 : vector<256x1024xf32>
    %mul3A = arith.mulf %slice3A, %logistic3A_11 : vector<256x1024xf32>
    %mul3A_12 = arith.mulf %mul3A, %slice3A_6 : vector<256x1024xf32>
    %get3A_13 = arith.constant 0 : index
    %get3A_14 = arith.constant 0 : index
    %get3A_15 = vector.load %arg3[%get3A_13, %get3A_14] : memref<1024x1024xf32, #tpu.memory_space<vmem>>, vector<1024x1024xf32>
    %dot_general3A_16 = arith.constant dense<0.000000e+00> : vector<256x1024xf32>
    %dot_general3A_17 = tpu.matmul %mul3A_12, %get3A_15, %dot_general3A_16 {dimension_numbers = #tpu.dot_dimension_numbers<[1], [0], [0], [1], [0, 0, 1, 1], [], []>, transpose_lhs_hint = false} : vector<256x1024xf32>, vector<1024x1024xf32>, vector<256x1024xf32> -> vector<256x1024xf32>
    %swap3A = arith.constant 0 : index
    %swap3A_18 = arith.constant 0 : index
    %swap3A_19 = vector.load %arg4[%swap3A, %swap3A_18] : memref<256x1024xf32, #tpu.memory_space<vmem>>, vector<256x1024xf32>
    tpu.vector_store %arg4[%swap3A, %swap3A_18], %dot_general3A_17 {strides = array<i32>} : memref<256x1024xf32, #tpu.memory_space<vmem>>, vector<256x1024xf32>,
    return
  }
  func.func @transform_0(%arg0: i32) -> (i32, i32) {
    %c0_i32 = arith.constant 0 : i32
    %c0_i32_0 = arith.constant 0 : i32
    return %arg0, %c0_i32 : i32, i32
  }
  func.func @transform_1(%arg0: i32) -> (i32, i32) {
    %c0_i32 = arith.constant 0 : i32
    %c0_i32_0 = arith.constant 0 : i32
    %c0_i32_1 = arith.constant 0 : i32
    return %c0_i32, %c0_i32_0 : i32, i32
  }
  func.func @transform_2(%arg0: i32) -> (i32, i32) {
    %c0_i32 = arith.constant 0 : i32
    %c0_i32_0 = arith.constant 0 : i32
    %c0_i32_1 = arith.constant 0 : i32
    return %c0_i32, %c0_i32_0 : i32, i32
  }
  func.func @transform_3(%arg0: i32) -> (i32, i32) {
    %c0_i32 = arith.constant 0 : i32
    %c0_i32_0 = arith.constant 0 : i32
    return %arg0, %c0_i32 : i32, i32
  }
}

module attributes {stable_mosaic.version = 14 : i64} {
  func.func @_add3_body(%arg0: i32, %arg1: memref<512x1024xf32, #tpu.memory_space<vmem>>, %arg2: memref<1x512x1024xf32, #tpu.memory_space<vmem>>, %arg3: memref<1x512x1024xf32, #tpu.memory_space<vmem>>, %arg4: memref<512x1xf32, #tpu.memory_space<vmem>>, %arg5: memref<512x1xf32, #tpu.memory_space<vmem>>, %arg6: memref<512x1024xf32, #tpu.memory_space<vmem>>) attributes {dimension_semantics = [#tpu.dimension_semantics<arbitrary>], iteration_bounds = array<i64: 4>, scalar_prefetch = 0 : i64, scratch_operands = 0 : i64, tpu.core_type = #tpu.core_type<tc>, window_params = [{transform_indices = @transform_0, window_bounds = array<i64: 512, 1024>}, {transform_indices = @transform_1, window_bounds = array<i64: 1, 512, 1024>}, {transform_indices = @transform_2, window_bounds = array<i64: 1, 512, 1024>}, {transform_indices = @transform_3, window_bounds = array<i64: 512, 1>}, {transform_indices = @transform_4, window_bounds = array<i64: 512, 1>}, {transform_indices = @transform_5, window_bounds = array<i64: 512, 1024>}]} {
    %get3A = arith.constant 0 : index
    %get3A_0 = arith.constant 0 : index
    %get3A_1 = vector.load %arg1[%get3A, %get3A_0] : memref<512x1024xf32, #tpu.memory_space<vmem>>, vector<512x1024xf32>
    %get3A_2 = arith.constant 0 : index
    %get3A_3 = arith.constant 0 : index
    %get3A_4 = vector.load %arg4[%get3A_2, %get3A_3] : memref<512x1xf32, #tpu.memory_space<vmem>>, vector<512x1xf32>
    %get3A_5 = arith.constant 0 : index
    %get3A_6 = arith.constant 0 : index
    %get3A_7 = arith.constant 0 : index
    %get3A_8 = vector.load %arg2[%get3A_5, %get3A_6, %get3A_7] : memref<1x512x1024xf32, #tpu.memory_space<vmem>>, vector<1x512x1024xf32>
    %get3A_9 = vector.shape_cast %get3A_8 : vector<1x512x1024xf32> to vector<512x1024xf32>
    %mul3A = vector.broadcast %get3A_4 : vector<512x1xf32> to vector<512x1024xf32>
    %mul3A_10 = arith.mulf %mul3A, %get3A_9 : vector<512x1024xf32>
    %add3A = arith.addf %get3A_1, %mul3A_10 : vector<512x1024xf32>
    %get3A_11 = arith.constant 0 : index
    %get3A_12 = arith.constant 0 : index
    %get3A_13 = vector.load %arg5[%get3A_11, %get3A_12] : memref<512x1xf32, #tpu.memory_space<vmem>>, vector<512x1xf32>
    %get3A_14 = arith.constant 0 : index
    %get3A_15 = arith.constant 0 : index
    %get3A_16 = arith.constant 0 : index
    %get3A_17 = vector.load %arg3[%get3A_14, %get3A_15, %get3A_16] : memref<1x512x1024xf32, #tpu.memory_space<vmem>>, vector<1x512x1024xf32>
    %get3A_18 = vector.shape_cast %get3A_17 : vector<1x512x1024xf32> to vector<512x1024xf32>
    %mul3A_19 = vector.broadcast %get3A_13 : vector<512x1xf32> to vector<512x1024xf32>
    %mul3A_20 = arith.mulf %mul3A_19, %get3A_18 : vector<512x1024xf32>
    %add3A_21 = arith.addf %add3A, %mul3A_20 : vector<512x1024xf32>
    %swap3A = arith.constant 0 : index
    %swap3A_22 = arith.constant 0 : index
    %swap3A_23 = vector.load %arg6[%swap3A, %swap3A_22] : memref<512x1024xf32, #tpu.memory_space<vmem>>, vector<512x1024xf32>
    tpu.vector_store %arg6[%swap3A, %swap3A_22], %add3A_21 {strides = array<i32>} : memref<512x1024xf32, #tpu.memory_space<vmem>>, vector<512x1024xf32>,
    return
  }
  func.func @transform_0(%arg0: i32) -> (i32, i32) {
    %c0_i32 = arith.constant 0 : i32
    %c0_i32_0 = arith.constant 0 : i32
    return %arg0, %c0_i32 : i32, i32
  }
  func.func @transform_1(%arg0: i32) -> (i32, i32, i32) {
    %c0_i32 = arith.constant 0 : i32
    %c0_i32_0 = arith.constant 0 : i32
    %c0_i32_1 = arith.constant 0 : i32
    return %c0_i32, %arg0, %c0_i32_0 : i32, i32, i32
  }
  func.func @transform_2(%arg0: i32) -> (i32, i32, i32) {
    %c1_i32 = arith.constant 1 : i32
    %c0_i32 = arith.constant 0 : i32
    %c0_i32_0 = arith.constant 0 : i32
    return %c1_i32, %arg0, %c0_i32 : i32, i32, i32
  }
  func.func @transform_3(%arg0: i32) -> (i32, i32) {
    %c0_i32 = arith.constant 0 : i32
    %c0_i32_0 = arith.constant 0 : i32
    return %arg0, %c0_i32 : i32, i32
  }
  func.func @transform_4(%arg0: i32) -> (i32, i32) {
    %c0_i32 = arith.constant 0 : i32
    %c0_i32_0 = arith.constant 0 : i32
    return %arg0, %c0_i32 : i32, i32
  }
  func.func @transform_5(%arg0: i32) -> (i32, i32) {
    %c0_i32 = arith.constant 0 : i32
    %c0_i32_0 = arith.constant 0 : i32
    return %arg0, %c0_i32 : i32, i32
  }
}

</mosaic_0001>

<sc_bundles>
// kernel: kernel.13.cloned.1.call-start
scs
__scs_entry_jumppad:
0x0: {  	(pc) =	sbr.rel $0x88, $3  }
0x1: {  	(tag) =	ssettag $0x0;
	lr =	simm.s32 $0x1  }
0x2: {  	[smem:$0x3F92] =	sst lr;
	_ =	strace $0xD0000000  }
0x3: {  	_ = 	snop  }
0x4: {  	_ = 	snop  }
0x5: {  	_ = 	snop  }
0x6: {  	_ = 	snop  }
0x7: {  	_ = 	snop  }
__scs_overlays_trampoline_lowered:
0x8: {  	[smem:$0x3FA1] =	sst s0  }
0x9: {  	[smem:$0x3FA2] =	sst s1  }
0xa: {  	[smem:$0x3FA3] =	sst s2  }
0xb: {  	[smem:$0x3FA4] =	sst s3  }
0xc: {  	[smem:$0x3FA5] =	sst s4  }
0xd: {  	[smem:$0x3FA6] =	sst s5  }
0xe: {  	[smem:$0x3FA7] =	sst s6  }
0xf: {  	[smem:$0x3FA8] =	sst s7  }
0x10: {  	[smem:$0x3FA9] =	sst s8  }
0x11: {  	[smem:$0x3FAA] =	sst s9;
	s0 =	simm.s32 @!p0 $0x0  }
0x12: {  	s1 =	sld [smem:$0x3F90];
	s0 =	simm.s32 @p0 $0x1  }
0x13: {  	[smem:$0x3FAB] =	sst s0;
	s0 =	simm.s32 @!p1 $0x0  }
0x14: {  	s2 =	sld [smem:$0x3F8F];
	s0 =	simm.s32 @p1 $0x1  }
0x15: {  	[smem:$0x3FAC] =	sst s0;
	s0 =	simm.s32 @!p2 $0x0  }
0x16: {  	s3 =	sld [smem:$0x3FDB];
	s0 =	simm.s32 @p2 $0x1  }
0x17: {  	s4 =	simm.s32 $0x1BF5;
	[smem:$0x3FAE] =	sst s0  }
0x18: {  	s0 =	sld [smem:$0x3F91];
	_ =	swait.ge [sflag:s4], $0x0  }
0x19: {  	s7 =	sld [smem:$0x3F92]  }
0x1a: {  	s8 =	sadd.s32 $0xFFFFE003, lr  }
0x1b: {  	s9 =	sadd.s32 $0xFFFFFEF7, lr;
	s5 =	simm.s32 $0xFFFFFFFF;
	p2 =	slt.u32 s8, $0xFFFFF086  }
0x1c: {  	p1 =	slt.u32 s9, $0xF7A;
	s5 =	simm.s32 @!p2 $0x0  }
0x1d: {  	s5 =	simm.s32 @p1 $0x1;
	p0 =	seq.s32 s7, s2  }
0x1e: {  	s7 =	smul.u32 @!p0 $0xF7A, s2;
	p2 =	seq.s32 @!p0 s5, $0x0  }
0x1f: {  	s9 =	smul.u32 $0xF7A, s1;
	s8 =	simm.s32 @!p0 $0x1BF5;
	p2 =	por !p2, p0  }
0x20: {  	[sflag:s8] =	ssyncset.s32 @!p0 $0xFFFFF086;
	s6 =	sadd.s32 @!p0 s3, s7;
	s7 =	simm.s32 @!p0 $0x108  }
0x21: {  	s3 =	sadd.s32 s3, s9;
	s6 =	sadd.s32 @!p0 $0x88, s6;
	s7 =	simm.s32 @p2 $0x1082  }
0x22: {  	[simem:s7], [sflag:s8] =	dma.local @!p0 [hbm:s6], $0xF7A  }
0x23: {  	s9 =	sor.u32 $0xD0000000, s2;
	s6 =	simm.s32 $0x108;
	_ =	swait.ge @!p0 [sflag:s8], $0x0  }
0x24: {  	s3 =	sadd.s32 $0x88, s3;
	s6 =	simm.s32 @!p1 $0x1082;
	[sflag:s4] =	ssyncset.s32 $0xFFFFF086  }
0x25: {  	[simem:s6], [sflag:s4] =	dma.local [hbm:s3], $0xF7A  }
0x26: {  	[smem:$0x3F92] =	sst s1;
	(tag) =	ssettag s2;
	_ =	strace s9  }
0x27: {  	s1 =	sld [smem:$0x3FA2]  }
0x28: {  	s2 =	sld [smem:$0x3FA3]  }
0x29: {  	s4 =	sld [smem:$0x3FA5]  }
0x2a: {  	p0 =	seq.s32 s5, $0x0;
	s5 =	sld [smem:$0x3FA6]  }
0x2b: {  	s6 =	sld [smem:$0x3FA7]  }
0x2c: {  	s7 =	sld [smem:$0x3FA8]  }
0x2d: {  	s3 =	simm.s32 $0x108;
	s8 =	sld [smem:$0x3FA9]  }
0x2e: {  	s3 =	simm.s32 @!p0 $0x1082;
	s9 =	sld [smem:$0x3FAA]  }
0x2f: {  	lr =	sadd.s32 s0, s3;
	s0 =	sld [smem:$0x3FA1]  }
0x30: {  	s3 =	sld [smem:$0x3FA4]  }
0x31: {  	[smem:$0x3FAD] =	sst s10  }
0x32: {  	s10 =	sld [smem:$0x3FAB];
	_ =	sdelay $0x3  }
0x33: {  	p0 =	seq.s32 s10, $0x1;
	s10 =	sld [smem:$0x3FAD];
	_ =	sdelay $0x3  }
0x34: {  	[smem:$0x3FAD] =	sst s10  }
0x35: {  	s10 =	sld [smem:$0x3FAC];
	_ =	sdelay $0x3  }
0x36: {  	p1 =	seq.s32 s10, $0x1;
	s10 =	sld [smem:$0x3FAD];
	_ =	sdelay $0x3  }
0x37: {  	[smem:$0x3FAD] =	sst s10  }
0x38: {  	s10 =	sld [smem:$0x3FAE]  }
0x39: {  	_ = 	snop;
	(pc) =	sbr.ind lr, $3  }
0x3a: {  	_ = 	snop  }
0x3b: {  	_ = 	snop  }
0x3c: {  	p2 =	seq.s32 s10, $0x1;
	s10 =	sld [smem:$0x3FAD]  }
0x3d: {  	_ =	shalt  }
0x3e: {  	_ =	shalt  }
0x3f: {  	_ =	shalt  }
0x40: {  	_ =	shalt  }
0x41: {  	_ =	shalt  }
0x42: {  	_ =	shalt  }
0x43: {  	_ =	shalt  }
0x44: {  	_ =	shalt  }
0x45: {  	_ =	shalt  }
0x46: {  	_ =	shalt  }
0x47: {  	_ =	shalt  }
0x48: {  	_ =	shalt  }
0x49: {  	_ =	shalt  }
0x4a: {  	_ =	shalt  }
0x4b: {  	_ =	shalt  }
0x4c: {  	_ =	shalt  }
0x4d: {  	_ =	shalt  }
0x4e: {  	_ =	shalt  }
0x4f: {  	_ =	shalt  }
0x50: {  	_ =	shalt  }
0x51: {  	_ =	shalt  }
0x52: {  	_ =	shalt  }
0x53: {  	_ =	shalt  }
0x54: {  	_ =	shalt  }
0x55: {  	_ =	shalt  }
0x56: {  	_ =	shalt  }
0x57: {  	_ =	shalt  }
0x58: {  	_ =	shalt  }
0x59: {  	_ =	shalt  }
0x5a: {  	_ =	shalt  }
0x5b: {  	_ =	shalt  }
0x5c: {  	_ =	shalt  }
0x5d: {  	_ =	shalt  }
0x5e: {  	_ =	shalt  }
0x5f: {  	_ =	shalt  }
0x60: {  	_ =	shalt  }
0x61: {  	_ =	shalt  }
0x62: {  	_ =	shalt  }
0x63: {  	_ =	shalt  }
0x64: {  	_ =	shalt  }
0x65: {  	_ =	shalt  }
0x66: {  	_ =	shalt  }
0x67: {  	_ =	shalt  }
0x68: {  	_ =	shalt  }
0x69: {  	_ =	shalt  }
0x6a: {  	_ =	shalt  }
0x6b: {  	_ =	shalt  }
0x6c: {  	_ =	shalt  }
0x6d: {  	_ =	shalt  }
0x6e: {  	_ =	shalt  }
0x6f: {  	_ =	shalt  }
0x70: {  	_ =	shalt  }
0x71: {  	_ =	shalt  }
0x72: {  	_ =	shalt  }
0x73: {  	_ =	shalt  }
0x74: {  	_ =	shalt  }
0x75: {  	_ =	shalt  }
0x76: {  	_ =	shalt  }
0x77: {  	_ =	shalt  }
0x78: {  	_ =	shalt  }
0x79: {  	_ =	shalt  }
0x7a: {  	_ =	shalt  }
0x7b: {  	_ =	shalt  }
0x7c: {  	_ =	shalt  }
0x7d: {  	_ =	shalt  }
0x7e: {  	_ =	shalt  }
0x7f: {  	_ =	shalt  }
0x80: {  	_ =	shalt  }
0x81: {  	_ =	shalt  }
0x82: {  	_ =	shalt  }
0x83: {  	_ =	shalt  }
0x84: {  	_ =	shalt  }
0x85: {  	_ =	shalt  }
0x86: {  	_ =	shalt  }
0x87: {  	_ =	shalt  }
.Lfunc_end0:
.L_simem_size_0:
called_computation_lowered:
.L_overlay_start_0:
0x88: {  	s2 =	sld [smem:$0x3FD9]  }
0x89: {  	s3 =	sld [smem:$0x3FFE];
	_ =	sdelay $0x1  }
0x8a: {  	s1 =	srdreg.scid  }
0x8b: {  	s0 =	sand.u32 $0x1, s1  }
0x8c: {  	s14 =	sshll.u32 s0, $0xA;
	s2 =	sadd.s32 s3, s2  }
0x8d: {  	s2 =	sadd.s32 s2, s14  }
0x8e: {  	[smem:$0x3FB9] =	sst s2  }
0x8f: {  	_ = 	snop  }
0x90: {  	s2 =	sld [smem:$0x3FD0];
	_ =	sdelay $0x2  }
0x91: {  	s15 =	simm.s32 $0xA;
	s4 =	simm.s32 $0x10  }
0x92: {  	[smem:s4], [sflag:s15] =	dma.local [hbm:s2], $0x1  }
0x93: {  	_ =	swait.eq [sflag:s15], $0x1  }
0x94: {  	[sflag:s15] =	ssyncset.done $0x0  }
0x95: {  	[sflag:s15] =	ssyncadd.s32 $0xFFFFFFFF  }
0x96: {  	s16 =	sld [smem:$0x10];
	(tm) =	ssettm $0x1  }
0x97: {  	s17 =	sld [smem:$0x3FFB];
	_ =	sdelay $0x3  }
0x98: {  	_ =	strace s17  }
0x99: {  	s3 =	sld [smem:$0x3FFC];
	_ =	sdelay $0x3  }
0x9a: {  	_ =	strace s3  }
0x9b: {  	s3 =	sld [smem:$0x3FFD];
	_ =	sdelay $0x3  }
0x9c: {  	_ =	strace s3  }
0x9d: {  	_ =	strace $0x8FFFFFFF  }
0x9e: {  	s18 =	sld [smem:$0x3FDB];
	_ =	sdelay $0x1  }
0x9f: {  	s19 =	simm.s32 $_scs_section_size  }
0xa0: {  	s5 =	simm.s32 $_size__tile_overlayer_lowered;
	s6 =	simm.s32 $_tile_overlayer_lowered  }
0xa1: {  	s22 =	simm.s32 $0x1BFF;
	s21 =	sshll.u32 s6, $0x1;
	s3 =	sadd.s32 s19, s18  }
0xa2: {  	s7 =	simm.s32 $0x0;
	s20 =	sshll.u32 s5, $0x1;
	s5 =	sadd.s32 s21, s3  }
0xa3: {  	[timem:s7], [sflag:s22] =	dma.local [hbm:s5], s20  }
0xa4: {  	_ =	swait.ge [sflag:s22], s20  }
0xa5: {  	s4 =	ssub.s32 $0x0, s20;
	[sflag:s22] =	ssyncset.done $0x0  }
0xa6: {  	[sflag:s22] =	ssyncadd.s32 s4;
	_ =	sdelay $0x1  }
0xa7: {  	s23 =	simm.s32 $0x1B8B  }
0xa8: {  	_ =	swait.ge [sflag:s23], $0x1  }
0xa9: {  	[sflag:s23] =	ssyncset.done $0x0  }
0xaa: {  	s25 =	simm.s32 $0x1B8E;
	s24 =	sld [smem:$0x3FFE];
	[sflag:s23] =	ssyncadd.s32 $0xFFFFFFFF  }
0xab: {  	s26 =	simm.s32 $execute0_lowered;
	[smem:$0x3FD2] =	sst s25  }
0xac: {  	s5 =	sshll.u32 s26, $0x1;
	_ =	strace $0x80000046;
	[dreg:$0x1] =	wrdreg $0xFFFFFFFF  }
0xad: {  	s28 =	simm.s32 $_size_execute0_lowered;
	s3 =	sadd.s32 s3, s5;
	[dreg:$0x0] =	wrdreg $0x0  }
0xae: {  	s5 =	sshll.u32 s28, $0x1;
	[dreg:$0x2] =	wrdreg s3  }
0xaf: {  	[dreg:$0x3] =	wrdreg s5  }
0xb0: {  	[dreg:$0x4] =	wrdreg $0xC0  }
0xb1: {  	_ =	task [dreg:s7], $0x5FFFF  }
0xb2: {  	[dreg:$0x1] =	wrdreg $0xFFFFFFFF  }
0xb3: {  	[dreg:$0x0] =	wrdreg $0x60  }
0xb4: {  	[dreg:$0x2] =	wrdreg s16  }
0xb5: {  	[dreg:$0x3] =	wrdreg s24  }
0xb6: {  	[dreg:$0x4] =	wrdreg $0x9  }
0xb7: {  	_ =	task.clear_ibuf [dreg:s7], $0x5FFFF;
	_ =	strace $0x90000046  }
0xb8: {  	s29 =	simm.s32 $0x9;
	_ =	strace $0x80000048  }
0xb9: {  	_ =	swait.ge [sflag:s29], $0x1  }
0xba: {  	[sflag:s29] =	ssyncadd.s32 $0xFFFFFFFF  }
0xbb: {  	_ =	strace $0x90000048  }
0xbc: {  	_ =	sfence  }
0xbd: {  	s30 =	sld [smem:$0x0];
	_ =	sdelay $0x2  }
0xbe: {  	s31 =	sshll.u32 s1, $0xD;
	s1 =	sshrl.u32 s1, $0x2  }
0xbf: {  	s3 =	sand.u32 $0x4000, s31;
	s1 =	sadd.s32 s1, s30  }
0xc0: {  	s0 =	sor.u32 s3, s0;
	s1 =	sshll.u32 s1, $0x11  }
0xc1: {  	s0 =	sor.u32 s1, s0  }
0xc2: {  	s0 =	sadd.s32 $0x8F2B, s0  }
0xc3: {  	[sflag:s0] =	ssyncadd.remote.s32 $0x1  }
0xc4: {  	_ =	sfence.sel $0xFFFF  }
0xc5: {  	[dreg:$0x0] =	wrdreg $0xFFFFFFFF;
	(pc) =	sbr.abs _section_cstart, $3  }
0xc6: {  	[dreg:$0x1] =	wrdreg $0xFFFFFFFF  }
0xc7: {  	_ =	task.clear_ibuf [dreg:s7], $0x2FFFF;
	_ =	strace $0x9FFFFFFF  }
0xc8: {  	(tm) =	ssettm $0x7FFFFFFF  }
0xc9: {  	_ =	shalt  }
tec
execute0_lowered:
.L_overlay_start_1:
0x0: {  	(tag) =	ssettag $0x1  }
0x1: {  	s0 =	srdreg.scid;
	s2 =	rddreg [dreg:$0x0]  }
0x2: {  	s1 =	stileid.u32;
	s4 =	rddreg [dreg:$0x1];
	s3 =	simm.s32 $0x0  }
0x3: {  	s8 =	simm.s32 $0x3;
	s28 =	simm.s32 $0x1;
	s21 =	simm.s32 $0x2  }
0x4: {  	s29 =	simm.s32 $0x100;
	s9 =	simm.s32 $0x8100;
	s31 =	simm.s32 $0x8900  }
0x5: {  	s10 =	simm.s32 $0xA900;
	s11 =	simm.s32 $0xB100;
	s12 =	simm.s32 $0xB900  }
0x6: {  	s13 =	simm.s32 $0xC100;
	s14 =	simm.s32 $0xC900;
	s15 =	simm.s32 $0xD100  }
0x7: {  	s16 =	simm.s32 $0xD900;
	s0 =	sand.u32 $0x1, s0;
	s1 =	sshll.u32 s1, $0x1  }
0x8: {  	s17 =	simm.s32 $0xE100;
	s18 =	simm.s32 $0xE900;
	s1 =	sor.u32 s0, s1  }
0x9: {  	s19 =	simm.s32 $0xF100;
	s20 =	simm.s32 $0xF900;
	s5 =	smul.u32 $0x14, s1  }
0xa: {  	[smem:$0x7FF] =	sst s3;
	s0 =	ssub.s32 $0x2, s0;
	s6 =	smul.u32 $0x28000, s1  }
0xb: {  	_ =	strace $0x80000047;
	s1 =	smul.u32 $0x5000, s1;
	s24 =	sshrl.u32 s0, $0x1  }
0xc: {  	s0 =	ssub.s32 s0, s24;
	s24 =	simm.s32 $0x7100;
	s5 =	sadd.s32 s5, s4  }
0xd: {  	s4 =	sadd.s32 $0xA00, s4;
	s6 =	sshrl.u32 s6, $0x3;
	s5 =	sadd.s32 $0x600, s5  }
0xe: {  	s1 =	sadd.s32 s4, s1;
	s22 =	sadd.s32 s4, s6;
	[dreg:$0x3] =	wrdreg s5  }
0xf: {  	s7 =	smax.u32 s0, $0x1;
	[dreg:$0x4] =	wrdreg s1;
	s23 =	sadd.s32 $0x1000, s22  }
0x10: {  	s4 =	sadd.s32 $0x100, s2;
	s25 =	sadd.s32 $0x2000, s22;
	[dreg:$0x5] =	wrdreg s23  }
0x11: {  	s6 =	sadd.s32 $0x300, s2;
	s26 =	sadd.s32 $0x3000, s22;
	[dreg:$0x6] =	wrdreg s25  }
0x12: {  	v2 =	vlaneseq.u32;
	s30 =	sadd.s32 $0x4000, s22;
	s5 =	sadd.s32 $0x200, s2;
	[dreg:$0x7] =	wrdreg s26  }
0x13: {  	vm0 =	vmmov $0xffff;
	v1 =	vshrl.u32 v2, $0x3;
	s22 =	simm.s32 $0x6100;
	s1 =	simm.s32 $0x9100;
	[dreg:$0x8] =	wrdreg s30  }
0x14: {  	v0 =	vand.u32 $0x7, v2;
	v2 =	vor.u32 $0x8, v2;
	v1 =	vmul.u32 $0x8, v1;
	s23 =	simm.s32 $0x6900;
	s25 =	simm.s32 $0x7900;
	s26 =	simm.s32 $0xA100  }
.LBB2_1:
0x15: {  	s30 =	rddreg [dreg:$0x3]  }
0x16: {  	[tilespmem:s3], [sflag:$0x3] =	stream.linear.gather [hbm4b:s30+s3], $0xA0, $0x38;
	[tilespmem:$0x10100] =	vst v63  }
0x17: {  	_ =	swait.ge [sflag:s8], $0xA0  }
0x18: {  	[sflag:s8] =	ssyncset.done $0x0  }
0x19: {  	[sflag:s8] =	ssyncadd.s32 $0xFFFFFF60  }
0x1a: {  	v3 =	vld [tilespmem:$0x0];
	_ =	sdelay $0x4  }
0x1b: {  	v4 =	vshll.u32 v3, $0x3  }
0x1c: {  	v3 =	vand.u32 $0x7, v3;
	v4 =	vand.u32 $0xFFFFFFC0, v4  }
0x1d: {  	v3 =	vor.u32 v3, v4  }
0x1e: {  	v4 =	vperm.xlane v3, v0;
	_ =	sdelay $0x1  }
0x1f: {  	v4 =	vadd.s32 v1, v4;
	_ =	sdelay $0x4  }
0x20: {  	[tilespmem:s29], [sflag:$0x1] =	stream.indirect_vreg.gather [hbm4b:s2+s3], $0x80, v4, vm0, $0xb8;
	[tilespmem:$0x10100] =	vst v63  }
0x21: {  	s0 =	simm.s32 $0x900;
	v3 =	vperm.xlane v3, v2  }
0x22: {  	[tilespmem:s0], [sflag:$0x1] =	stream.indirect_vreg.gather [hbm4b:s4+s3], $0x80, v4, vm0, $0xb8;
	[tilespmem:$0x10100] =	vst v63  }
0x23: {  	s30 =	simm.s32 $0x1100;
	v3 =	vadd.s32 v1, v3  }
0x24: {  	[tilespmem:s30], [sflag:$0x1] =	stream.indirect_vreg.gather [hbm4b:s5+s3], $0x80, v4, vm0, $0xb8;
	[tilespmem:$0x10100] =	vst v63  }
0x25: {  	s30 =	simm.s32 $0x1900  }
0x26: {  	[tilespmem:s30], [sflag:$0x1] =	stream.indirect_vreg.gather [hbm4b:s6+s3], $0x80, v4, vm0, $0xb8;
	[tilespmem:$0x10100] =	vst v63  }
0x27: {  	s30 =	simm.s32 $0x2100  }
0x28: {  	[tilespmem:s30], [sflag:$0x1] =	stream.indirect_vreg.gather [hbm4b:s2+s3], $0x80, v3, vm0, $0xb8;
	[tilespmem:$0x10100] =	vst v63  }
0x29: {  	s30 =	simm.s32 $0x2900  }
0x2a: {  	[tilespmem:s30], [sflag:$0x1] =	stream.indirect_vreg.gather [hbm4b:s4+s3], $0x80, v3, vm0, $0xb8;
	[tilespmem:$0x10100] =	vst v63  }
0x2b: {  	s30 =	simm.s32 $0x3100  }
0x2c: {  	[tilespmem:s30], [sflag:$0x1] =	stream.indirect_vreg.gather [hbm4b:s5+s3], $0x80, v3, vm0, $0xb8;
	[tilespmem:$0x10100] =	vst v63  }
0x2d: {  	s30 =	simm.s32 $0x3900  }
0x2e: {  	[tilespmem:s30], [sflag:$0x1] =	stream.indirect_vreg.gather [hbm4b:s6+s3], $0x80, v3, vm0, $0xb8;
	[tilespmem:$0x10100] =	vst v63  }
0x2f: {  	v3 =	vld [tilespmem:$0x10];
	_ =	sdelay $0x4  }
0x30: {  	v55 =	vshll.u32 v3, $0x3  }
0x31: {  	v3 =	vand.u32 $0x7, v3;
	v4 =	vand.u32 $0xFFFFFFC0, v55  }
0x32: {  	v3 =	vor.u32 v3, v4  }
0x33: {  	v4 =	vperm.xlane v3, v0;
	_ =	sdelay $0x1  }
0x34: {  	v4 =	vadd.s32 v1, v4;
	_ =	sdelay $0x3  }
0x35: {  	s30 =	simm.s32 $0x4100  }
0x36: {  	[tilespmem:s30], [sflag:$0x1] =	stream.indirect_vreg.gather [hbm4b:s2+s3], $0x80, v4, vm0, $0xb8;
	[tilespmem:$0x10100] =	vst v63  }
0x37: {  	v3 =	vperm.xlane v3, v2;
	s30 =	simm.s32 $0x4900  }
0x38: {  	[tilespmem:s30], [sflag:$0x1] =	stream.indirect_vreg.gather [hbm4b:s4+s3], $0x80, v4, vm0, $0xb8;
	[tilespmem:$0x10100] =	vst v63  }
0x39: {  	v3 =	vadd.s32 v1, v3;
	s30 =	simm.s32 $0x5100  }
0x3a: {  	[tilespmem:s30], [sflag:$0x1] =	stream.indirect_vreg.gather [hbm4b:s5+s3], $0x80, v4, vm0, $0xb8;
	[tilespmem:$0x10100] =	vst v63  }
0x3b: {  	s30 =	simm.s32 $0x5900  }
0x3c: {  	[tilespmem:s30], [sflag:$0x1] =	stream.indirect_vreg.gather [hbm4b:s6+s3], $0x80, v4, vm0, $0xb8;
	[tilespmem:$0x10100] =	vst v63  }
0x3d: {  	_ = 	snop  }
0x3e: {  	[tilespmem:s22], [sflag:$0x1] =	stream.indirect_vreg.gather [hbm4b:s2+s3], $0x80, v3, vm0, $0xb8;
	[tilespmem:$0x10100] =	vst v63  }
0x3f: {  	_ = 	snop  }
0x40: {  	[tilespmem:s23], [sflag:$0x1] =	stream.indirect_vreg.gather [hbm4b:s4+s3], $0x80, v3, vm0, $0xb8;
	[tilespmem:$0x10100] =	vst v63  }
0x41: {  	_ = 	snop  }
0x42: {  	[tilespmem:s24], [sflag:$0x1] =	stream.indirect_vreg.gather [hbm4b:s5+s3], $0x80, v3, vm0, $0xb8;
	[tilespmem:$0x10100] =	vst v63  }
0x43: {  	_ = 	snop  }
0x44: {  	[tilespmem:s25], [sflag:$0x1] =	stream.indirect_vreg.gather [hbm4b:s6+s3], $0x80, v3, vm0, $0xb8;
	[tilespmem:$0x10100] =	vst v63  }
0x45: {  	v3 =	vld [tilespmem:$0x20];
	_ =	sdelay $0x4  }
0x46: {  	v56 =	vshll.u32 v3, $0x3  }
0x47: {  	v3 =	vand.u32 $0x7, v3;
	v4 =	vand.u32 $0xFFFFFFC0, v56  }
0x48: {  	v3 =	vor.u32 v3, v4  }
0x49: {  	v4 =	vperm.xlane v3, v0;
	_ =	sdelay $0x1  }
0x4a: {  	v4 =	vadd.s32 v1, v4;
	_ =	sdelay $0x4  }
0x4b: {  	[tilespmem:s9], [sflag:$0x2] =	stream.indirect_vreg.gather [hbm4b:s2+s3], $0x80, v4, vm0, $0xb8;
	[tilespmem:$0x10100] =	vst v63  }
0x4c: {  	v3 =	vperm.xlane v3, v2  }
0x4d: {  	[tilespmem:s31], [sflag:$0x2] =	stream.indirect_vreg.gather [hbm4b:s4+s3], $0x80, v4, vm0, $0xb8;
	[tilespmem:$0x10100] =	vst v63  }
0x4e: {  	v3 =	vadd.s32 v1, v3  }
0x4f: {  	[tilespmem:s1], [sflag:$0x2] =	stream.indirect_vreg.gather [hbm4b:s5+s3], $0x80, v4, vm0, $0xb8;
	[tilespmem:$0x10100] =	vst v63  }
0x50: {  	s0 =	simm.s32 $0x9900  }
0x51: {  	[tilespmem:s0], [sflag:$0x2] =	stream.indirect_vreg.gather [hbm4b:s6+s3], $0x80, v4, vm0, $0xb8;
	[tilespmem:$0x10100] =	vst v63  }
0x52: {  	_ = 	snop  }
0x53: {  	[tilespmem:s26], [sflag:$0x2] =	stream.indirect_vreg.gather [hbm4b:s2+s3], $0x80, v3, vm0, $0xb8;
	[tilespmem:$0x10100] =	vst v63  }
0x54: {  	_ = 	snop  }
0x55: {  	[tilespmem:s10], [sflag:$0x2] =	stream.indirect_vreg.gather [hbm4b:s4+s3], $0x80, v3, vm0, $0xb8;
	[tilespmem:$0x10100] =	vst v63  }
0x56: {  	_ = 	snop  }
0x57: {  	[tilespmem:s11], [sflag:$0x2] =	stream.indirect_vreg.gather [hbm4b:s5+s3], $0x80, v3, vm0, $0xb8;
	[tilespmem:$0x10100] =	vst v63  }
0x58: {  	_ = 	snop  }
0x59: {  	[tilespmem:s12], [sflag:$0x2] =	stream.indirect_vreg.gather [hbm4b:s6+s3], $0x80, v3, vm0, $0xb8;
	[tilespmem:$0x10100] =	vst v63  }
0x5a: {  	v3 =	vld [tilespmem:$0x30];
	_ =	sdelay $0x4  }
0x5b: {  	v57 =	vshll.u32 v3, $0x3  }
0x5c: {  	v3 =	vand.u32 $0x7, v3;
	v4 =	vand.u32 $0xFFFFFFC0, v57  }
0x5d: {  	v3 =	vor.u32 v3, v4  }
0x5e: {  	v4 =	vperm.xlane v3, v0;
	_ =	sdelay $0x1  }
0x5f: {  	v4 =	vadd.s32 v1, v4;
	_ =	sdelay $0x4  }
0x60: {  	[tilespmem:s13], [sflag:$0x2] =	stream.indirect_vreg.gather [hbm4b:s2+s3], $0x80, v4, vm0, $0xb8;
	[tilespmem:$0x10100] =	vst v63  }
0x61: {  	v3 =	vperm.xlane v3, v2  }
0x62: {  	[tilespmem:s14], [sflag:$0x2] =	stream.indirect_vreg.gather [hbm4b:s4+s3], $0x80, v4, vm0, $0xb8;
	[tilespmem:$0x10100] =	vst v63  }
0x63: {  	v3 =	vadd.s32 v1, v3  }
0x64: {  	[tilespmem:s15], [sflag:$0x2] =	stream.indirect_vreg.gather [hbm4b:s5+s3], $0x80, v4, vm0, $0xb8;
	[tilespmem:$0x10100] =	vst v63  }
0x65: {  	_ = 	snop  }
0x66: {  	[tilespmem:s16], [sflag:$0x2] =	stream.indirect_vreg.gather [hbm4b:s6+s3], $0x80, v4, vm0, $0xb8;
	[tilespmem:$0x10100] =	vst v63  }
0x67: {  	_ = 	snop  }
0x68: {  	[tilespmem:s17], [sflag:$0x2] =	stream.indirect_vreg.gather [hbm4b:s2+s3], $0x80, v3, vm0, $0xb8;
	[tilespmem:$0x10100] =	vst v63  }
0x69: {  	_ = 	snop  }
0x6a: {  	[tilespmem:s18], [sflag:$0x2] =	stream.indirect_vreg.gather [hbm4b:s4+s3], $0x80, v3, vm0, $0xb8;
	[tilespmem:$0x10100] =	vst v63  }
0x6b: {  	_ = 	snop  }
0x6c: {  	[tilespmem:s19], [sflag:$0x2] =	stream.indirect_vreg.gather [hbm4b:s5+s3], $0x80, v3, vm0, $0xb8;
	[tilespmem:$0x10100] =	vst v63  }
0x6d: {  	_ = 	snop  }
0x6e: {  	[tilespmem:s20], [sflag:$0x2] =	stream.indirect_vreg.gather [hbm4b:s6+s3], $0x80, v3, vm0, $0xb8;
	[tilespmem:$0x10100] =	vst v63  }
0x6f: {  	_ =	swait.ge [sflag:s28], $0x8000  }
0x70: {  	[sflag:s28] =	ssyncset.done $0x0  }
0x71: {  	s30 =	rddreg [dreg:$0x4];
	[sflag:s28] =	ssyncadd.s32 $0xFFFF8000  }
0x72: {  	[hbm4b:s30+s3] =	stream.linear.scatter [tilespmem:s29], [sflag:$0x3], $0x8000, $0x38;
	[tilespmem:$0x10100] =	vst v63  }
0x73: {  	_ =	swait.ge [sflag:s8], $0x8000  }
0x74: {  	[sflag:s8] =	ssyncset.done $0x0  }
0x75: {  	[sflag:s8] =	ssyncadd.s32 $0xFFFF8000  }
0x76: {  	v3 =	vld [tilespmem:$0x40];
	_ =	sdelay $0x4  }
0x77: {  	v58 =	vshll.u32 v3, $0x3  }
0x78: {  	v3 =	vand.u32 $0x7, v3;
	v4 =	vand.u32 $0xFFFFFFC0, v58  }
0x79: {  	v3 =	vor.u32 v3, v4  }
0x7a: {  	v4 =	vperm.xlane v3, v0;
	_ =	sdelay $0x1  }
0x7b: {  	v4 =	vadd.s32 v1, v4;
	_ =	sdelay $0x4  }
0x7c: {  	[tilespmem:s29], [sflag:$0x1] =	stream.indirect_vreg.gather [hbm4b:s2+s3], $0x80, v4, vm0, $0xb8;
	[tilespmem:$0x10100] =	vst v63  }
0x7d: {  	s30 =	simm.s32 $0x900;
	v3 =	vperm.xlane v3, v2  }
0x7e: {  	[tilespmem:s30], [sflag:$0x1] =	stream.indirect_vreg.gather [hbm4b:s4+s3], $0x80, v4, vm0, $0xb8;
	[tilespmem:$0x10100] =	vst v63  }
0x7f: {  	v3 =	vadd.s32 v1, v3;
	s30 =	simm.s32 $0x1100  }
0x80: {  	[tilespmem:s30], [sflag:$0x1] =	stream.indirect_vreg.gather [hbm4b:s5+s3], $0x80, v4, vm0, $0xb8;
	[tilespmem:$0x10100] =	vst v63  }
0x81: {  	s30 =	simm.s32 $0x1900  }
0x82: {  	[tilespmem:s30], [sflag:$0x1] =	stream.indirect_vreg.gather [hbm4b:s6+s3], $0x80, v4, vm0, $0xb8;
	[tilespmem:$0x10100] =	vst v63  }
0x83: {  	s30 =	simm.s32 $0x2100  }
0x84: {  	[tilespmem:s30], [sflag:$0x1] =	stream.indirect_vreg.gather [hbm4b:s2+s3], $0x80, v3, vm0, $0xb8;
	[tilespmem:$0x10100] =	vst v63  }
0x85: {  	s30 =	simm.s32 $0x2900  }
0x86: {  	[tilespmem:s30], [sflag:$0x1] =	stream.indirect_vreg.gather [hbm4b:s4+s3], $0x80, v3, vm0, $0xb8;
	[tilespmem:$0x10100] =	vst v63  }
0x87: {  	s30 =	simm.s32 $0x3100  }
0x88: {  	[tilespmem:s30], [sflag:$0x1] =	stream.indirect_vreg.gather [hbm4b:s5+s3], $0x80, v3, vm0, $0xb8;
	[tilespmem:$0x10100] =	vst v63  }
0x89: {  	s30 =	simm.s32 $0x3900  }
0x8a: {  	[tilespmem:s30], [sflag:$0x1] =	stream.indirect_vreg.gather [hbm4b:s6+s3], $0x80, v3, vm0, $0xb8;
	[tilespmem:$0x10100] =	vst v63  }
0x8b: {  	v3 =	vld [tilespmem:$0x50];
	_ =	sdelay $0x4  }
0x8c: {  	v59 =	vshll.u32 v3, $0x3  }
0x8d: {  	v3 =	vand.u32 $0x7, v3;
	v4 =	vand.u32 $0xFFFFFFC0, v59  }
0x8e: {  	v3 =	vor.u32 v3, v4  }
0x8f: {  	v4 =	vperm.xlane v3, v0;
	_ =	sdelay $0x1  }
0x90: {  	v4 =	vadd.s32 v1, v4;
	_ =	sdelay $0x3  }
0x91: {  	s30 =	simm.s32 $0x4100  }
0x92: {  	[tilespmem:s30], [sflag:$0x1] =	stream.indirect_vreg.gather [hbm4b:s2+s3], $0x80, v4, vm0, $0xb8;
	[tilespmem:$0x10100] =	vst v63  }
0x93: {  	v3 =	vperm.xlane v3, v2;
	s30 =	simm.s32 $0x4900  }
0x94: {  	[tilespmem:s30], [sflag:$0x1] =	stream.indirect_vreg.gather [hbm4b:s4+s3], $0x80, v4, vm0, $0xb8;
	[tilespmem:$0x10100] =	vst v63  }
0x95: {  	v3 =	vadd.s32 v1, v3;
	s30 =	simm.s32 $0x5100  }
0x96: {  	[tilespmem:s30], [sflag:$0x1] =	stream.indirect_vreg.gather [hbm4b:s5+s3], $0x80, v4, vm0, $0xb8;
	[tilespmem:$0x10100] =	vst v63  }
0x97: {  	s30 =	simm.s32 $0x5900  }
0x98: {  	[tilespmem:s30], [sflag:$0x1] =	stream.indirect_vreg.gather [hbm4b:s6+s3], $0x80, v4, vm0, $0xb8;
	[tilespmem:$0x10100] =	vst v63  }
0x99: {  	_ = 	snop  }
0x9a: {  	[tilespmem:s22], [sflag:$0x1] =	stream.indirect_vreg.gather [hbm4b:s2+s3], $0x80, v3, vm0, $0xb8;
	[tilespmem:$0x10100] =	vst v63  }
0x9b: {  	_ = 	snop  }
0x9c: {  	[tilespmem:s23], [sflag:$0x1] =	stream.indirect_vreg.gather [hbm4b:s4+s3], $0x80, v3, vm0, $0xb8;
	[tilespmem:$0x10100] =	vst v63  }
0x9d: {  	_ = 	snop  }
0x9e: {  	[tilespmem:s24], [sflag:$0x1] =	stream.indirect_vreg.gather [hbm4b:s5+s3], $0x80, v3, vm0, $0xb8;
	[tilespmem:$0x10100] =	vst v63  }
0x9f: {  	_ = 	snop  }
0xa0: {  	[tilespmem:s25], [sflag:$0x1] =	stream.indirect_vreg.gather [hbm4b:s6+s3], $0x80, v3, vm0, $0xb8;
	[tilespmem:$0x10100] =	vst v63  }
0xa1: {  	_ =	swait.ge [sflag:s21], $0x8000  }
0xa2: {  	[sflag:s21] =	ssyncset.done $0x0  }
0xa3: {  	s30 =	rddreg [dreg:$0x5];
	[sflag:s21] =	ssyncadd.s32 $0xFFFF8000  }
0xa4: {  	[hbm4b:s30+s3] =	stream.linear.scatter [tilespmem:s9], [sflag:$0x3], $0x8000, $0x38;
	[tilespmem:$0x10100] =	vst v63  }
0xa5: {  	_ =	swait.ge [sflag:s8], $0x8000  }
0xa6: {  	[sflag:s8] =	ssyncset.done $0x0  }
0xa7: {  	[sflag:s8] =	ssyncadd.s32 $0xFFFF8000  }
0xa8: {  	v3 =	vld [tilespmem:$0x60];
	_ =	sdelay $0x4  }
0xa9: {  	v60 =	vshll.u32 v3, $0x3  }
0xaa: {  	v3 =	vand.u32 $0x7, v3;
	v4 =	vand.u32 $0xFFFFFFC0, v60  }
0xab: {  	v3 =	vor.u32 v3, v4  }
0xac: {  	v4 =	vperm.xlane v3, v0;
	_ =	sdelay $0x1  }
0xad: {  	v4 =	vadd.s32 v1, v4;
	_ =	sdelay $0x4  }
0xae: {  	[tilespmem:s9], [sflag:$0x2] =	stream.indirect_vreg.gather [hbm4b:s2+s3], $0x80, v4, vm0, $0xb8;
	[tilespmem:$0x10100] =	vst v63  }
0xaf: {  	v3 =	vperm.xlane v3, v2  }
0xb0: {  	[tilespmem:s31], [sflag:$0x2] =	stream.indirect_vreg.gather [hbm4b:s4+s3], $0x80, v4, vm0, $0xb8;
	[tilespmem:$0x10100] =	vst v63  }
0xb1: {  	v3 =	vadd.s32 v1, v3  }
0xb2: {  	[tilespmem:s1], [sflag:$0x2] =	stream.indirect_vreg.gather [hbm4b:s5+s3], $0x80, v4, vm0, $0xb8;
	[tilespmem:$0x10100] =	vst v63  }
0xb3: {  	_ = 	snop  }
0xb4: {  	[tilespmem:s0], [sflag:$0x2] =	stream.indirect_vreg.gather [hbm4b:s6+s3], $0x80, v4, vm0, $0xb8;
	[tilespmem:$0x10100] =	vst v63  }
0xb5: {  	_ = 	snop  }
0xb6: {  	[tilespmem:s26], [sflag:$0x2] =	stream.indirect_vreg.gather [hbm4b:s2+s3], $0x80, v3, vm0, $0xb8;
	[tilespmem:$0x10100] =	vst v63  }
0xb7: {  	_ = 	snop  }
0xb8: {  	[tilespmem:s10], [sflag:$0x2] =	stream.indirect_vreg.gather [hbm4b:s4+s3], $0x80, v3, vm0, $0xb8;
	[tilespmem:$0x10100] =	vst v63  }
0xb9: {  	_ = 	snop  }
0xba: {  	[tilespmem:s11], [sflag:$0x2] =	stream.indirect_vreg.gather [hbm4b:s5+s3], $0x80, v3, vm0, $0xb8;
	[tilespmem:$0x10100] =	vst v63  }
0xbb: {  	_ = 	snop  }
0xbc: {  	[tilespmem:s12], [sflag:$0x2] =	stream.indirect_vreg.gather [hbm4b:s6+s3], $0x80, v3, vm0, $0xb8;
	[tilespmem:$0x10100] =	vst v63  }
0xbd: {  	v3 =	vld [tilespmem:$0x70];
	_ =	sdelay $0x4  }
0xbe: {  	v61 =	vshll.u32 v3, $0x3  }
0xbf: {  	v3 =	vand.u32 $0x7, v3;
	v4 =	vand.u32 $0xFFFFFFC0, v61  }
0xc0: {  	v3 =	vor.u32 v3, v4  }
0xc1: {  	v4 =	vperm.xlane v3, v0;
	_ =	sdelay $0x1  }
0xc2: {  	v4 =	vadd.s32 v1, v4;
	_ =	sdelay $0x4  }
0xc3: {  	[tilespmem:s13], [sflag:$0x2] =	stream.indirect_vreg.gather [hbm4b:s2+s3], $0x80, v4, vm0, $0xb8;
	[tilespmem:$0x10100] =	vst v63  }
0xc4: {  	v3 =	vperm.xlane v3, v2  }
0xc5: {  	[tilespmem:s14], [sflag:$0x2] =	stream.indirect_vreg.gather [hbm4b:s4+s3], $0x80, v4, vm0, $0xb8;
	[tilespmem:$0x10100] =	vst v63  }
0xc6: {  	v3 =	vadd.s32 v1, v3  }
0xc7: {  	[tilespmem:s15], [sflag:$0x2] =	stream.indirect_vreg.gather [hbm4b:s5+s3], $0x80, v4, vm0, $0xb8;
	[tilespmem:$0x10100] =	vst v63  }
0xc8: {  	_ = 	snop  }
0xc9: {  	[tilespmem:s16], [sflag:$0x2] =	stream.indirect_vreg.gather [hbm4b:s6+s3], $0x80, v4, vm0, $0xb8;
	[tilespmem:$0x10100] =	vst v63  }
0xca: {  	_ = 	snop  }
0xcb: {  	[tilespmem:s17], [sflag:$0x2] =	stream.indirect_vreg.gather [hbm4b:s2+s3], $0x80, v3, vm0, $0xb8;
	[tilespmem:$0x10100] =	vst v63  }
0xcc: {  	_ = 	snop  }
0xcd: {  	[tilespmem:s18], [sflag:$0x2] =	stream.indirect_vreg.gather [hbm4b:s4+s3], $0x80, v3, vm0, $0xb8;
	[tilespmem:$0x10100] =	vst v63  }
0xce: {  	_ = 	snop  }
0xcf: {  	[tilespmem:s19], [sflag:$0x2] =	stream.indirect_vreg.gather [hbm4b:s5+s3], $0x80, v3, vm0, $0xb8;
	[tilespmem:$0x10100] =	vst v63  }
0xd0: {  	_ = 	snop  }
0xd1: {  	[tilespmem:s20], [sflag:$0x2] =	stream.indirect_vreg.gather [hbm4b:s6+s3], $0x80, v3, vm0, $0xb8;
	[tilespmem:$0x10100] =	vst v63  }
0xd2: {  	_ =	swait.ge [sflag:s28], $0x8000  }
0xd3: {  	[sflag:s28] =	ssyncset.done $0x0  }
0xd4: {  	s0 =	rddreg [dreg:$0x6];
	[sflag:s28] =	ssyncadd.s32 $0xFFFF8000  }
0xd5: {  	[hbm4b:s0+s3] =	stream.linear.scatter [tilespmem:s29], [sflag:$0x3], $0x8000, $0x38;
	[tilespmem:$0x10100] =	vst v63  }
0xd6: {  	_ =	swait.ge [sflag:s8], $0x8000  }
0xd7: {  	[sflag:s8] =	ssyncset.done $0x0  }
0xd8: {  	[sflag:s8] =	ssyncadd.s32 $0xFFFF8000  }
0xd9: {  	v3 =	vld [tilespmem:$0x80];
	_ =	sdelay $0x4  }
0xda: {  	v62 =	vshll.u32 v3, $0x3  }
0xdb: {  	v3 =	vand.u32 $0x7, v3;
	v4 =	vand.u32 $0xFFFFFFC0, v62  }
0xdc: {  	v3 =	vor.u32 v3, v4  }
0xdd: {  	v4 =	vperm.xlane v3, v0;
	_ =	sdelay $0x1  }
0xde: {  	v4 =	vadd.s32 v1, v4;
	_ =	sdelay $0x4  }
0xdf: {  	[tilespmem:s29], [sflag:$0x1] =	stream.indirect_vreg.gather [hbm4b:s2+s3], $0x80, v4, vm0, $0xb8;
	[tilespmem:$0x10100] =	vst v63  }
0xe0: {  	s30 =	simm.s32 $0x900;
	v3 =	vperm.xlane v3, v2  }
0xe1: {  	[tilespmem:s30], [sflag:$0x1] =	stream.indirect_vreg.gather [hbm4b:s4+s3], $0x80, v4, vm0, $0xb8;
	[tilespmem:$0x10100] =	vst v63  }
0xe2: {  	v3 =	vadd.s32 v1, v3;
	s30 =	simm.s32 $0x1100  }
0xe3: {  	[tilespmem:s30], [sflag:$0x1] =	stream.indirect_vreg.gather [hbm4b:s5+s3], $0x80, v4, vm0, $0xb8;
	[tilespmem:$0x10100] =	vst v63  }
0xe4: {  	s30 =	simm.s32 $0x1900  }
0xe5: {  	[tilespmem:s30], [sflag:$0x1] =	stream.indirect_vreg.gather [hbm4b:s6+s3], $0x80, v4, vm0, $0xb8;
	[tilespmem:$0x10100] =	vst v63  }
0xe6: {  	s30 =	simm.s32 $0x2100  }
0xe7: {  	[tilespmem:s30], [sflag:$0x1] =	stream.indirect_vreg.gather [hbm4b:s2+s3], $0x80, v3, vm0, $0xb8;
	[tilespmem:$0x10100] =	vst v63  }
0xe8: {  	s30 =	simm.s32 $0x2900  }
0xe9: {  	[tilespmem:s30], [sflag:$0x1] =	stream.indirect_vreg.gather [hbm4b:s4+s3], $0x80, v3, vm0, $0xb8;
	[tilespmem:$0x10100] =	vst v63  }
0xea: {  	s30 =	simm.s32 $0x3100  }
0xeb: {  	[tilespmem:s30], [sflag:$0x1] =	stream.indirect_vreg.gather [hbm4b:s5+s3], $0x80, v3, vm0, $0xb8;
	[tilespmem:$0x10100] =	vst v63  }
0xec: {  	s30 =	simm.s32 $0x3900  }
0xed: {  	[tilespmem:s30], [sflag:$0x1] =	stream.indirect_vreg.gather [hbm4b:s6+s3], $0x80, v3, vm0, $0xb8;
	[tilespmem:$0x10100] =	vst v63  }
0xee: {  	v3 =	vld [tilespmem:$0x90];
	_ =	sdelay $0x4  }
0xef: {  	v63 =	vshll.u32 v3, $0x3  }
0xf0: {  	v3 =	vand.u32 $0x7, v3;
	v4 =	vand.u32 $0xFFFFFFC0, v63  }
0xf1: {  	v3 =	vor.u32 v3, v4  }
0xf2: {  	v4 =	vperm.xlane v3, v0;
	_ =	sdelay $0x1  }
0xf3: {  	v4 =	vadd.s32 v1, v4;
	_ =	sdelay $0x3  }
0xf4: {  	s30 =	simm.s32 $0x4100  }
0xf5: {  	[tilespmem:s30], [sflag:$0x1] =	stream.indirect_vreg.gather [hbm4b:s2+s3], $0x80, v4, vm0, $0xb8;
	[tilespmem:$0x10100] =	vst v63  }
0xf6: {  	v3 =	vperm.xlane v3, v2;
	s30 =	simm.s32 $0x4900  }
0xf7: {  	[tilespmem:s30], [sflag:$0x1] =	stream.indirect_vreg.gather [hbm4b:s4+s3], $0x80, v4, vm0, $0xb8;
	[tilespmem:$0x10100] =	vst v63  }
0xf8: {  	v3 =	vadd.s32 v1, v3;
	s30 =	simm.s32 $0x5100  }
0xf9: {  	[tilespmem:s30], [sflag:$0x1] =	stream.indirect_vreg.gather [hbm4b:s5+s3], $0x80, v4, vm0, $0xb8;
	[tilespmem:$0x10100] =	vst v63  }
0xfa: {  	s30 =	simm.s32 $0x5900  }
0xfb: {  	[tilespmem:s30], [sflag:$0x1] =	stream.indirect_vreg.gather [hbm4b:s6+s3], $0x80, v4, vm0, $0xb8;
	[tilespmem:$0x10100] =	vst v63  }
0xfc: {  	_ = 	snop  }
0xfd: {  	[tilespmem:s22], [sflag:$0x1] =	stream.indirect_vreg.gather [hbm4b:s2+s3], $0x80, v3, vm0, $0xb8;
	[tilespmem:$0x10100] =	vst v63  }
0xfe: {  	_ = 	snop  }
0xff: {  	[tilespmem:s23], [sflag:$0x1] =	stream.indirect_vreg.gather [hbm4b:s4+s3], $0x80, v3, vm0, $0xb8;
	[tilespmem:$0x10100] =	vst v63  }
0x100: {  	_ = 	snop  }
0x101: {  	[tilespmem:s24], [sflag:$0x1] =	stream.indirect_vreg.gather [hbm4b:s5+s3], $0x80, v3, vm0, $0xb8;
	[tilespmem:$0x10100] =	vst v63  }
0x102: {  	_ = 	snop  }
0x103: {  	[tilespmem:s25], [sflag:$0x1] =	stream.indirect_vreg.gather [hbm4b:s6+s3], $0x80, v3, vm0, $0xb8;
	[tilespmem:$0x10100] =	vst v63  }
0x104: {  	_ =	swait.ge [sflag:s21], $0x8000  }
0x105: {  	[sflag:s21] =	ssyncset.done $0x0  }
0x106: {  	s0 =	rddreg [dreg:$0x7];
	[sflag:s21] =	ssyncadd.s32 $0xFFFF8000  }
0x107: {  	[hbm4b:s0+s3] =	stream.linear.scatter [tilespmem:s9], [sflag:$0x3], $0x8000, $0x38;
	[tilespmem:$0x10100] =	vst v63  }
0x108: {  	_ =	swait.ge [sflag:s8], $0x8000  }
0x109: {  	[sflag:s8] =	ssyncset.done $0x0  }
0x10a: {  	[sflag:s8] =	ssyncadd.s32 $0xFFFF8000  }
0x10b: {  	_ =	swait.ge [sflag:s28], $0x8000  }
0x10c: {  	p0 =	sne.s32 s7, $0x1;
	[sflag:s28] =	ssyncset.done $0x0  }
.Ltmp0:
0x10d: {  	s0 =	rddreg [dreg:$0x8];
	[sflag:s28] =	ssyncadd.s32 $0xFFFF8000;
	(pc) =	sbr.rel @p0 .LBB2_1-.Ltmp0, $4  }
0x10e: {  	[hbm4b:s0+s3] =	stream.linear.scatter [tilespmem:s29], [sflag:$0x3], $0x8000, $0x38;
	[tilespmem:$0x10100] =	vst v63  }
0x10f: {  	_ =	swait.ge [sflag:s8], $0x8000  }
0x110: {  	[sflag:s8] =	ssyncset.done $0x0  }
0x111: {  	s7 =	sadd.s32 $0xFFFFFFFF, s7;
	[sflag:s8] =	ssyncadd.s32 $0xFFFF8000  }
0x112: {  	_ =	sfence.sel $0x180000  }
0x113: {  	[bflag:$0x0] =	sbarrier.arrive $0xFFFF  }
0x114: {  	_ =	strace $0x90000047  }
0x115: {  	s0 =	stileid.u32;
	[bflag:$0x2] =	sbarrier.arrive $0xFFFF  }
0x116: {  	p0 =	sne.s32 s0, $0x0;
	s0 =	rddreg [dreg:$0x2]  }
0x117: {  	s0 =	sadd.s32 @!p0 $0x100000, s0  }
0x118: {  	[sflag:s0] =	ssyncadd.tile.s32 @!p0 $0x1;
	_ =	shalt  }
.Lfunc_end2:
_tile_overlayer_lowered:
.L_overlay_start_2:
0x119: {  	(tag) =	ssettag $0x2  }
0x11a: {  	s0 =	rddreg [dreg:$0x0];
	s2 =	stileid.u32  }
0x11b: {  	s1 =	rddreg [dreg:$0x1];
	p0 =	sne.s32 s2, $0x0  }
0x11c: {  	s3 =	rddreg [dreg:$0x2];
	[bflag:$0x3] =	sbarrier.arrive $0xFFFF;
	s2 =	simm.s32 @!p0 $0x1C03  }
0x11d: {  	[timem:s3], [sflag:s2] =	dma.local @!p0 [hbm:s0], s1  }
0x11e: {  	s0 =	simm.s32 @!p0 $0x3  }
0x11f: {  	_ =	swait.ge @!p0 [sflag:s0], s1  }
0x120: {  	s1 =	ssub.s32 @!p0 $0x0, s1;
	[sflag:s0] =	ssyncset.done @!p0 $0x0  }
0x121: {  	[sflag:s0] =	ssyncadd.s32 @!p0 s1  }
0x122: {  	[bflag:$0x3] =	sbarrier.arrive $0xFFFF  }
0x123: {  	_ =	shalt  }

// kernel: kernel.16.cloned.1.call-start
scs
__scs_entry_jumppad:
0x0: {  	(pc) =	sbr.rel $0x88, $3  }
0x1: {  	(tag) =	ssettag $0x0;
	lr =	simm.s32 $0x1  }
0x2: {  	[smem:$0x3F92] =	sst lr;
	_ =	strace $0xD0000000  }
0x3: {  	_ = 	snop  }
0x4: {  	_ = 	snop  }
0x5: {  	_ = 	snop  }
0x6: {  	_ = 	snop  }
0x7: {  	_ = 	snop  }
__scs_overlays_trampoline_lowered:
0x8: {  	[smem:$0x3FA1] =	sst s0  }
0x9: {  	[smem:$0x3FA2] =	sst s1  }
0xa: {  	[smem:$0x3FA3] =	sst s2  }
0xb: {  	[smem:$0x3FA4] =	sst s3  }
0xc: {  	[smem:$0x3FA5] =	sst s4  }
0xd: {  	[smem:$0x3FA6] =	sst s5  }
0xe: {  	[smem:$0x3FA7] =	sst s6  }
0xf: {  	[smem:$0x3FA8] =	sst s7  }
0x10: {  	[smem:$0x3FA9] =	sst s8  }
0x11: {  	[smem:$0x3FAA] =	sst s9;
	s0 =	simm.s32 @!p0 $0x0  }
0x12: {  	s1 =	sld [smem:$0x3F90];
	s0 =	simm.s32 @p0 $0x1  }
0x13: {  	[smem:$0x3FAB] =	sst s0;
	s0 =	simm.s32 @!p1 $0x0  }
0x14: {  	s2 =	sld [smem:$0x3F8F];
	s0 =	simm.s32 @p1 $0x1  }
0x15: {  	[smem:$0x3FAC] =	sst s0;
	s0 =	simm.s32 @!p2 $0x0  }
0x16: {  	s3 =	sld [smem:$0x3FDB];
	s0 =	simm.s32 @p2 $0x1  }
0x17: {  	s4 =	simm.s32 $0x1BF5;
	[smem:$0x3FAE] =	sst s0  }
0x18: {  	s0 =	sld [smem:$0x3F91];
	_ =	swait.ge [sflag:s4], $0x0  }
0x19: {  	s7 =	sld [smem:$0x3F92]  }
0x1a: {  	s8 =	sadd.s32 $0xFFFFE003, lr  }
0x1b: {  	s9 =	sadd.s32 $0xFFFFFEF7, lr;
	s5 =	simm.s32 $0xFFFFFFFF;
	p2 =	slt.u32 s8, $0xFFFFF086  }
0x1c: {  	p1 =	slt.u32 s9, $0xF7A;
	s5 =	simm.s32 @!p2 $0x0  }
0x1d: {  	s5 =	simm.s32 @p1 $0x1;
	p0 =	seq.s32 s7, s2  }
0x1e: {  	s7 =	smul.u32 @!p0 $0xF7A, s2;
	p2 =	seq.s32 @!p0 s5, $0x0  }
0x1f: {  	s9 =	smul.u32 $0xF7A, s1;
	s8 =	simm.s32 @!p0 $0x1BF5;
	p2 =	por !p2, p0  }
0x20: {  	[sflag:s8] =	ssyncset.s32 @!p0 $0xFFFFF086;
	s6 =	sadd.s32 @!p0 s3, s7;
	s7 =	simm.s32 @!p0 $0x108  }
0x21: {  	s3 =	sadd.s32 s3, s9;
	s6 =	sadd.s32 @!p0 $0x88, s6;
	s7 =	simm.s32 @p2 $0x1082  }
0x22: {  	[simem:s7], [sflag:s8] =	dma.local @!p0 [hbm:s6], $0xF7A  }
0x23: {  	s9 =	sor.u32 $0xD0000000, s2;
	s6 =	simm.s32 $0x108;
	_ =	swait.ge @!p0 [sflag:s8], $0x0  }
0x24: {  	s3 =	sadd.s32 $0x88, s3;
	s6 =	simm.s32 @!p1 $0x1082;
	[sflag:s4] =	ssyncset.s32 $0xFFFFF086  }
0x25: {  	[simem:s6], [sflag:s4] =	dma.local [hbm:s3], $0xF7A  }
0x26: {  	[smem:$0x3F92] =	sst s1;
	(tag) =	ssettag s2;
	_ =	strace s9  }
0x27: {  	s1 =	sld [smem:$0x3FA2]  }
0x28: {  	s2 =	sld [smem:$0x3FA3]  }
0x29: {  	s4 =	sld [smem:$0x3FA5]  }
0x2a: {  	p0 =	seq.s32 s5, $0x0;
	s5 =	sld [smem:$0x3FA6]  }
0x2b: {  	s6 =	sld [smem:$0x3FA7]  }
0x2c: {  	s7 =	sld [smem:$0x3FA8]  }
0x2d: {  	s3 =	simm.s32 $0x108;
	s8 =	sld [smem:$0x3FA9]  }
0x2e: {  	s3 =	simm.s32 @!p0 $0x1082;
	s9 =	sld [smem:$0x3FAA]  }
0x2f: {  	lr =	sadd.s32 s0, s3;
	s0 =	sld [smem:$0x3FA1]  }
0x30: {  	s3 =	sld [smem:$0x3FA4]  }
0x31: {  	[smem:$0x3FAD] =	sst s10  }
0x32: {  	s10 =	sld [smem:$0x3FAB];
	_ =	sdelay $0x3  }
0x33: {  	p0 =	seq.s32 s10, $0x1;
	s10 =	sld [smem:$0x3FAD];
	_ =	sdelay $0x3  }
0x34: {  	[smem:$0x3FAD] =	sst s10  }
0x35: {  	s10 =	sld [smem:$0x3FAC];
	_ =	sdelay $0x3  }
0x36: {  	p1 =	seq.s32 s10, $0x1;
	s10 =	sld [smem:$0x3FAD];
	_ =	sdelay $0x3  }
0x37: {  	[smem:$0x3FAD] =	sst s10  }
0x38: {  	s10 =	sld [smem:$0x3FAE]  }
0x39: {  	_ = 	snop;
	(pc) =	sbr.ind lr, $3  }
0x3a: {  	_ = 	snop  }
0x3b: {  	_ = 	snop  }
0x3c: {  	p2 =	seq.s32 s10, $0x1;
	s10 =	sld [smem:$0x3FAD]  }
0x3d: {  	_ =	shalt  }
0x3e: {  	_ =	shalt  }
0x3f: {  	_ =	shalt  }
0x40: {  	_ =	shalt  }
0x41: {  	_ =	shalt  }
0x42: {  	_ =	shalt  }
0x43: {  	_ =	shalt  }
0x44: {  	_ =	shalt  }
0x45: {  	_ =	shalt  }
0x46: {  	_ =	shalt  }
0x47: {  	_ =	shalt  }
0x48: {  	_ =	shalt  }
0x49: {  	_ =	shalt  }
0x4a: {  	_ =	shalt  }
0x4b: {  	_ =	shalt  }
0x4c: {  	_ =	shalt  }
0x4d: {  	_ =	shalt  }
0x4e: {  	_ =	shalt  }
0x4f: {  	_ =	shalt  }
0x50: {  	_ =	shalt  }
0x51: {  	_ =	shalt  }
0x52: {  	_ =	shalt  }
0x53: {  	_ =	shalt  }
0x54: {  	_ =	shalt  }
0x55: {  	_ =	shalt  }
0x56: {  	_ =	shalt  }
0x57: {  	_ =	shalt  }
0x58: {  	_ =	shalt  }
0x59: {  	_ =	shalt  }
0x5a: {  	_ =	shalt  }
0x5b: {  	_ =	shalt  }
0x5c: {  	_ =	shalt  }
0x5d: {  	_ =	shalt  }
0x5e: {  	_ =	shalt  }
0x5f: {  	_ =	shalt  }
0x60: {  	_ =	shalt  }
0x61: {  	_ =	shalt  }
0x62: {  	_ =	shalt  }
0x63: {  	_ =	shalt  }
0x64: {  	_ =	shalt  }
0x65: {  	_ =	shalt  }
0x66: {  	_ =	shalt  }
0x67: {  	_ =	shalt  }
0x68: {  	_ =	shalt  }
0x69: {  	_ =	shalt  }
0x6a: {  	_ =	shalt  }
0x6b: {  	_ =	shalt  }
0x6c: {  	_ =	shalt  }
0x6d: {  	_ =	shalt  }
0x6e: {  	_ =	shalt  }
0x6f: {  	_ =	shalt  }
0x70: {  	_ =	shalt  }
0x71: {  	_ =	shalt  }
0x72: {  	_ =	shalt  }
0x73: {  	_ =	shalt  }
0x74: {  	_ =	shalt  }
0x75: {  	_ =	shalt  }
0x76: {  	_ =	shalt  }
0x77: {  	_ =	shalt  }
0x78: {  	_ =	shalt  }
0x79: {  	_ =	shalt  }
0x7a: {  	_ =	shalt  }
0x7b: {  	_ =	shalt  }
0x7c: {  	_ =	shalt  }
0x7d: {  	_ =	shalt  }
0x7e: {  	_ =	shalt  }
0x7f: {  	_ =	shalt  }
0x80: {  	_ =	shalt  }
0x81: {  	_ =	shalt  }
0x82: {  	_ =	shalt  }
0x83: {  	_ =	shalt  }
0x84: {  	_ =	shalt  }
0x85: {  	_ =	shalt  }
0x86: {  	_ =	shalt  }
0x87: {  	_ =	shalt  }
.Lfunc_end0:
.L_simem_size_0:
called_computation.1_lowered:
.L_overlay_start_0:
0x88: {  	s2 =	sld [smem:$0x3FD9]  }
0x89: {  	s3 =	sld [smem:$0x3FFE];
	_ =	sdelay $0x1  }
0x8a: {  	s1 =	srdreg.scid  }
0x8b: {  	s0 =	sand.u32 $0x1, s1  }
0x8c: {  	s16 =	sshll.u32 s0, $0xA;
	s2 =	sadd.s32 s3, s2  }
0x8d: {  	s2 =	sadd.s32 s2, s16  }
0x8e: {  	[smem:$0x3FB9] =	sst s2  }
0x8f: {  	_ = 	snop  }
0x90: {  	(tm) =	ssettm $0x1  }
0x91: {  	s17 =	sld [smem:$0x3FFB];
	_ =	sdelay $0x3  }
0x92: {  	_ =	strace s17  }
0x93: {  	s2 =	sld [smem:$0x3FFC];
	_ =	sdelay $0x3  }
0x94: {  	_ =	strace s2  }
0x95: {  	s2 =	sld [smem:$0x3FFD];
	_ =	sdelay $0x3  }
0x96: {  	_ =	strace s2  }
0x97: {  	_ =	strace $0x8FFFFFFF  }
0x98: {  	s18 =	sld [smem:$0x3FDB];
	_ =	sdelay $0x1  }
0x99: {  	s19 =	simm.s32 $_scs_section_size  }
0x9a: {  	s4 =	simm.s32 $_size__tile_overlayer_lowered;
	s5 =	simm.s32 $_tile_overlayer_lowered  }
0x9b: {  	s22 =	simm.s32 $0x1BFF;
	s21 =	sshll.u32 s5, $0x1;
	s2 =	sadd.s32 s19, s18  }
0x9c: {  	s6 =	simm.s32 $0x0;
	s20 =	sshll.u32 s4, $0x1;
	s4 =	sadd.s32 s21, s2  }
0x9d: {  	[timem:s6], [sflag:s22] =	dma.local [hbm:s4], s20  }
0x9e: {  	_ =	swait.ge [sflag:s22], s20  }
0x9f: {  	s3 =	ssub.s32 $0x0, s20;
	[sflag:s22] =	ssyncset.done $0x0  }
0xa0: {  	[sflag:s22] =	ssyncadd.s32 s3;
	_ =	sdelay $0x1  }
0xa1: {  	s23 =	simm.s32 $0x1B8B  }
0xa2: {  	_ =	swait.ge [sflag:s23], $0x1  }
0xa3: {  	[sflag:s23] =	ssyncset.done $0x0  }
0xa4: {  	s25 =	simm.s32 $0x1B8E;
	s24 =	sld [smem:$0x3FFE];
	[sflag:s23] =	ssyncadd.s32 $0xFFFFFFFF  }
0xa5: {  	s26 =	simm.s32 $execute0_lowered;
	[smem:$0x3FD2] =	sst s25  }
0xa6: {  	s4 =	sshll.u32 s26, $0x1;
	_ =	strace $0x80000049;
	[dreg:$0x1] =	wrdreg $0xFFFFFFFF  }
0xa7: {  	s28 =	simm.s32 $_size_execute0_lowered;
	s2 =	sadd.s32 s2, s4;
	[dreg:$0x0] =	wrdreg $0x0  }
0xa8: {  	s4 =	sshll.u32 s28, $0x1;
	[dreg:$0x2] =	wrdreg s2  }
0xa9: {  	[dreg:$0x3] =	wrdreg s4  }
0xaa: {  	[dreg:$0x4] =	wrdreg $0xC0  }
0xab: {  	_ =	task [dreg:s6], $0x5FFFF  }
0xac: {  	[dreg:$0x1] =	wrdreg $0xFFFFFFFF  }
0xad: {  	[dreg:$0x0] =	wrdreg $0x60  }
0xae: {  	[dreg:$0x2] =	wrdreg s24  }
0xaf: {  	[dreg:$0x3] =	wrdreg $0x9  }
0xb0: {  	_ =	task.clear_ibuf [dreg:s6], $0x4FFFF;
	_ =	strace $0x90000049  }
0xb1: {  	s29 =	simm.s32 $0x9;
	_ =	strace $0x8000004B  }
0xb2: {  	_ =	swait.ge [sflag:s29], $0x1  }
0xb3: {  	[sflag:s29] =	ssyncadd.s32 $0xFFFFFFFF  }
0xb4: {  	_ =	strace $0x9000004B  }
0xb5: {  	_ =	sfence  }
0xb6: {  	s30 =	sld [smem:$0x0];
	_ =	sdelay $0x2  }
0xb7: {  	s31 =	sshll.u32 s1, $0xD;
	s1 =	sshrl.u32 s1, $0x2  }
0xb8: {  	s3 =	sand.u32 $0x4000, s31;
	s1 =	sadd.s32 s1, s30  }
0xb9: {  	s0 =	sor.u32 s3, s0;
	s1 =	sshll.u32 s1, $0x11  }
0xba: {  	s0 =	sor.u32 s1, s0  }
0xbb: {  	s0 =	sadd.s32 $0x8F2B, s0  }
0xbc: {  	[sflag:s0] =	ssyncadd.remote.s32 $0x1  }
0xbd: {  	_ =	sfence.sel $0xFFFF  }
0xbe: {  	[dreg:$0x0] =	wrdreg $0xFFFFFFFF;
	(pc) =	sbr.abs _section_cstart, $3  }
0xbf: {  	[dreg:$0x1] =	wrdreg $0xFFFFFFFF  }
0xc0: {  	_ =	task.clear_ibuf [dreg:s6], $0x2FFFF;
	_ =	strace $0x9FFFFFFF  }
0xc1: {  	(tm) =	ssettm $0x7FFFFFFF  }
tec
execute0_lowered:
.L_overlay_start_1:
0x0: {  	(tag) =	ssettag $0x1  }
0x1: {  	s0 =	srdreg.scid  }
0x2: {  	s2 =	stileid.u32;
	s1 =	rddreg [dreg:$0x0];
	s8 =	simm.s32 $0x3  }
0x3: {  	s9 =	simm.s32 $0x1;
	s19 =	simm.s32 $0x2;
	s21 =	simm.s32 $0x880  }
0x4: {  	s22 =	simm.s32 $0x1080;
	s23 =	simm.s32 $0x1880;
	s28 =	simm.s32 $0x3080  }
0x5: {  	s29 =	simm.s32 $0x3880;
	s30 =	simm.s32 $0x4080;
	s31 =	simm.s32 $0x4880  }
0x6: {  	s10 =	simm.s32 $0x6080;
	s11 =	simm.s32 $0x6880;
	s12 =	simm.s32 $0x7080  }
0x7: {  	s13 =	simm.s32 $0x7880;
	s18 =	simm.s32 $0x8080;
	s14 =	simm.s32 $0x8880  }
0x8: {  	s15 =	simm.s32 $0x9080;
	s16 =	simm.s32 $0x9880;
	s0 =	sand.u32 $0x1, s0  }
0x9: {  	s3 =	sshll.u32 s2, $0x8;
	s2 =	simm.s32 $0x0;
	s4 =	sshll.u32 s0, $0x7  }
0xa: {  	s17 =	simm.s32 $0xA080;
	[smem:$0x7FF] =	sst s2;
	s3 =	sor.u32 s4, s3  }
0xb: {  	s0 =	ssub.s32 $0x2, s0;
	_ =	strace $0x8000004A;
	s4 =	sshrl.u32 s3, $0x3  }
0xc: {  	s6 =	sshrl.u32 s0, $0x1;
	s5 =	sshll.u32 s3, $0x7;
	s4 =	sadd.s32 s4, s1  }
0xd: {  	s3 =	sadd.s32 $0xA0C00, s1;
	s5 =	sadd.s32 s5, s1;
	s4 =	sadd.s32 $0xA0A00, s4  }
0xe: {  	s0 =	ssub.s32 s0, s6;
	s24 =	sadd.s32 $0x600, s5;
	[dreg:$0x2] =	wrdreg s4  }
0xf: {  	s6 =	sadd.s32 $0xA0F00, s1;
	s25 =	sadd.s32 $0x1600, s5;
	[dreg:$0x3] =	wrdreg s24  }
0x10: {  	s26 =	sadd.s32 $0x2600, s5;
	s7 =	sadd.s32 $0x3600, s5;
	[dreg:$0x4] =	wrdreg s25  }
0x11: {  	v2 =	vlaneseq.u32;
	s5 =	sadd.s32 $0xA0E00, s1;
	s4 =	sadd.s32 $0xA0D00, s1;
	[dreg:$0x5] =	wrdreg s26  }
0x12: {  	vm0 =	vmmov $0xffff;
	v1 =	vshrl.u32 v2, $0x3;
	[dreg:$0x6] =	wrdreg s7;
	s7 =	smax.u32 s0, $0x1;
	s25 =	simm.s32 $0x80  }
0x13: {  	v0 =	vand.u32 $0x7, v2;
	v2 =	vor.u32 $0x8, v2;
	v1 =	vmul.u32 $0x8, v1;
	s24 =	simm.s32 $0x2080;
	s26 =	simm.s32 $0x2880;
	s1 =	simm.s32 $0x5080  }
.LBB2_1:
0x14: {  	s20 =	rddreg [dreg:$0x2]  }
0x15: {  	[tilespmem:s2], [sflag:$0x3] =	stream.linear.gather [hbm4b:s20+s2], $0x80, $0x38;
	[tilespmem:$0x10080] =	vst v63  }
0x16: {  	_ =	swait.ge [sflag:s8], $0x80  }
0x17: {  	[sflag:s8] =	ssyncset.done $0x0  }
0x18: {  	[sflag:s8] =	ssyncadd.s32 $0xFFFFFF80  }
0x19: {  	v3 =	vld [tilespmem:$0x0];
	_ =	sdelay $0x4  }
0x1a: {  	v4 =	vshll.u32 v3, $0x3  }
0x1b: {  	v3 =	vand.u32 $0x7, v3;
	v4 =	vand.u32 $0xFFFFFFC0, v4  }
0x1c: {  	v3 =	vor.u32 v3, v4  }
0x1d: {  	v4 =	vperm.xlane v3, v0;
	_ =	sdelay $0x1  }
0x1e: {  	v4 =	vadd.s32 v1, v4;
	_ =	sdelay $0x4  }
0x1f: {  	[tilespmem:s25], [sflag:$0x1] =	stream.indirect_vreg.gather [hbm4b:s3+s2], $0x80, v4, vm0, $0xb8;
	[tilespmem:$0x10080] =	vst v63  }
0x20: {  	v3 =	vperm.xlane v3, v2  }
0x21: {  	[tilespmem:s21], [sflag:$0x1] =	stream.indirect_vreg.gather [hbm4b:s4+s2], $0x80, v4, vm0, $0xb8;
	[tilespmem:$0x10080] =	vst v63  }
0x22: {  	v3 =	vadd.s32 v1, v3  }
0x23: {  	[tilespmem:s22], [sflag:$0x1] =	stream.indirect_vreg.gather [hbm4b:s5+s2], $0x80, v4, vm0, $0xb8;
	[tilespmem:$0x10080] =	vst v63  }
0x24: {  	_ = 	snop  }
0x25: {  	[tilespmem:s23], [sflag:$0x1] =	stream.indirect_vreg.gather [hbm4b:s6+s2], $0x80, v4, vm0, $0xb8;
	[tilespmem:$0x10080] =	vst v63  }
0x26: {  	_ = 	snop  }
0x27: {  	[tilespmem:s24], [sflag:$0x1] =	stream.indirect_vreg.gather [hbm4b:s3+s2], $0x80, v3, vm0, $0xb8;
	[tilespmem:$0x10080] =	vst v63  }
0x28: {  	_ = 	snop  }
0x29: {  	[tilespmem:s26], [sflag:$0x1] =	stream.indirect_vreg.gather [hbm4b:s4+s2], $0x80, v3, vm0, $0xb8;
	[tilespmem:$0x10080] =	vst v63  }
0x2a: {  	_ = 	snop  }
0x2b: {  	[tilespmem:s28], [sflag:$0x1] =	stream.indirect_vreg.gather [hbm4b:s5+s2], $0x80, v3, vm0, $0xb8;
	[tilespmem:$0x10080] =	vst v63  }
0x2c: {  	_ = 	snop  }
0x2d: {  	[tilespmem:s29], [sflag:$0x1] =	stream.indirect_vreg.gather [hbm4b:s6+s2], $0x80, v3, vm0, $0xb8;
	[tilespmem:$0x10080] =	vst v63  }
0x2e: {  	v3 =	vld [tilespmem:$0x10];
	_ =	sdelay $0x4  }
0x2f: {  	v57 =	vshll.u32 v3, $0x3  }
0x30: {  	v3 =	vand.u32 $0x7, v3;
	v4 =	vand.u32 $0xFFFFFFC0, v57  }
0x31: {  	v3 =	vor.u32 v3, v4  }
0x32: {  	v4 =	vperm.xlane v3, v0;
	_ =	sdelay $0x1  }
0x33: {  	v4 =	vadd.s32 v1, v4;
	_ =	sdelay $0x4  }
0x34: {  	[tilespmem:s30], [sflag:$0x1] =	stream.indirect_vreg.gather [hbm4b:s3+s2], $0x80, v4, vm0, $0xb8;
	[tilespmem:$0x10080] =	vst v63  }
0x35: {  	v3 =	vperm.xlane v3, v2  }
0x36: {  	[tilespmem:s31], [sflag:$0x1] =	stream.indirect_vreg.gather [hbm4b:s4+s2], $0x80, v4, vm0, $0xb8;
	[tilespmem:$0x10080] =	vst v63  }
0x37: {  	v3 =	vadd.s32 v1, v3  }
0x38: {  	[tilespmem:s1], [sflag:$0x1] =	stream.indirect_vreg.gather [hbm4b:s5+s2], $0x80, v4, vm0, $0xb8;
	[tilespmem:$0x10080] =	vst v63  }
0x39: {  	s0 =	simm.s32 $0x5880  }
0x3a: {  	[tilespmem:s0], [sflag:$0x1] =	stream.indirect_vreg.gather [hbm4b:s6+s2], $0x80, v4, vm0, $0xb8;
	[tilespmem:$0x10080] =	vst v63  }
0x3b: {  	_ = 	snop  }
0x3c: {  	[tilespmem:s10], [sflag:$0x1] =	stream.indirect_vreg.gather [hbm4b:s3+s2], $0x80, v3, vm0, $0xb8;
	[tilespmem:$0x10080] =	vst v63  }
0x3d: {  	_ = 	snop  }
0x3e: {  	[tilespmem:s11], [sflag:$0x1] =	stream.indirect_vreg.gather [hbm4b:s4+s2], $0x80, v3, vm0, $0xb8;
	[tilespmem:$0x10080] =	vst v63  }
0x3f: {  	_ = 	snop  }
0x40: {  	[tilespmem:s12], [sflag:$0x1] =	stream.indirect_vreg.gather [hbm4b:s5+s2], $0x80, v3, vm0, $0xb8;
	[tilespmem:$0x10080] =	vst v63  }
0x41: {  	_ = 	snop  }
0x42: {  	[tilespmem:s13], [sflag:$0x1] =	stream.indirect_vreg.gather [hbm4b:s6+s2], $0x80, v3, vm0, $0xb8;
	[tilespmem:$0x10080] =	vst v63  }
0x43: {  	v3 =	vld [tilespmem:$0x20];
	_ =	sdelay $0x4  }
0x44: {  	v58 =	vshll.u32 v3, $0x3  }
0x45: {  	v3 =	vand.u32 $0x7, v3;
	v4 =	vand.u32 $0xFFFFFFC0, v58  }
0x46: {  	v3 =	vor.u32 v3, v4  }
0x47: {  	v4 =	vperm.xlane v3, v0;
	_ =	sdelay $0x1  }
0x48: {  	v4 =	vadd.s32 v1, v4;
	_ =	sdelay $0x4  }
0x49: {  	[tilespmem:s18], [sflag:$0x2] =	stream.indirect_vreg.gather [hbm4b:s3+s2], $0x80, v4, vm0, $0xb8;
	[tilespmem:$0x10080] =	vst v63  }
0x4a: {  	v3 =	vperm.xlane v3, v2  }
0x4b: {  	[tilespmem:s14], [sflag:$0x2] =	stream.indirect_vreg.gather [hbm4b:s4+s2], $0x80, v4, vm0, $0xb8;
	[tilespmem:$0x10080] =	vst v63  }
0x4c: {  	v3 =	vadd.s32 v1, v3  }
0x4d: {  	[tilespmem:s15], [sflag:$0x2] =	stream.indirect_vreg.gather [hbm4b:s5+s2], $0x80, v4, vm0, $0xb8;
	[tilespmem:$0x10080] =	vst v63  }
0x4e: {  	_ = 	snop  }
0x4f: {  	[tilespmem:s16], [sflag:$0x2] =	stream.indirect_vreg.gather [hbm4b:s6+s2], $0x80, v4, vm0, $0xb8;
	[tilespmem:$0x10080] =	vst v63  }
0x50: {  	_ = 	snop  }
0x51: {  	[tilespmem:s17], [sflag:$0x2] =	stream.indirect_vreg.gather [hbm4b:s3+s2], $0x80, v3, vm0, $0xb8;
	[tilespmem:$0x10080] =	vst v63  }
0x52: {  	s20 =	simm.s32 $0xA880  }
0x53: {  	[tilespmem:s20], [sflag:$0x2] =	stream.indirect_vreg.gather [hbm4b:s4+s2], $0x80, v3, vm0, $0xb8;
	[tilespmem:$0x10080] =	vst v63  }
0x54: {  	s20 =	simm.s32 $0xB080  }
0x55: {  	[tilespmem:s20], [sflag:$0x2] =	stream.indirect_vreg.gather [hbm4b:s5+s2], $0x80, v3, vm0, $0xb8;
	[tilespmem:$0x10080] =	vst v63  }
0x56: {  	s20 =	simm.s32 $0xB880  }
0x57: {  	[tilespmem:s20], [sflag:$0x2] =	stream.indirect_vreg.gather [hbm4b:s6+s2], $0x80, v3, vm0, $0xb8;
	[tilespmem:$0x10080] =	vst v63  }
0x58: {  	v3 =	vld [tilespmem:$0x30];
	_ =	sdelay $0x4  }
0x59: {  	v59 =	vshll.u32 v3, $0x3  }
0x5a: {  	v3 =	vand.u32 $0x7, v3;
	v4 =	vand.u32 $0xFFFFFFC0, v59  }
0x5b: {  	v3 =	vor.u32 v3, v4  }
0x5c: {  	v4 =	vperm.xlane v3, v0;
	_ =	sdelay $0x1  }
0x5d: {  	v4 =	vadd.s32 v1, v4;
	_ =	sdelay $0x3  }
0x5e: {  	s20 =	simm.s32 $0xC080  }
0x5f: {  	[tilespmem:s20], [sflag:$0x2] =	stream.indirect_vreg.gather [hbm4b:s3+s2], $0x80, v4, vm0, $0xb8;
	[tilespmem:$0x10080] =	vst v63  }
0x60: {  	v3 =	vperm.xlane v3, v2;
	s20 =	simm.s32 $0xC880  }
0x61: {  	[tilespmem:s20], [sflag:$0x2] =	stream.indirect_vreg.gather [hbm4b:s4+s2], $0x80, v4, vm0, $0xb8;
	[tilespmem:$0x10080] =	vst v63  }
0x62: {  	v3 =	vadd.s32 v1, v3;
	s20 =	simm.s32 $0xD080  }
0x63: {  	[tilespmem:s20], [sflag:$0x2] =	stream.indirect_vreg.gather [hbm4b:s5+s2], $0x80, v4, vm0, $0xb8;
	[tilespmem:$0x10080] =	vst v63  }
0x64: {  	s20 =	simm.s32 $0xD880  }
0x65: {  	[tilespmem:s20], [sflag:$0x2] =	stream.indirect_vreg.gather [hbm4b:s6+s2], $0x80, v4, vm0, $0xb8;
	[tilespmem:$0x10080] =	vst v63  }
0x66: {  	s20 =	simm.s32 $0xE080  }
0x67: {  	[tilespmem:s20], [sflag:$0x2] =	stream.indirect_vreg.gather [hbm4b:s3+s2], $0x80, v3, vm0, $0xb8;
	[tilespmem:$0x10080] =	vst v63  }
0x68: {  	s20 =	simm.s32 $0xE880  }
0x69: {  	[tilespmem:s20], [sflag:$0x2] =	stream.indirect_vreg.gather [hbm4b:s4+s2], $0x80, v3, vm0, $0xb8;
	[tilespmem:$0x10080] =	vst v63  }
0x6a: {  	s20 =	simm.s32 $0xF080  }
0x6b: {  	[tilespmem:s20], [sflag:$0x2] =	stream.indirect_vreg.gather [hbm4b:s5+s2], $0x80, v3, vm0, $0xb8;
	[tilespmem:$0x10080] =	vst v63  }
0x6c: {  	s20 =	simm.s32 $0xF880  }
0x6d: {  	[tilespmem:s20], [sflag:$0x2] =	stream.indirect_vreg.gather [hbm4b:s6+s2], $0x80, v3, vm0, $0xb8;
	[tilespmem:$0x10080] =	vst v63  }
0x6e: {  	_ =	swait.ge [sflag:s9], $0x8000  }
0x6f: {  	[sflag:s9] =	ssyncset.done $0x0  }
0x70: {  	s20 =	rddreg [dreg:$0x3];
	[sflag:s9] =	ssyncadd.s32 $0xFFFF8000  }
0x71: {  	[hbm4b:s20+s2] =	stream.linear.scatter [tilespmem:s25], [sflag:$0x3], $0x8000, $0x38;
	[tilespmem:$0x10080] =	vst v63  }
0x72: {  	_ =	swait.ge [sflag:s8], $0x8000  }
0x73: {  	[sflag:s8] =	ssyncset.done $0x0  }
0x74: {  	[sflag:s8] =	ssyncadd.s32 $0xFFFF8000  }
0x75: {  	v3 =	vld [tilespmem:$0x40];
	_ =	sdelay $0x4  }
0x76: {  	v60 =	vshll.u32 v3, $0x3  }
0x77: {  	v3 =	vand.u32 $0x7, v3;
	v4 =	vand.u32 $0xFFFFFFC0, v60  }
0x78: {  	v3 =	vor.u32 v3, v4  }
0x79: {  	v4 =	vperm.xlane v3, v0;
	_ =	sdelay $0x1  }
0x7a: {  	v4 =	vadd.s32 v1, v4;
	_ =	sdelay $0x4  }
0x7b: {  	[tilespmem:s25], [sflag:$0x1] =	stream.indirect_vreg.gather [hbm4b:s3+s2], $0x80, v4, vm0, $0xb8;
	[tilespmem:$0x10080] =	vst v63  }
0x7c: {  	v3 =	vperm.xlane v3, v2  }
0x7d: {  	[tilespmem:s21], [sflag:$0x1] =	stream.indirect_vreg.gather [hbm4b:s4+s2], $0x80, v4, vm0, $0xb8;
	[tilespmem:$0x10080] =	vst v63  }
0x7e: {  	v3 =	vadd.s32 v1, v3  }
0x7f: {  	[tilespmem:s22], [sflag:$0x1] =	stream.indirect_vreg.gather [hbm4b:s5+s2], $0x80, v4, vm0, $0xb8;
	[tilespmem:$0x10080] =	vst v63  }
0x80: {  	_ = 	snop  }
0x81: {  	[tilespmem:s23], [sflag:$0x1] =	stream.indirect_vreg.gather [hbm4b:s6+s2], $0x80, v4, vm0, $0xb8;
	[tilespmem:$0x10080] =	vst v63  }
0x82: {  	_ = 	snop  }
0x83: {  	[tilespmem:s24], [sflag:$0x1] =	stream.indirect_vreg.gather [hbm4b:s3+s2], $0x80, v3, vm0, $0xb8;
	[tilespmem:$0x10080] =	vst v63  }
0x84: {  	_ = 	snop  }
0x85: {  	[tilespmem:s26], [sflag:$0x1] =	stream.indirect_vreg.gather [hbm4b:s4+s2], $0x80, v3, vm0, $0xb8;
	[tilespmem:$0x10080] =	vst v63  }
0x86: {  	_ = 	snop  }
0x87: {  	[tilespmem:s28], [sflag:$0x1] =	stream.indirect_vreg.gather [hbm4b:s5+s2], $0x80, v3, vm0, $0xb8;
	[tilespmem:$0x10080] =	vst v63  }
0x88: {  	_ = 	snop  }
0x89: {  	[tilespmem:s29], [sflag:$0x1] =	stream.indirect_vreg.gather [hbm4b:s6+s2], $0x80, v3, vm0, $0xb8;
	[tilespmem:$0x10080] =	vst v63  }
0x8a: {  	v3 =	vld [tilespmem:$0x50];
	_ =	sdelay $0x4  }
0x8b: {  	v61 =	vshll.u32 v3, $0x3  }
0x8c: {  	v3 =	vand.u32 $0x7, v3;
	v4 =	vand.u32 $0xFFFFFFC0, v61  }
0x8d: {  	v3 =	vor.u32 v3, v4  }
0x8e: {  	v4 =	vperm.xlane v3, v0;
	_ =	sdelay $0x1  }
0x8f: {  	v4 =	vadd.s32 v1, v4;
	_ =	sdelay $0x4  }
0x90: {  	[tilespmem:s30], [sflag:$0x1] =	stream.indirect_vreg.gather [hbm4b:s3+s2], $0x80, v4, vm0, $0xb8;
	[tilespmem:$0x10080] =	vst v63  }
0x91: {  	v3 =	vperm.xlane v3, v2  }
0x92: {  	[tilespmem:s31], [sflag:$0x1] =	stream.indirect_vreg.gather [hbm4b:s4+s2], $0x80, v4, vm0, $0xb8;
	[tilespmem:$0x10080] =	vst v63  }
0x93: {  	v3 =	vadd.s32 v1, v3  }
0x94: {  	[tilespmem:s1], [sflag:$0x1] =	stream.indirect_vreg.gather [hbm4b:s5+s2], $0x80, v4, vm0, $0xb8;
	[tilespmem:$0x10080] =	vst v63  }
0x95: {  	_ = 	snop  }
0x96: {  	[tilespmem:s0], [sflag:$0x1] =	stream.indirect_vreg.gather [hbm4b:s6+s2], $0x80, v4, vm0, $0xb8;
	[tilespmem:$0x10080] =	vst v63  }
0x97: {  	_ = 	snop  }
0x98: {  	[tilespmem:s10], [sflag:$0x1] =	stream.indirect_vreg.gather [hbm4b:s3+s2], $0x80, v3, vm0, $0xb8;
	[tilespmem:$0x10080] =	vst v63  }
0x99: {  	_ = 	snop  }
0x9a: {  	[tilespmem:s11], [sflag:$0x1] =	stream.indirect_vreg.gather [hbm4b:s4+s2], $0x80, v3, vm0, $0xb8;
	[tilespmem:$0x10080] =	vst v63  }
0x9b: {  	_ = 	snop  }
0x9c: {  	[tilespmem:s12], [sflag:$0x1] =	stream.indirect_vreg.gather [hbm4b:s5+s2], $0x80, v3, vm0, $0xb8;
	[tilespmem:$0x10080] =	vst v63  }
0x9d: {  	_ = 	snop  }
0x9e: {  	[tilespmem:s13], [sflag:$0x1] =	stream.indirect_vreg.gather [hbm4b:s6+s2], $0x80, v3, vm0, $0xb8;
	[tilespmem:$0x10080] =	vst v63  }
0x9f: {  	_ =	swait.ge [sflag:s19], $0x8000  }
0xa0: {  	[sflag:s19] =	ssyncset.done $0x0  }
0xa1: {  	s0 =	rddreg [dreg:$0x4];
	[sflag:s19] =	ssyncadd.s32 $0xFFFF8000  }
0xa2: {  	[hbm4b:s0+s2] =	stream.linear.scatter [tilespmem:s18], [sflag:$0x3], $0x8000, $0x38;
	[tilespmem:$0x10080] =	vst v63  }
0xa3: {  	_ =	swait.ge [sflag:s8], $0x8000  }
0xa4: {  	[sflag:s8] =	ssyncset.done $0x0  }
0xa5: {  	[sflag:s8] =	ssyncadd.s32 $0xFFFF8000  }
0xa6: {  	v3 =	vld [tilespmem:$0x60];
	_ =	sdelay $0x4  }
0xa7: {  	v62 =	vshll.u32 v3, $0x3  }
0xa8: {  	v3 =	vand.u32 $0x7, v3;
	v4 =	vand.u32 $0xFFFFFFC0, v62  }
0xa9: {  	v3 =	vor.u32 v3, v4  }
0xaa: {  	v4 =	vperm.xlane v3, v0;
	_ =	sdelay $0x1  }
0xab: {  	v4 =	vadd.s32 v1, v4;
	_ =	sdelay $0x4  }
0xac: {  	[tilespmem:s18], [sflag:$0x2] =	stream.indirect_vreg.gather [hbm4b:s3+s2], $0x80, v4, vm0, $0xb8;
	[tilespmem:$0x10080] =	vst v63  }
0xad: {  	v3 =	vperm.xlane v3, v2  }
0xae: {  	[tilespmem:s14], [sflag:$0x2] =	stream.indirect_vreg.gather [hbm4b:s4+s2], $0x80, v4, vm0, $0xb8;
	[tilespmem:$0x10080] =	vst v63  }
0xaf: {  	v3 =	vadd.s32 v1, v3  }
0xb0: {  	[tilespmem:s15], [sflag:$0x2] =	stream.indirect_vreg.gather [hbm4b:s5+s2], $0x80, v4, vm0, $0xb8;
	[tilespmem:$0x10080] =	vst v63  }
0xb1: {  	_ = 	snop  }
0xb2: {  	[tilespmem:s16], [sflag:$0x2] =	stream.indirect_vreg.gather [hbm4b:s6+s2], $0x80, v4, vm0, $0xb8;
	[tilespmem:$0x10080] =	vst v63  }
0xb3: {  	_ = 	snop  }
0xb4: {  	[tilespmem:s17], [sflag:$0x2] =	stream.indirect_vreg.gather [hbm4b:s3+s2], $0x80, v3, vm0, $0xb8;
	[tilespmem:$0x10080] =	vst v63  }
0xb5: {  	s20 =	simm.s32 $0xA880  }
0xb6: {  	[tilespmem:s20], [sflag:$0x2] =	stream.indirect_vreg.gather [hbm4b:s4+s2], $0x80, v3, vm0, $0xb8;
	[tilespmem:$0x10080] =	vst v63  }
0xb7: {  	s20 =	simm.s32 $0xB080  }
0xb8: {  	[tilespmem:s20], [sflag:$0x2] =	stream.indirect_vreg.gather [hbm4b:s5+s2], $0x80, v3, vm0, $0xb8;
	[tilespmem:$0x10080] =	vst v63  }
0xb9: {  	s20 =	simm.s32 $0xB880  }
0xba: {  	[tilespmem:s20], [sflag:$0x2] =	stream.indirect_vreg.gather [hbm4b:s6+s2], $0x80, v3, vm0, $0xb8;
	[tilespmem:$0x10080] =	vst v63  }
0xbb: {  	v3 =	vld [tilespmem:$0x70];
	_ =	sdelay $0x4  }
0xbc: {  	v63 =	vshll.u32 v3, $0x3  }
0xbd: {  	v3 =	vand.u32 $0x7, v3;
	v4 =	vand.u32 $0xFFFFFFC0, v63  }
0xbe: {  	v3 =	vor.u32 v3, v4  }
0xbf: {  	v4 =	vperm.xlane v3, v0;
	_ =	sdelay $0x1  }
0xc0: {  	v4 =	vadd.s32 v1, v4;
	_ =	sdelay $0x3  }
0xc1: {  	s20 =	simm.s32 $0xC080  }
0xc2: {  	[tilespmem:s20], [sflag:$0x2] =	stream.indirect_vreg.gather [hbm4b:s3+s2], $0x80, v4, vm0, $0xb8;
	[tilespmem:$0x10080] =	vst v63  }
0xc3: {  	v3 =	vperm.xlane v3, v2;
	s20 =	simm.s32 $0xC880  }
0xc4: {  	[tilespmem:s20], [sflag:$0x2] =	stream.indirect_vreg.gather [hbm4b:s4+s2], $0x80, v4, vm0, $0xb8;
	[tilespmem:$0x10080] =	vst v63  }
0xc5: {  	v3 =	vadd.s32 v1, v3;
	s20 =	simm.s32 $0xD080  }
0xc6: {  	[tilespmem:s20], [sflag:$0x2] =	stream.indirect_vreg.gather [hbm4b:s5+s2], $0x80, v4, vm0, $0xb8;
	[tilespmem:$0x10080] =	vst v63  }
0xc7: {  	s20 =	simm.s32 $0xD880  }
0xc8: {  	[tilespmem:s20], [sflag:$0x2] =	stream.indirect_vreg.gather [hbm4b:s6+s2], $0x80, v4, vm0, $0xb8;
	[tilespmem:$0x10080] =	vst v63  }
0xc9: {  	s20 =	simm.s32 $0xE080  }
0xca: {  	[tilespmem:s20], [sflag:$0x2] =	stream.indirect_vreg.gather [hbm4b:s3+s2], $0x80, v3, vm0, $0xb8;
	[tilespmem:$0x10080] =	vst v63  }
0xcb: {  	s20 =	simm.s32 $0xE880  }
0xcc: {  	[tilespmem:s20], [sflag:$0x2] =	stream.indirect_vreg.gather [hbm4b:s4+s2], $0x80, v3, vm0, $0xb8;
	[tilespmem:$0x10080] =	vst v63  }
0xcd: {  	s20 =	simm.s32 $0xF080  }
0xce: {  	[tilespmem:s20], [sflag:$0x2] =	stream.indirect_vreg.gather [hbm4b:s5+s2], $0x80, v3, vm0, $0xb8;
	[tilespmem:$0x10080] =	vst v63  }
0xcf: {  	s20 =	simm.s32 $0xF880  }
0xd0: {  	[tilespmem:s20], [sflag:$0x2] =	stream.indirect_vreg.gather [hbm4b:s6+s2], $0x80, v3, vm0, $0xb8;
	[tilespmem:$0x10080] =	vst v63  }
0xd1: {  	_ =	swait.ge [sflag:s9], $0x8000  }
0xd2: {  	[sflag:s9] =	ssyncset.done $0x0  }
0xd3: {  	s0 =	rddreg [dreg:$0x5];
	[sflag:s9] =	ssyncadd.s32 $0xFFFF8000  }
0xd4: {  	[hbm4b:s0+s2] =	stream.linear.scatter [tilespmem:s25], [sflag:$0x3], $0x8000, $0x38;
	[tilespmem:$0x10080] =	vst v63  }
0xd5: {  	_ =	swait.ge [sflag:s8], $0x8000  }
0xd6: {  	[sflag:s8] =	ssyncset.done $0x0  }
0xd7: {  	[sflag:s8] =	ssyncadd.s32 $0xFFFF8000  }
0xd8: {  	_ =	swait.ge [sflag:s19], $0x8000  }
0xd9: {  	p0 =	sne.s32 s7, $0x1;
	[sflag:s19] =	ssyncset.done $0x0  }
.Ltmp0:
0xda: {  	s0 =	rddreg [dreg:$0x6];
	[sflag:s19] =	ssyncadd.s32 $0xFFFF8000;
	(pc) =	sbr.rel @p0 .LBB2_1-.Ltmp0, $4  }
0xdb: {  	[hbm4b:s0+s2] =	stream.linear.scatter [tilespmem:s18], [sflag:$0x3], $0x8000, $0x38;
	[tilespmem:$0x10080] =	vst v63  }
0xdc: {  	_ =	swait.ge [sflag:s8], $0x8000  }
0xdd: {  	[sflag:s8] =	ssyncset.done $0x0  }
0xde: {  	s7 =	sadd.s32 $0xFFFFFFFF, s7;
	[sflag:s8] =	ssyncadd.s32 $0xFFFF8000  }
0xdf: {  	_ =	sfence.sel $0x180000  }
0xe0: {  	[bflag:$0x0] =	sbarrier.arrive $0xFFFF  }
0xe1: {  	_ =	strace $0x9000004A  }
0xe2: {  	s0 =	stileid.u32;
	[bflag:$0x2] =	sbarrier.arrive $0xFFFF  }
0xe3: {  	p0 =	sne.s32 s0, $0x0;
	s0 =	rddreg [dreg:$0x1]  }
0xe4: {  	s0 =	sadd.s32 @!p0 $0x100000, s0  }
0xe5: {  	[sflag:s0] =	ssyncadd.tile.s32 @!p0 $0x1;
	_ =	shalt  }
.Lfunc_end2:
_tile_overlayer_lowered:
.L_overlay_start_2:
0xe6: {  	(tag) =	ssettag $0x2  }
0xe7: {  	s0 =	rddreg [dreg:$0x0];
	s2 =	stileid.u32  }
0xe8: {  	s1 =	rddreg [dreg:$0x1];
	p0 =	sne.s32 s2, $0x0  }
0xe9: {  	s3 =	rddreg [dreg:$0x2];
	[bflag:$0x3] =	sbarrier.arrive $0xFFFF;
	s2 =	simm.s32 @!p0 $0x1C03  }
0xea: {  	[timem:s3], [sflag:s2] =	dma.local @!p0 [hbm:s0], s1  }
0xeb: {  	s0 =	simm.s32 @!p0 $0x3  }
0xec: {  	_ =	swait.ge @!p0 [sflag:s0], s1  }
0xed: {  	s1 =	ssub.s32 @!p0 $0x0, s1;
	[sflag:s0] =	ssyncset.done @!p0 $0x0  }
0xee: {  	[sflag:s0] =	ssyncadd.s32 @!p0 s1  }
0xef: {  	[bflag:$0x3] =	sbarrier.arrive $0xFFFF  }
0xf0: {  	_ =	shalt  }

</sc_bundles>
